<compile_context>
chip_gen: v7x
topology: tpu7x:2x2x1
jax: 0.10.2.dev20260603
libtpu: 0.0.44.dev20260713+nightly
codegen_flags: <defaults>
</compile_context>

<pallas_src>
import functools

import jax
import jax.numpy as jnp
from jax import lax
from jax.experimental import pallas as pl
from jax.experimental.pallas import tpu as pltpu
from jax.experimental.pallas import tpu_sc as plsc

N = 524288
M = 16384
NC = 2
NS = 16
L = 16
NW = NC * NS
K = N // NW
SLC = M // NS
TS = 8192
NT = K // TS
LCAP = TS + 256
Q = K // 2

_mesh = plsc.VectorSubcoreMesh(core_axis_name="c", subcore_axis_name="s")
_params = pltpu.CompilerParams(needs_layout_passes=False)


@functools.partial(
    pl.kernel,
    out_type=(jax.ShapeDtypeStruct((2 * M,), jnp.float32),
              jax.ShapeDtypeStruct((2 * M,), jnp.float32)),
    mesh=_mesh,
    compiler_params=_params,
    scratch_types=[
        pltpu.VMEM((TS,), jnp.float32),
        pltpu.VMEM((TS,), jnp.float32),
        pltpu.VMEM((TS,), jnp.float32),
        pltpu.VMEM((TS,), jnp.float32),
        pltpu.VMEM((TS,), jnp.int32),
        pltpu.VMEM((TS,), jnp.int32),
        pltpu.VMEM((TS + L,), jnp.int32),
        pltpu.VMEM((TS + L,), jnp.int32),
        pltpu.VMEM((SLC,), jnp.float32),
        pltpu.VMEM((LCAP,), jnp.int32),
        pltpu.VMEM((LCAP,), jnp.float32),
        pltpu.VMEM((LCAP,), jnp.float32),
        pltpu.VMEM((LCAP,), jnp.int32),
        pltpu.VMEM((LCAP,), jnp.float32),
        pltpu.VMEM((LCAP,), jnp.float32),
        pltpu.VMEM_SHARED((M,), jnp.float32),
        pltpu.VMEM_SHARED((M,), jnp.float32),
        pltpu.SemaphoreType.DMA,
        pltpu.SemaphoreType.DMA,
        pltpu.SemaphoreType.DMA,
    ],
)
def _partial_sums(en_hbm, hd_hbm, fc_hbm, seg_hbm, npart_hbm, dpart_hbm,
                  en_a, en_b, hd_a, hd_b, fc_a, fc_b, seg_a, seg_b, zb_v,
                  pi_v, pn_v, pd_v, mi_v, mn_v, md_v,
                  nacc_sh, dacc_sh, sem_st, sem_sc, sem_z):
    c = lax.axis_index("c")
    s = lax.axis_index("s")
    w = s * NC + c
    base = w * K

    ens = (en_a, en_b)
    hds = (hd_a, hd_b)
    fcs = (fc_a, fc_b)
    segs = (seg_a, seg_b)

    zi16 = jnp.zeros((L,), jnp.int32)
    zf16 = jnp.zeros((L,), jnp.float32)
    l15 = lax.iota(jnp.int32, L) == (L - 1)

    def stage(t):
        tb = base + t * TS
        cps = [pltpu.async_copy(en_hbm.at[pl.ds(tb, TS)], ens[t % 2], sem_st),
               pltpu.async_copy(hd_hbm.at[pl.ds(tb, TS)], hds[t % 2], sem_st),
               pltpu.async_copy(fc_hbm.at[pl.ds(tb, TS)], fcs[t % 2], sem_st)]
        if t < NT - 1:
            cps.append(pltpu.async_copy(seg_hbm.at[pl.ds(tb, TS + L)],
                                        segs[t % 2], sem_st))
        else:
            @pl.when(w < NW - 1)
            def _():
                pltpu.sync_copy(seg_hbm.at[pl.ds(tb, TS + L)], segs[t % 2])

            @pl.when(w == NW - 1)
            def _():
                pltpu.sync_copy(seg_hbm.at[pl.ds(tb, TS)],
                                segs[t % 2].at[pl.ds(0, TS)])
        return cps

    @plsc.parallel_loop(0, SLC, L, unroll=8)
    def zinit(i):
        zb_v[pl.ds(i, L)] = zf16

    zcps = [pltpu.async_copy(zb_v, nacc_sh.at[pl.ds(s * SLC, SLC)], sem_z),
            pltpu.async_copy(zb_v, dacc_sh.at[pl.ds(s * SLC, SLC)], sem_z)]
    pending = {0: stage(0), 1: stage(1)}
    for cp in zcps:
        cp.wait()
    plsc.subcore_barrier()

    for t in range(NT):
        for cp in pending.pop(t):
            cp.wait()
        en_v, hd_v, fc_v, seg_v = ens[t % 2], hds[t % 2], fcs[t % 2], segs[t % 2]

        @plsc.parallel_loop(0, TS, L, unroll=4,
                            carry=(jnp.int32(0), jnp.int32(0)))
        def grp(i, ptrs):
            pp, mp = ptrs
            sg = seg_v[pl.ds(i, L)]
            sgn = seg_v[pl.ds(i + 1, L)]
            en = en_v[pl.ds(i, L)]
            hd = hd_v[pl.ds(i, L)]
            inv = 1.0 / hd
            fcf = fc_v[pl.ds(i, L)].astype(jnp.float32)
            cs_n = plsc.cumsum(en * inv + fcf)
            cs_d = plsc.cumsum(inv)
            mb = sg != sgn
            plus_m = mb | l15
            minus_m = mb & jnp.logical_not(l15)
            plsc.store_compressed(pi_v.at[pl.ds(pp, L)], sg, mask=plus_m)
            plsc.store_compressed(pn_v.at[pl.ds(pp, L)], cs_n, mask=plus_m)
            plsc.store_compressed(pd_v.at[pl.ds(pp, L)], cs_d, mask=plus_m)
            plsc.store_compressed(mi_v.at[pl.ds(mp, L)], sgn, mask=minus_m)
            plsc.store_compressed(mn_v.at[pl.ds(mp, L)], -cs_n, mask=minus_m)
            plsc.store_compressed(md_v.at[pl.ds(mp, L)], -cs_d, mask=minus_m)
            pc = jnp.sum(plus_m.astype(jnp.int32))
            mc = jnp.sum(minus_m.astype(jnp.int32))
            return (pp + pc, mp + mc)

        pp, mp = grp

        if t + 2 < NT:
            pending[t + 2] = stage(t + 2)

        for q in range(8):
            pi_v[pl.ds(pp + q * L, L)] = zi16
            pn_v[pl.ds(pp + q * L, L)] = zf16
            pd_v[pl.ds(pp + q * L, L)] = zf16
            mi_v[pl.ds(mp + q * L, L)] = zi16
            mn_v[pl.ds(mp + q * L, L)] = zf16
            md_v[pl.ds(mp + q * L, L)] = zf16

        def make_blk(idx_list, nval_list, dval_list):
            def blk(j, _):
                idx = idx_list.at[pl.ds(j * 128, 128)]
                cp1 = pltpu.async_copy(nval_list.at[pl.ds(j * 128, 128)],
                                       nacc_sh.at[idx], sem_sc, add=True)
                cp2 = pltpu.async_copy(dval_list.at[pl.ds(j * 128, 128)],
                                       dacc_sh.at[idx], sem_sc, add=True)
                cp1.wait()
                cp2.wait()
                return 0
            return blk

        lax.fori_loop(0, (pp + 127) // 128, make_blk(pi_v, pn_v, pd_v), 0)
        lax.fori_loop(0, (mp + 127) // 128, make_blk(mi_v, mn_v, md_v), 0)

    plsc.subcore_barrier()

    d1 = pltpu.async_copy(nacc_sh.at[pl.ds(s * SLC, SLC)],
                          npart_hbm.at[pl.ds(c * M + s * SLC, SLC)], sem_z)
    d2 = pltpu.async_copy(dacc_sh.at[pl.ds(s * SLC, SLC)],
                          dpart_hbm.at[pl.ds(c * M + s * SLC, SLC)], sem_z)
    d1.wait()
    d2.wait()


@functools.partial(
    pl.kernel,
    out_type=jax.ShapeDtypeStruct((N,), jnp.float32),
    mesh=_mesh,
    compiler_params=_params,
    scratch_types=[
        pltpu.VMEM((M,), jnp.float32),
        pltpu.VMEM((K,), jnp.float32),
        pltpu.VMEM((K,), jnp.float32),
        pltpu.VMEM((K,), jnp.int32),
        pltpu.VMEM((Q,), jnp.float32),
        pltpu.VMEM((Q,), jnp.float32),
        pltpu.SemaphoreType.DMA,
        pltpu.SemaphoreType.DMA,
    ],
)
def _charges(en_hbm, hd_hbm, seg_hbm, ratio_hbm, out_hbm,
             ratio_v, en_v, hd_v, seg_v, out_a, out_b, sem_st, sem_out):
    c = lax.axis_index("c")
    s = lax.axis_index("s")
    w = s * NC + c
    base = w * K
    outs = (out_a, out_b)

    cps = [pltpu.async_copy(ratio_hbm, ratio_v, sem_st),
           pltpu.async_copy(en_hbm.at[pl.ds(base, K)], en_v, sem_st),
           pltpu.async_copy(hd_hbm.at[pl.ds(base, K)], hd_v, sem_st),
           pltpu.async_copy(seg_hbm.at[pl.ds(base, K)], seg_v, sem_st)]
    for cp in cps:
        cp.wait()

    ocps = {}
    for q in range(2):
        qb = q * Q
        out_v = outs[q % 2]

        @plsc.parallel_loop(0, Q, L, unroll=8)
        def abody(i):
            gi = qb + i
            en = en_v[pl.ds(gi, L)]
            hd = hd_v[pl.ds(gi, L)]
            inv = 1.0 / hd
            sg = seg_v[pl.ds(gi, L)]
            rt = plsc.load_gather(ratio_v, [sg])
            out_v[pl.ds(i, L)] = inv * rt - en * inv

        ocps[q] = pltpu.async_copy(out_v, out_hbm.at[pl.ds(base + qb, Q)],
                                   sem_out)
    ocps.pop(0).wait()
    ocps.pop(1).wait()


def kernel(inputs, formal_charge, segment_ids):
    en = inputs[:, 0]
    hd = inputs[:, 1]
    npart, dpart = _partial_sums(en, hd, formal_charge, segment_ids)
    ratio = (npart[:M] + npart[M:]) / (dpart[:M] + dpart[M:])
    out = _charges(en, hd, segment_ids, ratio)
    return out.reshape(N, 1)

# --- scband reference (transcript-rebuilt; emitter-appended) ---
"""Pipeline reference for scband-compute-partial-charges-10325101380206 (READ-ONLY COPY).

The authoritative reference and input builder live on the scoring server;
editing this copy changes nothing except your own understanding.
"""

import jax, jax.numpy as jnp
import numpy as np

N = 524288  # total atoms across batch
M = 16384   # number of molecules (segments)


def setup_inputs(seed: int = 0) -> dict:
    key = jax.random.key(seed)
    k1, k2, k3 = jax.random.split(key, 3)
    # column 0: electronegativity, column 1: hardness (shifted to [0.5, 1.5] so 1/hardness is well-conditioned)
    inputs = jax.random.uniform(k1, (N, 2), dtype=jnp.float32) + 0.5
    formal_charge = jax.random.randint(k2, (N,), 0, 2, dtype=jnp.int32)
    segment_ids = jnp.sort(jax.random.randint(k3, (N,), 0, M, dtype=jnp.int32))
    return {"inputs": inputs, "formal_charge": formal_charge, "segment_ids": segment_ids}


def reference(inputs, formal_charge, segment_ids):
    # Vectorized (segment-based) equivalent of the per-molecule python loop in
    # ComputePartialCharges.forward with n_representations_per_molecule == 1.
    electronegativity = inputs[:, 0]
    hardness = inputs[:, 1]
    inverse_hardness = 1.0 / hardness
    e_over_s = electronegativity * inverse_hardness
    # per-molecule total formal charge: formal_charges[atom_slice].sum()
    total_charge = jax.ops.segment_sum(formal_charge.astype(jnp.float32), segment_ids, num_segments=M)
    # numerator = e_over_s.sum() + total_charge  (per molecule)
    numerator = jax.ops.segment_sum(e_over_s, segment_ids, num_segments=M) + total_charge
    # denominator = inverse_hardness.sum()  (per molecule)
    denominator = jax.ops.segment_sum(inverse_hardness, segment_ids, num_segments=M)
    ratio = numerator / denominator
    fraction = inverse_hardness * ratio[segment_ids]
    charges = (-e_over_s + fraction).reshape(-1, 1)
    return charges

if __name__ == "__main__":
    import jax
    _d = setup_inputs()
    print(jax.jit(kernel)(*tuple(_d.values())))

</pallas_src>

<mosaic_0001>
#map = affine_map<(d0, d1) -> (0)>
module attributes {stable_mosaic.version = 14 : i64} {
  func.func @_partial_sums(%arg0: i32, %arg1: i32, %arg2: memref<524288xf32, #tpu.memory_space<hbm>>, %arg3: memref<524288xf32, #tpu.memory_space<hbm>>, %arg4: memref<524288xi32, #tpu.memory_space<hbm>>, %arg5: memref<524288xi32, #tpu.memory_space<hbm>>, %arg6: memref<32768xf32, #tpu.memory_space<hbm>>, %arg7: memref<32768xf32, #tpu.memory_space<hbm>>, %arg8: memref<8192xf32, #tpu.memory_space<vmem>>, %arg9: memref<8192xf32, #tpu.memory_space<vmem>>, %arg10: memref<8192xf32, #tpu.memory_space<vmem>>, %arg11: memref<8192xf32, #tpu.memory_space<vmem>>, %arg12: memref<8192xi32, #tpu.memory_space<vmem>>, %arg13: memref<8192xi32, #tpu.memory_space<vmem>>, %arg14: memref<8208xi32, #tpu.memory_space<vmem>>, %arg15: memref<8208xi32, #tpu.memory_space<vmem>>, %arg16: memref<1024xf32, #tpu.memory_space<vmem>>, %arg17: memref<8448xi32, #tpu.memory_space<vmem>>, %arg18: memref<8448xf32, #tpu.memory_space<vmem>>, %arg19: memref<8448xf32, #tpu.memory_space<vmem>>, %arg20: memref<8448xi32, #tpu.memory_space<vmem>>, %arg21: memref<8448xf32, #tpu.memory_space<vmem>>, %arg22: memref<8448xf32, #tpu.memory_space<vmem>>, %arg23: memref<16384xf32, #tpu.memory_space<vmem_shared>>, %arg24: memref<16384xf32, #tpu.memory_space<vmem_shared>>, %arg25: memref<!tpu.dma_semaphore, #tpu.memory_space<semaphore_mem>>, %arg26: memref<!tpu.dma_semaphore, #tpu.memory_space<semaphore_mem>>, %arg27: memref<!tpu.dma_semaphore, #tpu.memory_space<semaphore_mem>>) attributes {dimension_semantics = [#tpu.dimension_semantics<core_parallel>, #tpu.dimension_semantics<subcore_parallel>], iteration_bounds = array<i64: 2, 16>, scalar_prefetch = 0 : i64, scratch_operands = 20 : i64, tpu.core_type = #tpu.core_type<sc_vector_subcore>, window_params = [{transform_indices = #map}, {transform_indices = #map}, {transform_indices = #map}, {transform_indices = #map}, {transform_indices = #map}, {transform_indices = #map}]} {
    %mul3A = arith.constant 2 : i32
    %mul3A_0 = arith.muli %arg1, %mul3A : i32
    %add3A = arith.addi %mul3A_0, %arg0 : i32
    %mul3A_1 = arith.constant 16384 : i32
    %mul3A_2 = arith.muli %add3A, %mul3A_1 : i32
    %broadcast_in_dim3A = arith.constant 0 : i32
    %broadcast_in_dim3A_3 = vector.broadcast %broadcast_in_dim3A : i32 to vector<16xi32>
    %broadcast_in_dim3A_4 = arith.constant 0.000000e+00 : f32
    %broadcast_in_dim3A_5 = vector.broadcast %broadcast_in_dim3A_4 : f32 to vector<16xf32>
    %iota3A = tpu.iota {dimensions = array<i32: 0>} : vector<16xi32>
    %eq3A = arith.constant 15 : i32
    %eq3A_6 = vector.broadcast %eq3A : i32 to vector<16xi32>
    %eq3A_7 = arith.cmpi eq, %iota3A, %eq3A_6 : vector<16xi32>
    %parallel_loop3A = arith.constant 0 : i32
    %parallel_loop3A_8 = arith.constant 1024 : i32
    %parallel_loop3A_9 = arith.constant 16 : i32
    scf.for %parallel_loop3A_620 = %parallel_loop3A to %parallel_loop3A_8 step %parallel_loop3A_9  : i32 {
      %parallel_loop3A_621 = arith.index_cast %parallel_loop3A_620 : i32 to index
      %parallel_loop3A_622 = tpu.vector_load %arg16[%parallel_loop3A_621] {strides = array<i32>} : memref<1024xf32, #tpu.memory_space<vmem>>, vector<16xf32>,
      tpu.vector_store %arg16[%parallel_loop3A_621], %broadcast_in_dim3A_5 {strides = array<i32>} : memref<1024xf32, #tpu.memory_space<vmem>>, vector<16xf32>,
    } {sc.loop_unroll_factor = 8 : i64, sc.parallel_access}
    %mul3A_10 = arith.constant 1024 : i32
    %mul3A_11 = arith.muli %arg1, %mul3A_10 : i32
    %dma_start3A = tpu.memref_slice %arg23[%mul3A_11] : memref<16384xf32, #tpu.memory_space<vmem_shared>> -> memref<1024xf32, #tpu.memory_space<vmem_shared>>
    %dma_start3A_12 = tpu.memref_slice %arg23[%mul3A_11] : memref<16384xf32, #tpu.memory_space<vmem_shared>> -> memref<1024xf32, #tpu.memory_space<vmem_shared>>
    tpu.enqueue_dma source(%arg16 : memref<1024xf32, #tpu.memory_space<vmem>>) target(%dma_start3A_12 : memref<1024xf32, #tpu.memory_space<vmem_shared>>) target_semaphore(%arg27 : memref<!tpu.dma_semaphore, #tpu.memory_space<semaphore_mem>>)
    %mul3A_13 = arith.constant 1024 : i32
    %mul3A_14 = arith.muli %arg1, %mul3A_13 : i32
    %dma_start3A_15 = tpu.memref_slice %arg24[%mul3A_14] : memref<16384xf32, #tpu.memory_space<vmem_shared>> -> memref<1024xf32, #tpu.memory_space<vmem_shared>>
    %dma_start3A_16 = tpu.memref_slice %arg24[%mul3A_14] : memref<16384xf32, #tpu.memory_space<vmem_shared>> -> memref<1024xf32, #tpu.memory_space<vmem_shared>>
    tpu.enqueue_dma source(%arg16 : memref<1024xf32, #tpu.memory_space<vmem>>) target(%dma_start3A_16 : memref<1024xf32, #tpu.memory_space<vmem_shared>>) target_semaphore(%arg27 : memref<!tpu.dma_semaphore, #tpu.memory_space<semaphore_mem>>)
    %add3A_17 = arith.constant 0 : i32
    %add3A_18 = arith.addi %mul3A_2, %add3A_17 : i32
    %dma_start3A_19 = tpu.memref_slice %arg2[%add3A_18] : memref<524288xf32, #tpu.memory_space<hbm>> -> memref<8192xf32, #tpu.memory_space<hbm>>
    %dma_start3A_20 = tpu.memref_slice %arg2[%add3A_18] : memref<524288xf32, #tpu.memory_space<hbm>> -> memref<8192xf32, #tpu.memory_space<hbm>>
    tpu.enqueue_dma source(%dma_start3A_20 : memref<8192xf32, #tpu.memory_space<hbm>>) target(%arg8 : memref<8192xf32, #tpu.memory_space<vmem>>) target_semaphore(%arg25 : memref<!tpu.dma_semaphore, #tpu.memory_space<semaphore_mem>>)
    %dma_start3A_21 = tpu.memref_slice %arg3[%add3A_18] : memref<524288xf32, #tpu.memory_space<hbm>> -> memref<8192xf32, #tpu.memory_space<hbm>>
    %dma_start3A_22 = tpu.memref_slice %arg3[%add3A_18] : memref<524288xf32, #tpu.memory_space<hbm>> -> memref<8192xf32, #tpu.memory_space<hbm>>
    tpu.enqueue_dma source(%dma_start3A_22 : memref<8192xf32, #tpu.memory_space<hbm>>) target(%arg10 : memref<8192xf32, #tpu.memory_space<vmem>>) target_semaphore(%arg25 : memref<!tpu.dma_semaphore, #tpu.memory_space<semaphore_mem>>)
    %dma_start3A_23 = tpu.memref_slice %arg4[%add3A_18] : memref<524288xi32, #tpu.memory_space<hbm>> -> memref<8192xi32, #tpu.memory_space<hbm>>
    %dma_start3A_24 = tpu.memref_slice %arg4[%add3A_18] : memref<524288xi32, #tpu.memory_space<hbm>> -> memref<8192xi32, #tpu.memory_space<hbm>>
    tpu.enqueue_dma source(%dma_start3A_24 : memref<8192xi32, #tpu.memory_space<hbm>>) target(%arg12 : memref<8192xi32, #tpu.memory_space<vmem>>) target_semaphore(%arg25 : memref<!tpu.dma_semaphore, #tpu.memory_space<semaphore_mem>>)
    %dma_start3A_25 = tpu.memref_slice %arg5[%add3A_18] : memref<524288xi32, #tpu.memory_space<hbm>> -> memref<8208xi32, #tpu.memory_space<hbm>>
    %dma_start3A_26 = tpu.memref_slice %arg5[%add3A_18] : memref<524288xi32, #tpu.memory_space<hbm>> -> memref<8208xi32, #tpu.memory_space<hbm>>
    tpu.enqueue_dma source(%dma_start3A_26 : memref<8208xi32, #tpu.memory_space<hbm>>) target(%arg14 : memref<8208xi32, #tpu.memory_space<vmem>>) target_semaphore(%arg25 : memref<!tpu.dma_semaphore, #tpu.memory_space<semaphore_mem>>)
    %add3A_27 = arith.constant 8192 : i32
    %add3A_28 = arith.addi %mul3A_2, %add3A_27 : i32
    %dma_start3A_29 = tpu.memref_slice %arg2[%add3A_28] : memref<524288xf32, #tpu.memory_space<hbm>> -> memref<8192xf32, #tpu.memory_space<hbm>>
    %dma_start3A_30 = tpu.memref_slice %arg2[%add3A_28] : memref<524288xf32, #tpu.memory_space<hbm>> -> memref<8192xf32, #tpu.memory_space<hbm>>
    tpu.enqueue_dma source(%dma_start3A_30 : memref<8192xf32, #tpu.memory_space<hbm>>) target(%arg9 : memref<8192xf32, #tpu.memory_space<vmem>>) target_semaphore(%arg25 : memref<!tpu.dma_semaphore, #tpu.memory_space<semaphore_mem>>)
    %dma_start3A_31 = tpu.memref_slice %arg3[%add3A_28] : memref<524288xf32, #tpu.memory_space<hbm>> -> memref<8192xf32, #tpu.memory_space<hbm>>
    %dma_start3A_32 = tpu.memref_slice %arg3[%add3A_28] : memref<524288xf32, #tpu.memory_space<hbm>> -> memref<8192xf32, #tpu.memory_space<hbm>>
    tpu.enqueue_dma source(%dma_start3A_32 : memref<8192xf32, #tpu.memory_space<hbm>>) target(%arg11 : memref<8192xf32, #tpu.memory_space<vmem>>) target_semaphore(%arg25 : memref<!tpu.dma_semaphore, #tpu.memory_space<semaphore_mem>>)
    %dma_start3A_33 = tpu.memref_slice %arg4[%add3A_28] : memref<524288xi32, #tpu.memory_space<hbm>> -> memref<8192xi32, #tpu.memory_space<hbm>>
    %dma_start3A_34 = tpu.memref_slice %arg4[%add3A_28] : memref<524288xi32, #tpu.memory_space<hbm>> -> memref<8192xi32, #tpu.memory_space<hbm>>
    tpu.enqueue_dma source(%dma_start3A_34 : memref<8192xi32, #tpu.memory_space<hbm>>) target(%arg13 : memref<8192xi32, #tpu.memory_space<vmem>>) target_semaphore(%arg25 : memref<!tpu.dma_semaphore, #tpu.memory_space<semaphore_mem>>)
    %lt3A = arith.constant 31 : i32
    %lt3A_35 = arith.cmpi slt, %add3A, %lt3A : i32
    %convert_element_type3A = arith.extui %lt3A_35 : i1 to i32
    %cond3A = arith.constant 0 : i32
    %cond3A_36 = arith.cmpi ne, %convert_element_type3A, %cond3A : i32
    scf.if %cond3A_36 {
      "tpu.region"() ({
        %run_scoped3A = tpu.sem_alloc : memref<!tpu.dma_semaphore, #tpu.memory_space<semaphore_mem>>
        %dma_start3A_620 = tpu.memref_slice %arg5[%add3A_28] : memref<524288xi32, #tpu.memory_space<hbm>> -> memref<8208xi32, #tpu.memory_space<hbm>>
        %dma_start3A_621 = tpu.memref_slice %arg5[%add3A_28] : memref<524288xi32, #tpu.memory_space<hbm>> -> memref<8208xi32, #tpu.memory_space<hbm>>
        tpu.enqueue_dma source(%dma_start3A_621 : memref<8208xi32, #tpu.memory_space<hbm>>) target(%arg15 : memref<8208xi32, #tpu.memory_space<vmem>>) target_semaphore(%run_scoped3A : memref<!tpu.dma_semaphore, #tpu.memory_space<semaphore_mem>>)
        %dma_wait3A_622 = tpu.memref_slice %arg5[%add3A_28] : memref<524288xi32, #tpu.memory_space<hbm>> -> memref<8208xi32, #tpu.memory_space<hbm>>
        %dma_wait3A_623 = tpu.memref_slice %arg5[%add3A_28] : memref<524288xi32, #tpu.memory_space<hbm>> -> memref<8208xi32, #tpu.memory_space<hbm>>
        tpu.wait_dma2 semaphore(%run_scoped3A : memref<!tpu.dma_semaphore, #tpu.memory_space<semaphore_mem>>) src(%dma_wait3A_623 : memref<8208xi32, #tpu.memory_space<hbm>>) dst(%arg15 : memref<8208xi32, #tpu.memory_space<vmem>>)
        tpu.yield
      }) : () -> ()
    } else {
    }
    %eq3A_37 = arith.constant 31 : i32
    %eq3A_38 = arith.cmpi eq, %add3A, %eq3A_37 : i32
    %convert_element_type3A_39 = arith.extui %eq3A_38 : i1 to i32
    %cond3A_40 = arith.constant 0 : i32
    %cond3A_41 = arith.cmpi ne, %convert_element_type3A_39, %cond3A_40 : i32
    scf.if %cond3A_41 {
      "tpu.region"() ({
        %run_scoped3A = tpu.sem_alloc : memref<!tpu.dma_semaphore, #tpu.memory_space<semaphore_mem>>
        %dma_start3A_620 = arith.constant 0 : i32
        %dma_start3A_621 = tpu.memref_slice %arg15[%dma_start3A_620] : memref<8208xi32, #tpu.memory_space<vmem>> -> memref<8192xi32, #tpu.memory_space<vmem>>
        %dma_start3A_622 = tpu.memref_slice %arg5[%add3A_28] : memref<524288xi32, #tpu.memory_space<hbm>> -> memref<8192xi32, #tpu.memory_space<hbm>>
        %dma_start3A_623 = arith.constant 0 : i32
        %dma_start3A_624 = tpu.memref_slice %arg15[%dma_start3A_623] : memref<8208xi32, #tpu.memory_space<vmem>> -> memref<8192xi32, #tpu.memory_space<vmem>>
        %dma_start3A_625 = tpu.memref_slice %arg5[%add3A_28] : memref<524288xi32, #tpu.memory_space<hbm>> -> memref<8192xi32, #tpu.memory_space<hbm>>
        tpu.enqueue_dma source(%dma_start3A_625 : memref<8192xi32, #tpu.memory_space<hbm>>) target(%dma_start3A_624 : memref<8192xi32, #tpu.memory_space<vmem>>) target_semaphore(%run_scoped3A : memref<!tpu.dma_semaphore, #tpu.memory_space<semaphore_mem>>)
        %dma_wait3A_626 = arith.constant 0 : i32
        %dma_wait3A_627 = tpu.memref_slice %arg15[%dma_wait3A_626] : memref<8208xi32, #tpu.memory_space<vmem>> -> memref<8192xi32, #tpu.memory_space<vmem>>
        %dma_wait3A_628 = tpu.memref_slice %arg5[%add3A_28] : memref<524288xi32, #tpu.memory_space<hbm>> -> memref<8192xi32, #tpu.memory_space<hbm>>
        %dma_wait3A_629 = arith.constant 0 : i32
        %dma_wait3A_630 = tpu.memref_slice %arg15[%dma_wait3A_629] : memref<8208xi32, #tpu.memory_space<vmem>> -> memref<8192xi32, #tpu.memory_space<vmem>>
        %dma_wait3A_631 = tpu.memref_slice %arg5[%add3A_28] : memref<524288xi32, #tpu.memory_space<hbm>> -> memref<8192xi32, #tpu.memory_space<hbm>>
        tpu.wait_dma2 semaphore(%run_scoped3A : memref<!tpu.dma_semaphore, #tpu.memory_space<semaphore_mem>>) src(%dma_wait3A_631 : memref<8192xi32, #tpu.memory_space<hbm>>) dst(%dma_wait3A_630 : memref<8192xi32, #tpu.memory_space<vmem>>)
        tpu.yield
      }) : () -> ()
    } else {
    }
    %dma_wait3A = tpu.memref_slice %arg23[%mul3A_11] : memref<16384xf32, #tpu.memory_space<vmem_shared>> -> memref<1024xf32, #tpu.memory_space<vmem_shared>>
    %dma_wait3A_42 = tpu.memref_slice %arg23[%mul3A_11] : memref<16384xf32, #tpu.memory_space<vmem_shared>> -> memref<1024xf32, #tpu.memory_space<vmem_shared>>
    tpu.wait_dma2 semaphore(%arg27 : memref<!tpu.dma_semaphore, #tpu.memory_space<semaphore_mem>>) src(%arg16 : memref<1024xf32, #tpu.memory_space<vmem>>) dst(%dma_wait3A_42 : memref<1024xf32, #tpu.memory_space<vmem_shared>>)
    %dma_wait3A_43 = tpu.memref_slice %arg24[%mul3A_14] : memref<16384xf32, #tpu.memory_space<vmem_shared>> -> memref<1024xf32, #tpu.memory_space<vmem_shared>>
    %dma_wait3A_44 = tpu.memref_slice %arg24[%mul3A_14] : memref<16384xf32, #tpu.memory_space<vmem_shared>> -> memref<1024xf32, #tpu.memory_space<vmem_shared>>
    tpu.wait_dma2 semaphore(%arg27 : memref<!tpu.dma_semaphore, #tpu.memory_space<semaphore_mem>>) src(%arg16 : memref<1024xf32, #tpu.memory_space<vmem>>) dst(%dma_wait3A_44 : memref<1024xf32, #tpu.memory_space<vmem_shared>>)
    %barrier3A = arith.constant 0 : index
    tpu.barrier barrier_id(%barrier3A)
    %dma_wait3A_45 = tpu.memref_slice %arg2[%add3A_18] : memref<524288xf32, #tpu.memory_space<hbm>> -> memref<8192xf32, #tpu.memory_space<hbm>>
    %dma_wait3A_46 = tpu.memref_slice %arg2[%add3A_18] : memref<524288xf32, #tpu.memory_space<hbm>> -> memref<8192xf32, #tpu.memory_space<hbm>>
    tpu.wait_dma2 semaphore(%arg25 : memref<!tpu.dma_semaphore, #tpu.memory_space<semaphore_mem>>) src(%dma_wait3A_46 : memref<8192xf32, #tpu.memory_space<hbm>>) dst(%arg8 : memref<8192xf32, #tpu.memory_space<vmem>>)
    %dma_wait3A_47 = tpu.memref_slice %arg3[%add3A_18] : memref<524288xf32, #tpu.memory_space<hbm>> -> memref<8192xf32, #tpu.memory_space<hbm>>
    %dma_wait3A_48 = tpu.memref_slice %arg3[%add3A_18] : memref<524288xf32, #tpu.memory_space<hbm>> -> memref<8192xf32, #tpu.memory_space<hbm>>
    tpu.wait_dma2 semaphore(%arg25 : memref<!tpu.dma_semaphore, #tpu.memory_space<semaphore_mem>>) src(%dma_wait3A_48 : memref<8192xf32, #tpu.memory_space<hbm>>) dst(%arg10 : memref<8192xf32, #tpu.memory_space<vmem>>)
    %dma_wait3A_49 = tpu.memref_slice %arg4[%add3A_18] : memref<524288xi32, #tpu.memory_space<hbm>> -> memref<8192xi32, #tpu.memory_space<hbm>>
    %dma_wait3A_50 = tpu.memref_slice %arg4[%add3A_18] : memref<524288xi32, #tpu.memory_space<hbm>> -> memref<8192xi32, #tpu.memory_space<hbm>>
    tpu.wait_dma2 semaphore(%arg25 : memref<!tpu.dma_semaphore, #tpu.memory_space<semaphore_mem>>) src(%dma_wait3A_50 : memref<8192xi32, #tpu.memory_space<hbm>>) dst(%arg12 : memref<8192xi32, #tpu.memory_space<vmem>>)
    %dma_wait3A_51 = tpu.memref_slice %arg5[%add3A_18] : memref<524288xi32, #tpu.memory_space<hbm>> -> memref<8208xi32, #tpu.memory_space<hbm>>
    %dma_wait3A_52 = tpu.memref_slice %arg5[%add3A_18] : memref<524288xi32, #tpu.memory_space<hbm>> -> memref<8208xi32, #tpu.memory_space<hbm>>
    tpu.wait_dma2 semaphore(%arg25 : memref<!tpu.dma_semaphore, #tpu.memory_space<semaphore_mem>>) src(%dma_wait3A_52 : memref<8208xi32, #tpu.memory_space<hbm>>) dst(%arg14 : memref<8208xi32, #tpu.memory_space<vmem>>)
    %parallel_loop3A_53 = arith.constant 0 : i32
    %parallel_loop3A_54 = arith.constant 8192 : i32
    %parallel_loop3A_55 = arith.constant 16 : i32
    %parallel_loop3A_56 = arith.constant 0 : i32
    %parallel_loop3A_57 = arith.constant 0 : i32
    %parallel_loop3A_58:2 = scf.for %parallel_loop3A_620 = %parallel_loop3A_53 to %parallel_loop3A_54 step %parallel_loop3A_55 iter_args(%parallel_loop3A_621 = %parallel_loop3A_56, %parallel_loop3A_622 = %parallel_loop3A_57) -> (i32, i32)  : i32 {
      %parallel_loop3A_623 = arith.index_cast %parallel_loop3A_620 : i32 to index
      %parallel_loop3A_624 = tpu.vector_load %arg14[%parallel_loop3A_623] {strides = array<i32>} : memref<8208xi32, #tpu.memory_space<vmem>>, vector<16xi32>,
      %parallel_loop3A_625 = arith.constant 1 : i32
      %parallel_loop3A_626 = arith.addi %parallel_loop3A_620, %parallel_loop3A_625 : i32
      %parallel_loop3A_627 = arith.index_cast %parallel_loop3A_626 : i32 to index
      %parallel_loop3A_628 = tpu.vector_load %arg14[%parallel_loop3A_627] {strides = array<i32>} : memref<8208xi32, #tpu.memory_space<vmem>>, vector<16xi32>,
      %parallel_loop3A_629 = arith.index_cast %parallel_loop3A_620 : i32 to index
      %parallel_loop3A_630 = tpu.vector_load %arg8[%parallel_loop3A_629] {strides = array<i32>} : memref<8192xf32, #tpu.memory_space<vmem>>, vector<16xf32>,
      %parallel_loop3A_631 = arith.index_cast %parallel_loop3A_620 : i32 to index
      %parallel_loop3A_632 = tpu.vector_load %arg10[%parallel_loop3A_631] {strides = array<i32>} : memref<8192xf32, #tpu.memory_space<vmem>>, vector<16xf32>,
      %parallel_loop3A_633 = arith.constant 1.000000e+00 : f32
      %parallel_loop3A_634 = vector.broadcast %parallel_loop3A_633 : f32 to vector<16xf32>
      %parallel_loop3A_635 = arith.divf %parallel_loop3A_634, %parallel_loop3A_632 : vector<16xf32>
      %parallel_loop3A_636 = arith.index_cast %parallel_loop3A_620 : i32 to index
      %parallel_loop3A_637 = tpu.vector_load %arg12[%parallel_loop3A_636] {strides = array<i32>} : memref<8192xi32, #tpu.memory_space<vmem>>, vector<16xi32>,
      %parallel_loop3A_638 = arith.sitofp %parallel_loop3A_637 : vector<16xi32> to vector<16xf32>
      %parallel_loop3A_639 = arith.mulf %parallel_loop3A_630, %parallel_loop3A_635 : vector<16xf32>
      %parallel_loop3A_640 = arith.addf %parallel_loop3A_639, %parallel_loop3A_638 : vector<16xf32>
      %parallel_loop3A_641 = arith.constant true
      %parallel_loop3A_642 = vector.broadcast %parallel_loop3A_641 : i1 to vector<16xi1>
      %parallel_loop3A_643 = tpu.scan <sum>, %parallel_loop3A_640 masked %parallel_loop3A_642 : vector<16xf32>, vector<16xi1> -> vector<16xf32>
      %parallel_loop3A_644 = arith.constant true
      %parallel_loop3A_645 = vector.broadcast %parallel_loop3A_644 : i1 to vector<16xi1>
      %parallel_loop3A_646 = tpu.scan <sum>, %parallel_loop3A_635 masked %parallel_loop3A_645 : vector<16xf32>, vector<16xi1> -> vector<16xf32>
      %parallel_loop3A_647 = arith.cmpi ne, %parallel_loop3A_624, %parallel_loop3A_628 : vector<16xi32>
      %parallel_loop3A_648 = arith.ori %parallel_loop3A_647, %eq3A_7 : vector<16xi1>
      %parallel_loop3A_649 = arith.constant dense<true> : vector<16xi1>
      %parallel_loop3A_650 = arith.xori %eq3A_7, %parallel_loop3A_649 : vector<16xi1>
      %parallel_loop3A_651 = arith.andi %parallel_loop3A_647, %parallel_loop3A_650 : vector<16xi1>
      %parallel_loop3A_652 = arith.index_cast %parallel_loop3A_621 : i32 to index
      %parallel_loop3A_653 = tpu.vector_load %arg17[%parallel_loop3A_652] masked %parallel_loop3A_648 {strides = array<i32>} : memref<8448xi32, #tpu.memory_space<vmem>>, vector<16xi32>, vector<16xi1>
      tpu.vector_store %arg17[%parallel_loop3A_652], %parallel_loop3A_624 masked %parallel_loop3A_648 {strides = array<i32>} : memref<8448xi32, #tpu.memory_space<vmem>>, vector<16xi32>, vector<16xi1>
      %parallel_loop3A_654 = arith.index_cast %parallel_loop3A_621 : i32 to index
      %parallel_loop3A_655 = tpu.vector_load %arg18[%parallel_loop3A_654] masked %parallel_loop3A_648 {strides = array<i32>} : memref<8448xf32, #tpu.memory_space<vmem>>, vector<16xf32>, vector<16xi1>
      tpu.vector_store %arg18[%parallel_loop3A_654], %parallel_loop3A_643 masked %parallel_loop3A_648 {strides = array<i32>} : memref<8448xf32, #tpu.memory_space<vmem>>, vector<16xf32>, vector<16xi1>
      %parallel_loop3A_656 = arith.index_cast %parallel_loop3A_621 : i32 to index
      %parallel_loop3A_657 = tpu.vector_load %arg19[%parallel_loop3A_656] masked %parallel_loop3A_648 {strides = array<i32>} : memref<8448xf32, #tpu.memory_space<vmem>>, vector<16xf32>, vector<16xi1>
      tpu.vector_store %arg19[%parallel_loop3A_656], %parallel_loop3A_646 masked %parallel_loop3A_648 {strides = array<i32>} : memref<8448xf32, #tpu.memory_space<vmem>>, vector<16xf32>, vector<16xi1>
      %parallel_loop3A_658 = arith.index_cast %parallel_loop3A_622 : i32 to index
      %parallel_loop3A_659 = tpu.vector_load %arg20[%parallel_loop3A_658] masked %parallel_loop3A_651 {strides = array<i32>} : memref<8448xi32, #tpu.memory_space<vmem>>, vector<16xi32>, vector<16xi1>
      tpu.vector_store %arg20[%parallel_loop3A_658], %parallel_loop3A_628 masked %parallel_loop3A_651 {strides = array<i32>} : memref<8448xi32, #tpu.memory_space<vmem>>, vector<16xi32>, vector<16xi1>
      %parallel_loop3A_660 = arith.constant 0.000000e+00 : f32
      %parallel_loop3A_661 = vector.broadcast %parallel_loop3A_660 : f32 to vector<16xf32>
      %parallel_loop3A_662 = arith.subf %parallel_loop3A_661, %parallel_loop3A_643 : vector<16xf32>
      %parallel_loop3A_663 = arith.index_cast %parallel_loop3A_622 : i32 to index
      %parallel_loop3A_664 = tpu.vector_load %arg21[%parallel_loop3A_663] masked %parallel_loop3A_651 {strides = array<i32>} : memref<8448xf32, #tpu.memory_space<vmem>>, vector<16xf32>, vector<16xi1>
      tpu.vector_store %arg21[%parallel_loop3A_663], %parallel_loop3A_662 masked %parallel_loop3A_651 {strides = array<i32>} : memref<8448xf32, #tpu.memory_space<vmem>>, vector<16xf32>, vector<16xi1>
      %parallel_loop3A_665 = arith.constant 0.000000e+00 : f32
      %parallel_loop3A_666 = vector.broadcast %parallel_loop3A_665 : f32 to vector<16xf32>
      %parallel_loop3A_667 = arith.subf %parallel_loop3A_666, %parallel_loop3A_646 : vector<16xf32>
      %parallel_loop3A_668 = arith.index_cast %parallel_loop3A_622 : i32 to index
      %parallel_loop3A_669 = tpu.vector_load %arg22[%parallel_loop3A_668] masked %parallel_loop3A_651 {strides = array<i32>} : memref<8448xf32, #tpu.memory_space<vmem>>, vector<16xf32>, vector<16xi1>
      tpu.vector_store %arg22[%parallel_loop3A_668], %parallel_loop3A_667 masked %parallel_loop3A_651 {strides = array<i32>} : memref<8448xf32, #tpu.memory_space<vmem>>, vector<16xf32>, vector<16xi1>
      %parallel_loop3A_670 = arith.extui %parallel_loop3A_648 : vector<16xi1> to vector<16xi32>
      %parallel_loop3A_671 = arith.constant true
      %parallel_loop3A_672 = vector.broadcast %parallel_loop3A_671 : i1 to vector<16xi1>
      %parallel_loop3A_673 = tpu.scan <sum>, %parallel_loop3A_670 masked %parallel_loop3A_672 : vector<16xi32>, vector<16xi1> -> vector<16xi32>
      %parallel_loop3A_674 = vector.extract %parallel_loop3A_673[15] : i32 from vector<16xi32>
      %parallel_loop3A_675 = arith.extui %parallel_loop3A_651 : vector<16xi1> to vector<16xi32>
      %parallel_loop3A_676 = arith.constant true
      %parallel_loop3A_677 = vector.broadcast %parallel_loop3A_676 : i1 to vector<16xi1>
      %parallel_loop3A_678 = tpu.scan <sum>, %parallel_loop3A_675 masked %parallel_loop3A_677 : vector<16xi32>, vector<16xi1> -> vector<16xi32>
      %parallel_loop3A_679 = vector.extract %parallel_loop3A_678[15] : i32 from vector<16xi32>
      %parallel_loop3A_680 = arith.addi %parallel_loop3A_621, %parallel_loop3A_674 : i32
      %parallel_loop3A_681 = arith.addi %parallel_loop3A_622, %parallel_loop3A_679 : i32
      scf.yield %parallel_loop3A_680, %parallel_loop3A_681 : i32, i32
    } {sc.loop_unroll_factor = 4 : i64, sc.parallel_access}
    %add3A_59 = arith.constant 0 : i32
    %add3A_60 = arith.addi %parallel_loop3A_58#0, %add3A_59 : i32
    %swap3A = arith.index_cast %add3A_60 : i32 to index
    %swap3A_61 = tpu.vector_load %arg17[%swap3A] {strides = array<i32>} : memref<8448xi32, #tpu.memory_space<vmem>>, vector<16xi32>,
    tpu.vector_store %arg17[%swap3A], %broadcast_in_dim3A_3 {strides = array<i32>} : memref<8448xi32, #tpu.memory_space<vmem>>, vector<16xi32>,
    %add3A_62 = arith.constant 0 : i32
    %add3A_63 = arith.addi %parallel_loop3A_58#0, %add3A_62 : i32
    %swap3A_64 = arith.index_cast %add3A_63 : i32 to index
    %swap3A_65 = tpu.vector_load %arg18[%swap3A_64] {strides = array<i32>} : memref<8448xf32, #tpu.memory_space<vmem>>, vector<16xf32>,
    tpu.vector_store %arg18[%swap3A_64], %broadcast_in_dim3A_5 {strides = array<i32>} : memref<8448xf32, #tpu.memory_space<vmem>>, vector<16xf32>,
    %add3A_66 = arith.constant 0 : i32
    %add3A_67 = arith.addi %parallel_loop3A_58#0, %add3A_66 : i32
    %swap3A_68 = arith.index_cast %add3A_67 : i32 to index
    %swap3A_69 = tpu.vector_load %arg19[%swap3A_68] {strides = array<i32>} : memref<8448xf32, #tpu.memory_space<vmem>>, vector<16xf32>,
    tpu.vector_store %arg19[%swap3A_68], %broadcast_in_dim3A_5 {strides = array<i32>} : memref<8448xf32, #tpu.memory_space<vmem>>, vector<16xf32>,
    %add3A_70 = arith.constant 0 : i32
    %add3A_71 = arith.addi %parallel_loop3A_58#1, %add3A_70 : i32
    %swap3A_72 = arith.index_cast %add3A_71 : i32 to index
    %swap3A_73 = tpu.vector_load %arg20[%swap3A_72] {strides = array<i32>} : memref<8448xi32, #tpu.memory_space<vmem>>, vector<16xi32>,
    tpu.vector_store %arg20[%swap3A_72], %broadcast_in_dim3A_3 {strides = array<i32>} : memref<8448xi32, #tpu.memory_space<vmem>>, vector<16xi32>,
    %add3A_74 = arith.constant 0 : i32
    %add3A_75 = arith.addi %parallel_loop3A_58#1, %add3A_74 : i32
    %swap3A_76 = arith.index_cast %add3A_75 : i32 to index
    %swap3A_77 = tpu.vector_load %arg21[%swap3A_76] {strides = array<i32>} : memref<8448xf32, #tpu.memory_space<vmem>>, vector<16xf32>,
    tpu.vector_store %arg21[%swap3A_76], %broadcast_in_dim3A_5 {strides = array<i32>} : memref<8448xf32, #tpu.memory_space<vmem>>, vector<16xf32>,
    %add3A_78 = arith.constant 0 : i32
    %add3A_79 = arith.addi %parallel_loop3A_58#1, %add3A_78 : i32
    %swap3A_80 = arith.index_cast %add3A_79 : i32 to index
    %swap3A_81 = tpu.vector_load %arg22[%swap3A_80] {strides = array<i32>} : memref<8448xf32, #tpu.memory_space<vmem>>, vector<16xf32>,
    tpu.vector_store %arg22[%swap3A_80], %broadcast_in_dim3A_5 {strides = array<i32>} : memref<8448xf32, #tpu.memory_space<vmem>>, vector<16xf32>,
    %add3A_82 = arith.constant 16 : i32
    %add3A_83 = arith.addi %parallel_loop3A_58#0, %add3A_82 : i32
    %swap3A_84 = arith.index_cast %add3A_83 : i32 to index
    %swap3A_85 = tpu.vector_load %arg17[%swap3A_84] {strides = array<i32>} : memref<8448xi32, #tpu.memory_space<vmem>>, vector<16xi32>,
    tpu.vector_store %arg17[%swap3A_84], %broadcast_in_dim3A_3 {strides = array<i32>} : memref<8448xi32, #tpu.memory_space<vmem>>, vector<16xi32>,
    %add3A_86 = arith.constant 16 : i32
    %add3A_87 = arith.addi %parallel_loop3A_58#0, %add3A_86 : i32
    %swap3A_88 = arith.index_cast %add3A_87 : i32 to index
    %swap3A_89 = tpu.vector_load %arg18[%swap3A_88] {strides = array<i32>} : memref<8448xf32, #tpu.memory_space<vmem>>, vector<16xf32>,
    tpu.vector_store %arg18[%swap3A_88], %broadcast_in_dim3A_5 {strides = array<i32>} : memref<8448xf32, #tpu.memory_space<vmem>>, vector<16xf32>,
    %add3A_90 = arith.constant 16 : i32
    %add3A_91 = arith.addi %parallel_loop3A_58#0, %add3A_90 : i32
    %swap3A_92 = arith.index_cast %add3A_91 : i32 to index
    %swap3A_93 = tpu.vector_load %arg19[%swap3A_92] {strides = array<i32>} : memref<8448xf32, #tpu.memory_space<vmem>>, vector<16xf32>,
    tpu.vector_store %arg19[%swap3A_92], %broadcast_in_dim3A_5 {strides = array<i32>} : memref<8448xf32, #tpu.memory_space<vmem>>, vector<16xf32>,
    %add3A_94 = arith.constant 16 : i32
    %add3A_95 = arith.addi %parallel_loop3A_58#1, %add3A_94 : i32
    %swap3A_96 = arith.index_cast %add3A_95 : i32 to index
    %swap3A_97 = tpu.vector_load %arg20[%swap3A_96] {strides = array<i32>} : memref<8448xi32, #tpu.memory_space<vmem>>, vector<16xi32>,
    tpu.vector_store %arg20[%swap3A_96], %broadcast_in_dim3A_3 {strides = array<i32>} : memref<8448xi32, #tpu.memory_space<vmem>>, vector<16xi32>,
    %add3A_98 = arith.constant 16 : i32
    %add3A_99 = arith.addi %parallel_loop3A_58#1, %add3A_98 : i32
    %swap3A_100 = arith.index_cast %add3A_99 : i32 to index
    %swap3A_101 = tpu.vector_load %arg21[%swap3A_100] {strides = array<i32>} : memref<8448xf32, #tpu.memory_space<vmem>>, vector<16xf32>,
    tpu.vector_store %arg21[%swap3A_100], %broadcast_in_dim3A_5 {strides = array<i32>} : memref<8448xf32, #tpu.memory_space<vmem>>, vector<16xf32>,
    %add3A_102 = arith.constant 16 : i32
    %add3A_103 = arith.addi %parallel_loop3A_58#1, %add3A_102 : i32
    %swap3A_104 = arith.index_cast %add3A_103 : i32 to index
    %swap3A_105 = tpu.vector_load %arg22[%swap3A_104] {strides = array<i32>} : memref<8448xf32, #tpu.memory_space<vmem>>, vector<16xf32>,
    tpu.vector_store %arg22[%swap3A_104], %broadcast_in_dim3A_5 {strides = array<i32>} : memref<8448xf32, #tpu.memory_space<vmem>>, vector<16xf32>,
    %add3A_106 = arith.constant 32 : i32
    %add3A_107 = arith.addi %parallel_loop3A_58#0, %add3A_106 : i32
    %swap3A_108 = arith.index_cast %add3A_107 : i32 to index
    %swap3A_109 = tpu.vector_load %arg17[%swap3A_108] {strides = array<i32>} : memref<8448xi32, #tpu.memory_space<vmem>>, vector<16xi32>,
    tpu.vector_store %arg17[%swap3A_108], %broadcast_in_dim3A_3 {strides = array<i32>} : memref<8448xi32, #tpu.memory_space<vmem>>, vector<16xi32>,
    %add3A_110 = arith.constant 32 : i32
    %add3A_111 = arith.addi %parallel_loop3A_58#0, %add3A_110 : i32
    %swap3A_112 = arith.index_cast %add3A_111 : i32 to index
    %swap3A_113 = tpu.vector_load %arg18[%swap3A_112] {strides = array<i32>} : memref<8448xf32, #tpu.memory_space<vmem>>, vector<16xf32>,
    tpu.vector_store %arg18[%swap3A_112], %broadcast_in_dim3A_5 {strides = array<i32>} : memref<8448xf32, #tpu.memory_space<vmem>>, vector<16xf32>,
    %add3A_114 = arith.constant 32 : i32
    %add3A_115 = arith.addi %parallel_loop3A_58#0, %add3A_114 : i32
    %swap3A_116 = arith.index_cast %add3A_115 : i32 to index
    %swap3A_117 = tpu.vector_load %arg19[%swap3A_116] {strides = array<i32>} : memref<8448xf32, #tpu.memory_space<vmem>>, vector<16xf32>,
    tpu.vector_store %arg19[%swap3A_116], %broadcast_in_dim3A_5 {strides = array<i32>} : memref<8448xf32, #tpu.memory_space<vmem>>, vector<16xf32>,
    %add3A_118 = arith.constant 32 : i32
    %add3A_119 = arith.addi %parallel_loop3A_58#1, %add3A_118 : i32
    %swap3A_120 = arith.index_cast %add3A_119 : i32 to index
    %swap3A_121 = tpu.vector_load %arg20[%swap3A_120] {strides = array<i32>} : memref<8448xi32, #tpu.memory_space<vmem>>, vector<16xi32>,
    tpu.vector_store %arg20[%swap3A_120], %broadcast_in_dim3A_3 {strides = array<i32>} : memref<8448xi32, #tpu.memory_space<vmem>>, vector<16xi32>,
    %add3A_122 = arith.constant 32 : i32
    %add3A_123 = arith.addi %parallel_loop3A_58#1, %add3A_122 : i32
    %swap3A_124 = arith.index_cast %add3A_123 : i32 to index
    %swap3A_125 = tpu.vector_load %arg21[%swap3A_124] {strides = array<i32>} : memref<8448xf32, #tpu.memory_space<vmem>>, vector<16xf32>,
    tpu.vector_store %arg21[%swap3A_124], %broadcast_in_dim3A_5 {strides = array<i32>} : memref<8448xf32, #tpu.memory_space<vmem>>, vector<16xf32>,
    %add3A_126 = arith.constant 32 : i32
    %add3A_127 = arith.addi %parallel_loop3A_58#1, %add3A_126 : i32
    %swap3A_128 = arith.index_cast %add3A_127 : i32 to index
    %swap3A_129 = tpu.vector_load %arg22[%swap3A_128] {strides = array<i32>} : memref<8448xf32, #tpu.memory_space<vmem>>, vector<16xf32>,
    tpu.vector_store %arg22[%swap3A_128], %broadcast_in_dim3A_5 {strides = array<i32>} : memref<8448xf32, #tpu.memory_space<vmem>>, vector<16xf32>,
    %add3A_130 = arith.constant 48 : i32
    %add3A_131 = arith.addi %parallel_loop3A_58#0, %add3A_130 : i32
    %swap3A_132 = arith.index_cast %add3A_131 : i32 to index
    %swap3A_133 = tpu.vector_load %arg17[%swap3A_132] {strides = array<i32>} : memref<8448xi32, #tpu.memory_space<vmem>>, vector<16xi32>,
    tpu.vector_store %arg17[%swap3A_132], %broadcast_in_dim3A_3 {strides = array<i32>} : memref<8448xi32, #tpu.memory_space<vmem>>, vector<16xi32>,
    %add3A_134 = arith.constant 48 : i32
    %add3A_135 = arith.addi %parallel_loop3A_58#0, %add3A_134 : i32
    %swap3A_136 = arith.index_cast %add3A_135 : i32 to index
    %swap3A_137 = tpu.vector_load %arg18[%swap3A_136] {strides = array<i32>} : memref<8448xf32, #tpu.memory_space<vmem>>, vector<16xf32>,
    tpu.vector_store %arg18[%swap3A_136], %broadcast_in_dim3A_5 {strides = array<i32>} : memref<8448xf32, #tpu.memory_space<vmem>>, vector<16xf32>,
    %add3A_138 = arith.constant 48 : i32
    %add3A_139 = arith.addi %parallel_loop3A_58#0, %add3A_138 : i32
    %swap3A_140 = arith.index_cast %add3A_139 : i32 to index
    %swap3A_141 = tpu.vector_load %arg19[%swap3A_140] {strides = array<i32>} : memref<8448xf32, #tpu.memory_space<vmem>>, vector<16xf32>,
    tpu.vector_store %arg19[%swap3A_140], %broadcast_in_dim3A_5 {strides = array<i32>} : memref<8448xf32, #tpu.memory_space<vmem>>, vector<16xf32>,
    %add3A_142 = arith.constant 48 : i32
    %add3A_143 = arith.addi %parallel_loop3A_58#1, %add3A_142 : i32
    %swap3A_144 = arith.index_cast %add3A_143 : i32 to index
    %swap3A_145 = tpu.vector_load %arg20[%swap3A_144] {strides = array<i32>} : memref<8448xi32, #tpu.memory_space<vmem>>, vector<16xi32>,
    tpu.vector_store %arg20[%swap3A_144], %broadcast_in_dim3A_3 {strides = array<i32>} : memref<8448xi32, #tpu.memory_space<vmem>>, vector<16xi32>,
    %add3A_146 = arith.constant 48 : i32
    %add3A_147 = arith.addi %parallel_loop3A_58#1, %add3A_146 : i32
    %swap3A_148 = arith.index_cast %add3A_147 : i32 to index
    %swap3A_149 = tpu.vector_load %arg21[%swap3A_148] {strides = array<i32>} : memref<8448xf32, #tpu.memory_space<vmem>>, vector<16xf32>,
    tpu.vector_store %arg21[%swap3A_148], %broadcast_in_dim3A_5 {strides = array<i32>} : memref<8448xf32, #tpu.memory_space<vmem>>, vector<16xf32>,
    %add3A_150 = arith.constant 48 : i32
    %add3A_151 = arith.addi %parallel_loop3A_58#1, %add3A_150 : i32
    %swap3A_152 = arith.index_cast %add3A_151 : i32 to index
    %swap3A_153 = tpu.vector_load %arg22[%swap3A_152] {strides = array<i32>} : memref<8448xf32, #tpu.memory_space<vmem>>, vector<16xf32>,
    tpu.vector_store %arg22[%swap3A_152], %broadcast_in_dim3A_5 {strides = array<i32>} : memref<8448xf32, #tpu.memory_space<vmem>>, vector<16xf32>,
    %add3A_154 = arith.constant 64 : i32
    %add3A_155 = arith.addi %parallel_loop3A_58#0, %add3A_154 : i32
    %swap3A_156 = arith.index_cast %add3A_155 : i32 to index
    %swap3A_157 = tpu.vector_load %arg17[%swap3A_156] {strides = array<i32>} : memref<8448xi32, #tpu.memory_space<vmem>>, vector<16xi32>,
    tpu.vector_store %arg17[%swap3A_156], %broadcast_in_dim3A_3 {strides = array<i32>} : memref<8448xi32, #tpu.memory_space<vmem>>, vector<16xi32>,
    %add3A_158 = arith.constant 64 : i32
    %add3A_159 = arith.addi %parallel_loop3A_58#0, %add3A_158 : i32
    %swap3A_160 = arith.index_cast %add3A_159 : i32 to index
    %swap3A_161 = tpu.vector_load %arg18[%swap3A_160] {strides = array<i32>} : memref<8448xf32, #tpu.memory_space<vmem>>, vector<16xf32>,
    tpu.vector_store %arg18[%swap3A_160], %broadcast_in_dim3A_5 {strides = array<i32>} : memref<8448xf32, #tpu.memory_space<vmem>>, vector<16xf32>,
    %add3A_162 = arith.constant 64 : i32
    %add3A_163 = arith.addi %parallel_loop3A_58#0, %add3A_162 : i32
    %swap3A_164 = arith.index_cast %add3A_163 : i32 to index
    %swap3A_165 = tpu.vector_load %arg19[%swap3A_164] {strides = array<i32>} : memref<8448xf32, #tpu.memory_space<vmem>>, vector<16xf32>,
    tpu.vector_store %arg19[%swap3A_164], %broadcast_in_dim3A_5 {strides = array<i32>} : memref<8448xf32, #tpu.memory_space<vmem>>, vector<16xf32>,
    %add3A_166 = arith.constant 64 : i32
    %add3A_167 = arith.addi %parallel_loop3A_58#1, %add3A_166 : i32
    %swap3A_168 = arith.index_cast %add3A_167 : i32 to index
    %swap3A_169 = tpu.vector_load %arg20[%swap3A_168] {strides = array<i32>} : memref<8448xi32, #tpu.memory_space<vmem>>, vector<16xi32>,
    tpu.vector_store %arg20[%swap3A_168], %broadcast_in_dim3A_3 {strides = array<i32>} : memref<8448xi32, #tpu.memory_space<vmem>>, vector<16xi32>,
    %add3A_170 = arith.constant 64 : i32
    %add3A_171 = arith.addi %parallel_loop3A_58#1, %add3A_170 : i32
    %swap3A_172 = arith.index_cast %add3A_171 : i32 to index
    %swap3A_173 = tpu.vector_load %arg21[%swap3A_172] {strides = array<i32>} : memref<8448xf32, #tpu.memory_space<vmem>>, vector<16xf32>,
    tpu.vector_store %arg21[%swap3A_172], %broadcast_in_dim3A_5 {strides = array<i32>} : memref<8448xf32, #tpu.memory_space<vmem>>, vector<16xf32>,
    %add3A_174 = arith.constant 64 : i32
    %add3A_175 = arith.addi %parallel_loop3A_58#1, %add3A_174 : i32
    %swap3A_176 = arith.index_cast %add3A_175 : i32 to index
    %swap3A_177 = tpu.vector_load %arg22[%swap3A_176] {strides = array<i32>} : memref<8448xf32, #tpu.memory_space<vmem>>, vector<16xf32>,
    tpu.vector_store %arg22[%swap3A_176], %broadcast_in_dim3A_5 {strides = array<i32>} : memref<8448xf32, #tpu.memory_space<vmem>>, vector<16xf32>,
    %add3A_178 = arith.constant 80 : i32
    %add3A_179 = arith.addi %parallel_loop3A_58#0, %add3A_178 : i32
    %swap3A_180 = arith.index_cast %add3A_179 : i32 to index
    %swap3A_181 = tpu.vector_load %arg17[%swap3A_180] {strides = array<i32>} : memref<8448xi32, #tpu.memory_space<vmem>>, vector<16xi32>,
    tpu.vector_store %arg17[%swap3A_180], %broadcast_in_dim3A_3 {strides = array<i32>} : memref<8448xi32, #tpu.memory_space<vmem>>, vector<16xi32>,
    %add3A_182 = arith.constant 80 : i32
    %add3A_183 = arith.addi %parallel_loop3A_58#0, %add3A_182 : i32
    %swap3A_184 = arith.index_cast %add3A_183 : i32 to index
    %swap3A_185 = tpu.vector_load %arg18[%swap3A_184] {strides = array<i32>} : memref<8448xf32, #tpu.memory_space<vmem>>, vector<16xf32>,
    tpu.vector_store %arg18[%swap3A_184], %broadcast_in_dim3A_5 {strides = array<i32>} : memref<8448xf32, #tpu.memory_space<vmem>>, vector<16xf32>,
    %add3A_186 = arith.constant 80 : i32
    %add3A_187 = arith.addi %parallel_loop3A_58#0, %add3A_186 : i32
    %swap3A_188 = arith.index_cast %add3A_187 : i32 to index
    %swap3A_189 = tpu.vector_load %arg19[%swap3A_188] {strides = array<i32>} : memref<8448xf32, #tpu.memory_space<vmem>>, vector<16xf32>,
    tpu.vector_store %arg19[%swap3A_188], %broadcast_in_dim3A_5 {strides = array<i32>} : memref<8448xf32, #tpu.memory_space<vmem>>, vector<16xf32>,
    %add3A_190 = arith.constant 80 : i32
    %add3A_191 = arith.addi %parallel_loop3A_58#1, %add3A_190 : i32
    %swap3A_192 = arith.index_cast %add3A_191 : i32 to index
    %swap3A_193 = tpu.vector_load %arg20[%swap3A_192] {strides = array<i32>} : memref<8448xi32, #tpu.memory_space<vmem>>, vector<16xi32>,
    tpu.vector_store %arg20[%swap3A_192], %broadcast_in_dim3A_3 {strides = array<i32>} : memref<8448xi32, #tpu.memory_space<vmem>>, vector<16xi32>,
    %add3A_194 = arith.constant 80 : i32
    %add3A_195 = arith.addi %parallel_loop3A_58#1, %add3A_194 : i32
    %swap3A_196 = arith.index_cast %add3A_195 : i32 to index
    %swap3A_197 = tpu.vector_load %arg21[%swap3A_196] {strides = array<i32>} : memref<8448xf32, #tpu.memory_space<vmem>>, vector<16xf32>,
    tpu.vector_store %arg21[%swap3A_196], %broadcast_in_dim3A_5 {strides = array<i32>} : memref<8448xf32, #tpu.memory_space<vmem>>, vector<16xf32>,
    %add3A_198 = arith.constant 80 : i32
    %add3A_199 = arith.addi %parallel_loop3A_58#1, %add3A_198 : i32
    %swap3A_200 = arith.index_cast %add3A_199 : i32 to index
    %swap3A_201 = tpu.vector_load %arg22[%swap3A_200] {strides = array<i32>} : memref<8448xf32, #tpu.memory_space<vmem>>, vector<16xf32>,
    tpu.vector_store %arg22[%swap3A_200], %broadcast_in_dim3A_5 {strides = array<i32>} : memref<8448xf32, #tpu.memory_space<vmem>>, vector<16xf32>,
    %add3A_202 = arith.constant 96 : i32
    %add3A_203 = arith.addi %parallel_loop3A_58#0, %add3A_202 : i32
    %swap3A_204 = arith.index_cast %add3A_203 : i32 to index
    %swap3A_205 = tpu.vector_load %arg17[%swap3A_204] {strides = array<i32>} : memref<8448xi32, #tpu.memory_space<vmem>>, vector<16xi32>,
    tpu.vector_store %arg17[%swap3A_204], %broadcast_in_dim3A_3 {strides = array<i32>} : memref<8448xi32, #tpu.memory_space<vmem>>, vector<16xi32>,
    %add3A_206 = arith.constant 96 : i32
    %add3A_207 = arith.addi %parallel_loop3A_58#0, %add3A_206 : i32
    %swap3A_208 = arith.index_cast %add3A_207 : i32 to index
    %swap3A_209 = tpu.vector_load %arg18[%swap3A_208] {strides = array<i32>} : memref<8448xf32, #tpu.memory_space<vmem>>, vector<16xf32>,
    tpu.vector_store %arg18[%swap3A_208], %broadcast_in_dim3A_5 {strides = array<i32>} : memref<8448xf32, #tpu.memory_space<vmem>>, vector<16xf32>,
    %add3A_210 = arith.constant 96 : i32
    %add3A_211 = arith.addi %parallel_loop3A_58#0, %add3A_210 : i32
    %swap3A_212 = arith.index_cast %add3A_211 : i32 to index
    %swap3A_213 = tpu.vector_load %arg19[%swap3A_212] {strides = array<i32>} : memref<8448xf32, #tpu.memory_space<vmem>>, vector<16xf32>,
    tpu.vector_store %arg19[%swap3A_212], %broadcast_in_dim3A_5 {strides = array<i32>} : memref<8448xf32, #tpu.memory_space<vmem>>, vector<16xf32>,
    %add3A_214 = arith.constant 96 : i32
    %add3A_215 = arith.addi %parallel_loop3A_58#1, %add3A_214 : i32
    %swap3A_216 = arith.index_cast %add3A_215 : i32 to index
    %swap3A_217 = tpu.vector_load %arg20[%swap3A_216] {strides = array<i32>} : memref<8448xi32, #tpu.memory_space<vmem>>, vector<16xi32>,
    tpu.vector_store %arg20[%swap3A_216], %broadcast_in_dim3A_3 {strides = array<i32>} : memref<8448xi32, #tpu.memory_space<vmem>>, vector<16xi32>,
    %add3A_218 = arith.constant 96 : i32
    %add3A_219 = arith.addi %parallel_loop3A_58#1, %add3A_218 : i32
    %swap3A_220 = arith.index_cast %add3A_219 : i32 to index
    %swap3A_221 = tpu.vector_load %arg21[%swap3A_220] {strides = array<i32>} : memref<8448xf32, #tpu.memory_space<vmem>>, vector<16xf32>,
    tpu.vector_store %arg21[%swap3A_220], %broadcast_in_dim3A_5 {strides = array<i32>} : memref<8448xf32, #tpu.memory_space<vmem>>, vector<16xf32>,
    %add3A_222 = arith.constant 96 : i32
    %add3A_223 = arith.addi %parallel_loop3A_58#1, %add3A_222 : i32
    %swap3A_224 = arith.index_cast %add3A_223 : i32 to index
    %swap3A_225 = tpu.vector_load %arg22[%swap3A_224] {strides = array<i32>} : memref<8448xf32, #tpu.memory_space<vmem>>, vector<16xf32>,
    tpu.vector_store %arg22[%swap3A_224], %broadcast_in_dim3A_5 {strides = array<i32>} : memref<8448xf32, #tpu.memory_space<vmem>>, vector<16xf32>,
    %add3A_226 = arith.constant 112 : i32
    %add3A_227 = arith.addi %parallel_loop3A_58#0, %add3A_226 : i32
    %swap3A_228 = arith.index_cast %add3A_227 : i32 to index
    %swap3A_229 = tpu.vector_load %arg17[%swap3A_228] {strides = array<i32>} : memref<8448xi32, #tpu.memory_space<vmem>>, vector<16xi32>,
    tpu.vector_store %arg17[%swap3A_228], %broadcast_in_dim3A_3 {strides = array<i32>} : memref<8448xi32, #tpu.memory_space<vmem>>, vector<16xi32>,
    %add3A_230 = arith.constant 112 : i32
    %add3A_231 = arith.addi %parallel_loop3A_58#0, %add3A_230 : i32
    %swap3A_232 = arith.index_cast %add3A_231 : i32 to index
    %swap3A_233 = tpu.vector_load %arg18[%swap3A_232] {strides = array<i32>} : memref<8448xf32, #tpu.memory_space<vmem>>, vector<16xf32>,
    tpu.vector_store %arg18[%swap3A_232], %broadcast_in_dim3A_5 {strides = array<i32>} : memref<8448xf32, #tpu.memory_space<vmem>>, vector<16xf32>,
    %add3A_234 = arith.constant 112 : i32
    %add3A_235 = arith.addi %parallel_loop3A_58#0, %add3A_234 : i32
    %swap3A_236 = arith.index_cast %add3A_235 : i32 to index
    %swap3A_237 = tpu.vector_load %arg19[%swap3A_236] {strides = array<i32>} : memref<8448xf32, #tpu.memory_space<vmem>>, vector<16xf32>,
    tpu.vector_store %arg19[%swap3A_236], %broadcast_in_dim3A_5 {strides = array<i32>} : memref<8448xf32, #tpu.memory_space<vmem>>, vector<16xf32>,
    %add3A_238 = arith.constant 112 : i32
    %add3A_239 = arith.addi %parallel_loop3A_58#1, %add3A_238 : i32
    %swap3A_240 = arith.index_cast %add3A_239 : i32 to index
    %swap3A_241 = tpu.vector_load %arg20[%swap3A_240] {strides = array<i32>} : memref<8448xi32, #tpu.memory_space<vmem>>, vector<16xi32>,
    tpu.vector_store %arg20[%swap3A_240], %broadcast_in_dim3A_3 {strides = array<i32>} : memref<8448xi32, #tpu.memory_space<vmem>>, vector<16xi32>,
    %add3A_242 = arith.constant 112 : i32
    %add3A_243 = arith.addi %parallel_loop3A_58#1, %add3A_242 : i32
    %swap3A_244 = arith.index_cast %add3A_243 : i32 to index
    %swap3A_245 = tpu.vector_load %arg21[%swap3A_244] {strides = array<i32>} : memref<8448xf32, #tpu.memory_space<vmem>>, vector<16xf32>,
    tpu.vector_store %arg21[%swap3A_244], %broadcast_in_dim3A_5 {strides = array<i32>} : memref<8448xf32, #tpu.memory_space<vmem>>, vector<16xf32>,
    %add3A_246 = arith.constant 112 : i32
    %add3A_247 = arith.addi %parallel_loop3A_58#1, %add3A_246 : i32
    %swap3A_248 = arith.index_cast %add3A_247 : i32 to index
    %swap3A_249 = tpu.vector_load %arg22[%swap3A_248] {strides = array<i32>} : memref<8448xf32, #tpu.memory_space<vmem>>, vector<16xf32>,
    tpu.vector_store %arg22[%swap3A_248], %broadcast_in_dim3A_5 {strides = array<i32>} : memref<8448xf32, #tpu.memory_space<vmem>>, vector<16xf32>,
    %add3A_250 = arith.constant 127 : i32
    %add3A_251 = arith.addi %parallel_loop3A_58#0, %add3A_250 : i32
    %jit3A = arith.constant 128 : i32
    %div3A = arith.divsi %add3A_251, %jit3A : i32
    %sign3A = arith.constant 0 : i32
    %sign3A_252 = arith.cmpi sgt, %add3A_251, %sign3A : i32
    %sign3A_253 = arith.extui %sign3A_252 : i1 to i32
    %sign3A_254 = arith.constant 0 : i32
    %sign3A_255 = arith.cmpi slt, %add3A_251, %sign3A_254 : i32
    %sign3A_256 = arith.extui %sign3A_255 : i1 to i32
    %sign3A_257 = arith.subi %sign3A_253, %sign3A_256 : i32
    %sign3A_258 = arith.constant 0 : i32
    %sign3A_259 = arith.cmpi sgt, %jit3A, %sign3A_258 : i32
    %sign3A_260 = arith.extui %sign3A_259 : i1 to i32
    %sign3A_261 = arith.constant 0 : i32
    %sign3A_262 = arith.cmpi slt, %jit3A, %sign3A_261 : i32
    %sign3A_263 = arith.extui %sign3A_262 : i1 to i32
    %sign3A_264 = arith.subi %sign3A_260, %sign3A_263 : i32
    %ne3A = arith.cmpi ne, %sign3A_257, %sign3A_264 : i32
    %rem3A = arith.remsi %add3A_251, %jit3A : i32
    %ne3A_265 = arith.constant 0 : i32
    %ne3A_266 = arith.cmpi ne, %rem3A, %ne3A_265 : i32
    %and3A = arith.andi %ne3A, %ne3A_266 : i1
    %sub3A = arith.constant 1 : i32
    %sub3A_267 = arith.subi %div3A, %sub3A : i32
    %select_n3A = arith.select %and3A, %sub3A_267, %div3A : i32
    %while3A = arith.constant 0 : i32
    %while3A_268 = arith.constant 0 : i32
    %while3A_269 = arith.subi %select_n3A, %while3A : i32
    %while3A_270 = arith.addi %while3A, %while3A_269 : i32
    %while3A_271 = arith.constant 1 : i32
    %while3A_272 = arith.divsi %while3A_269, %while3A_271 : i32
    %while3A_273 = arith.muli %while3A_272, %while3A_271 : i32
    %while3A_274 = arith.addi %while3A, %while3A_273 : i32
    %while3A_275 = arith.constant 1 : i32
    %while3A_276 = scf.for %while3A_620 = %while3A to %while3A_274 step %while3A_275 iter_args(%while3A_621 = %while3A_268) -> (i32)  : i32 {
      %mul3A_622 = arith.constant 128 : i32
      %mul3A_623 = arith.muli %while3A_620, %mul3A_622 : i32
      %mul3A_624 = arith.constant 128 : i32
      %mul3A_625 = arith.muli %while3A_620, %mul3A_624 : i32
      %dma_start3A_626 = tpu.memref_slice %arg18[%mul3A_625] : memref<8448xf32, #tpu.memory_space<vmem>> -> memref<128xf32, #tpu.memory_space<vmem>>
      %dma_start3A_627 = tpu.memref_slice %arg17[%mul3A_623] : memref<8448xi32, #tpu.memory_space<vmem>> -> memref<128xi32, #tpu.memory_space<vmem>>
      %dma_start3A_628 = arith.constant 0 : i32
      %dma_start3A_629 = tpu.memref_slice %arg23[%dma_start3A_628] : memref<16384xf32, #tpu.memory_space<vmem_shared>> -> memref<16384xf32, #tpu.memory_space<vmem_shared>>
      tpu.enqueue_indirect_dma source(%dma_start3A_626 : memref<128xf32, #tpu.memory_space<vmem>>) target(%dma_start3A_629 : memref<16384xf32, #tpu.memory_space<vmem_shared>>) offsets(%dma_start3A_627 : memref<128xi32, #tpu.memory_space<vmem>>) semaphore(%arg26 : memref<!tpu.dma_semaphore, #tpu.memory_space<semaphore_mem>>) {add = true}
      %mul3A_630 = arith.constant 128 : i32
      %mul3A_631 = arith.muli %while3A_620, %mul3A_630 : i32
      %dma_start3A_632 = tpu.memref_slice %arg19[%mul3A_631] : memref<8448xf32, #tpu.memory_space<vmem>> -> memref<128xf32, #tpu.memory_space<vmem>>
      %dma_start3A_633 = tpu.memref_slice %arg17[%mul3A_623] : memref<8448xi32, #tpu.memory_space<vmem>> -> memref<128xi32, #tpu.memory_space<vmem>>
      %dma_start3A_634 = arith.constant 0 : i32
      %dma_start3A_635 = tpu.memref_slice %arg24[%dma_start3A_634] : memref<16384xf32, #tpu.memory_space<vmem_shared>> -> memref<16384xf32, #tpu.memory_space<vmem_shared>>
      tpu.enqueue_indirect_dma source(%dma_start3A_632 : memref<128xf32, #tpu.memory_space<vmem>>) target(%dma_start3A_635 : memref<16384xf32, #tpu.memory_space<vmem_shared>>) offsets(%dma_start3A_633 : memref<128xi32, #tpu.memory_space<vmem>>) semaphore(%arg26 : memref<!tpu.dma_semaphore, #tpu.memory_space<semaphore_mem>>) {add = true}
      %dma_wait3A_636 = tpu.memref_slice %arg18[%mul3A_625] : memref<8448xf32, #tpu.memory_space<vmem>> -> memref<128xf32, #tpu.memory_space<vmem>>
      %dma_wait3A_637 = tpu.memref_slice %arg17[%mul3A_623] : memref<8448xi32, #tpu.memory_space<vmem>> -> memref<128xi32, #tpu.memory_space<vmem>>
      %dma_wait3A_638 = arith.constant 0 : i32
      %dma_wait3A_639 = tpu.memref_slice %arg23[%dma_wait3A_638] : memref<16384xf32, #tpu.memory_space<vmem_shared>> -> memref<16384xf32, #tpu.memory_space<vmem_shared>>
      tpu.wait_indirect_dma semaphore(%arg26 : memref<!tpu.dma_semaphore, #tpu.memory_space<semaphore_mem>>) src(%dma_wait3A_636 : memref<128xf32, #tpu.memory_space<vmem>>) dst(%dma_wait3A_639 : memref<16384xf32, #tpu.memory_space<vmem_shared>>)
      %dma_wait3A_640 = tpu.memref_slice %arg19[%mul3A_631] : memref<8448xf32, #tpu.memory_space<vmem>> -> memref<128xf32, #tpu.memory_space<vmem>>
      %dma_wait3A_641 = tpu.memref_slice %arg17[%mul3A_623] : memref<8448xi32, #tpu.memory_space<vmem>> -> memref<128xi32, #tpu.memory_space<vmem>>
      %dma_wait3A_642 = arith.constant 0 : i32
      %dma_wait3A_643 = tpu.memref_slice %arg24[%dma_wait3A_642] : memref<16384xf32, #tpu.memory_space<vmem_shared>> -> memref<16384xf32, #tpu.memory_space<vmem_shared>>
      tpu.wait_indirect_dma semaphore(%arg26 : memref<!tpu.dma_semaphore, #tpu.memory_space<semaphore_mem>>) src(%dma_wait3A_640 : memref<128xf32, #tpu.memory_space<vmem>>) dst(%dma_wait3A_643 : memref<16384xf32, #tpu.memory_space<vmem_shared>>)
      %while3A_644 = arith.constant 0 : i32
      scf.yield %while3A_644 : i32
    }
    %while3A_277 = arith.constant 1 : i32
    %while3A_278 = scf.for %while3A_620 = %while3A_274 to %while3A_270 step %while3A_277 iter_args(%while3A_621 = %while3A_276) -> (i32)  : i32 {
      %mul3A_622 = arith.constant 128 : i32
      %mul3A_623 = arith.muli %while3A_620, %mul3A_622 : i32
      %mul3A_624 = arith.constant 128 : i32
      %mul3A_625 = arith.muli %while3A_620, %mul3A_624 : i32
      %dma_start3A_626 = tpu.memref_slice %arg18[%mul3A_625] : memref<8448xf32, #tpu.memory_space<vmem>> -> memref<128xf32, #tpu.memory_space<vmem>>
      %dma_start3A_627 = tpu.memref_slice %arg17[%mul3A_623] : memref<8448xi32, #tpu.memory_space<vmem>> -> memref<128xi32, #tpu.memory_space<vmem>>
      %dma_start3A_628 = arith.constant 0 : i32
      %dma_start3A_629 = tpu.memref_slice %arg23[%dma_start3A_628] : memref<16384xf32, #tpu.memory_space<vmem_shared>> -> memref<16384xf32, #tpu.memory_space<vmem_shared>>
      tpu.enqueue_indirect_dma source(%dma_start3A_626 : memref<128xf32, #tpu.memory_space<vmem>>) target(%dma_start3A_629 : memref<16384xf32, #tpu.memory_space<vmem_shared>>) offsets(%dma_start3A_627 : memref<128xi32, #tpu.memory_space<vmem>>) semaphore(%arg26 : memref<!tpu.dma_semaphore, #tpu.memory_space<semaphore_mem>>) {add = true}
      %mul3A_630 = arith.constant 128 : i32
      %mul3A_631 = arith.muli %while3A_620, %mul3A_630 : i32
      %dma_start3A_632 = tpu.memref_slice %arg19[%mul3A_631] : memref<8448xf32, #tpu.memory_space<vmem>> -> memref<128xf32, #tpu.memory_space<vmem>>
      %dma_start3A_633 = tpu.memref_slice %arg17[%mul3A_623] : memref<8448xi32, #tpu.memory_space<vmem>> -> memref<128xi32, #tpu.memory_space<vmem>>
      %dma_start3A_634 = arith.constant 0 : i32
      %dma_start3A_635 = tpu.memref_slice %arg24[%dma_start3A_634] : memref<16384xf32, #tpu.memory_space<vmem_shared>> -> memref<16384xf32, #tpu.memory_space<vmem_shared>>
      tpu.enqueue_indirect_dma source(%dma_start3A_632 : memref<128xf32, #tpu.memory_space<vmem>>) target(%dma_start3A_635 : memref<16384xf32, #tpu.memory_space<vmem_shared>>) offsets(%dma_start3A_633 : memref<128xi32, #tpu.memory_space<vmem>>) semaphore(%arg26 : memref<!tpu.dma_semaphore, #tpu.memory_space<semaphore_mem>>) {add = true}
      %dma_wait3A_636 = tpu.memref_slice %arg18[%mul3A_625] : memref<8448xf32, #tpu.memory_space<vmem>> -> memref<128xf32, #tpu.memory_space<vmem>>
      %dma_wait3A_637 = tpu.memref_slice %arg17[%mul3A_623] : memref<8448xi32, #tpu.memory_space<vmem>> -> memref<128xi32, #tpu.memory_space<vmem>>
      %dma_wait3A_638 = arith.constant 0 : i32
      %dma_wait3A_639 = tpu.memref_slice %arg23[%dma_wait3A_638] : memref<16384xf32, #tpu.memory_space<vmem_shared>> -> memref<16384xf32, #tpu.memory_space<vmem_shared>>
      tpu.wait_indirect_dma semaphore(%arg26 : memref<!tpu.dma_semaphore, #tpu.memory_space<semaphore_mem>>) src(%dma_wait3A_636 : memref<128xf32, #tpu.memory_space<vmem>>) dst(%dma_wait3A_639 : memref<16384xf32, #tpu.memory_space<vmem_shared>>)
      %dma_wait3A_640 = tpu.memref_slice %arg19[%mul3A_631] : memref<8448xf32, #tpu.memory_space<vmem>> -> memref<128xf32, #tpu.memory_space<vmem>>
      %dma_wait3A_641 = tpu.memref_slice %arg17[%mul3A_623] : memref<8448xi32, #tpu.memory_space<vmem>> -> memref<128xi32, #tpu.memory_space<vmem>>
      %dma_wait3A_642 = arith.constant 0 : i32
      %dma_wait3A_643 = tpu.memref_slice %arg24[%dma_wait3A_642] : memref<16384xf32, #tpu.memory_space<vmem_shared>> -> memref<16384xf32, #tpu.memory_space<vmem_shared>>
      tpu.wait_indirect_dma semaphore(%arg26 : memref<!tpu.dma_semaphore, #tpu.memory_space<semaphore_mem>>) src(%dma_wait3A_640 : memref<128xf32, #tpu.memory_space<vmem>>) dst(%dma_wait3A_643 : memref<16384xf32, #tpu.memory_space<vmem_shared>>)
      %while3A_644 = arith.constant 0 : i32
      scf.yield %while3A_644 : i32
    }
    %add3A_279 = arith.constant 127 : i32
    %add3A_280 = arith.addi %parallel_loop3A_58#1, %add3A_279 : i32
    %jit3A_281 = arith.constant 128 : i32
    %div3A_282 = arith.divsi %add3A_280, %jit3A_281 : i32
    %sign3A_283 = arith.constant 0 : i32
    %sign3A_284 = arith.cmpi sgt, %add3A_280, %sign3A_283 : i32
    %sign3A_285 = arith.extui %sign3A_284 : i1 to i32
    %sign3A_286 = arith.constant 0 : i32
    %sign3A_287 = arith.cmpi slt, %add3A_280, %sign3A_286 : i32
    %sign3A_288 = arith.extui %sign3A_287 : i1 to i32
    %sign3A_289 = arith.subi %sign3A_285, %sign3A_288 : i32
    %sign3A_290 = arith.constant 0 : i32
    %sign3A_291 = arith.cmpi sgt, %jit3A_281, %sign3A_290 : i32
    %sign3A_292 = arith.extui %sign3A_291 : i1 to i32
    %sign3A_293 = arith.constant 0 : i32
    %sign3A_294 = arith.cmpi slt, %jit3A_281, %sign3A_293 : i32
    %sign3A_295 = arith.extui %sign3A_294 : i1 to i32
    %sign3A_296 = arith.subi %sign3A_292, %sign3A_295 : i32
    %ne3A_297 = arith.cmpi ne, %sign3A_289, %sign3A_296 : i32
    %rem3A_298 = arith.remsi %add3A_280, %jit3A_281 : i32
    %ne3A_299 = arith.constant 0 : i32
    %ne3A_300 = arith.cmpi ne, %rem3A_298, %ne3A_299 : i32
    %and3A_301 = arith.andi %ne3A_297, %ne3A_300 : i1
    %sub3A_302 = arith.constant 1 : i32
    %sub3A_303 = arith.subi %div3A_282, %sub3A_302 : i32
    %select_n3A_304 = arith.select %and3A_301, %sub3A_303, %div3A_282 : i32
    %while3A_305 = arith.constant 0 : i32
    %while3A_306 = arith.constant 0 : i32
    %while3A_307 = arith.subi %select_n3A_304, %while3A_305 : i32
    %while3A_308 = arith.addi %while3A_305, %while3A_307 : i32
    %while3A_309 = arith.constant 1 : i32
    %while3A_310 = arith.divsi %while3A_307, %while3A_309 : i32
    %while3A_311 = arith.muli %while3A_310, %while3A_309 : i32
    %while3A_312 = arith.addi %while3A_305, %while3A_311 : i32
    %while3A_313 = arith.constant 1 : i32
    %while3A_314 = scf.for %while3A_620 = %while3A_305 to %while3A_312 step %while3A_313 iter_args(%while3A_621 = %while3A_306) -> (i32)  : i32 {
      %mul3A_622 = arith.constant 128 : i32
      %mul3A_623 = arith.muli %while3A_620, %mul3A_622 : i32
      %mul3A_624 = arith.constant 128 : i32
      %mul3A_625 = arith.muli %while3A_620, %mul3A_624 : i32
      %dma_start3A_626 = tpu.memref_slice %arg21[%mul3A_625] : memref<8448xf32, #tpu.memory_space<vmem>> -> memref<128xf32, #tpu.memory_space<vmem>>
      %dma_start3A_627 = tpu.memref_slice %arg20[%mul3A_623] : memref<8448xi32, #tpu.memory_space<vmem>> -> memref<128xi32, #tpu.memory_space<vmem>>
      %dma_start3A_628 = arith.constant 0 : i32
      %dma_start3A_629 = tpu.memref_slice %arg23[%dma_start3A_628] : memref<16384xf32, #tpu.memory_space<vmem_shared>> -> memref<16384xf32, #tpu.memory_space<vmem_shared>>
      tpu.enqueue_indirect_dma source(%dma_start3A_626 : memref<128xf32, #tpu.memory_space<vmem>>) target(%dma_start3A_629 : memref<16384xf32, #tpu.memory_space<vmem_shared>>) offsets(%dma_start3A_627 : memref<128xi32, #tpu.memory_space<vmem>>) semaphore(%arg26 : memref<!tpu.dma_semaphore, #tpu.memory_space<semaphore_mem>>) {add = true}
      %mul3A_630 = arith.constant 128 : i32
      %mul3A_631 = arith.muli %while3A_620, %mul3A_630 : i32
      %dma_start3A_632 = tpu.memref_slice %arg22[%mul3A_631] : memref<8448xf32, #tpu.memory_space<vmem>> -> memref<128xf32, #tpu.memory_space<vmem>>
      %dma_start3A_633 = tpu.memref_slice %arg20[%mul3A_623] : memref<8448xi32, #tpu.memory_space<vmem>> -> memref<128xi32, #tpu.memory_space<vmem>>
      %dma_start3A_634 = arith.constant 0 : i32
      %dma_start3A_635 = tpu.memref_slice %arg24[%dma_start3A_634] : memref<16384xf32, #tpu.memory_space<vmem_shared>> -> memref<16384xf32, #tpu.memory_space<vmem_shared>>
      tpu.enqueue_indirect_dma source(%dma_start3A_632 : memref<128xf32, #tpu.memory_space<vmem>>) target(%dma_start3A_635 : memref<16384xf32, #tpu.memory_space<vmem_shared>>) offsets(%dma_start3A_633 : memref<128xi32, #tpu.memory_space<vmem>>) semaphore(%arg26 : memref<!tpu.dma_semaphore, #tpu.memory_space<semaphore_mem>>) {add = true}
      %dma_wait3A_636 = tpu.memref_slice %arg21[%mul3A_625] : memref<8448xf32, #tpu.memory_space<vmem>> -> memref<128xf32, #tpu.memory_space<vmem>>
      %dma_wait3A_637 = tpu.memref_slice %arg20[%mul3A_623] : memref<8448xi32, #tpu.memory_space<vmem>> -> memref<128xi32, #tpu.memory_space<vmem>>
      %dma_wait3A_638 = arith.constant 0 : i32
      %dma_wait3A_639 = tpu.memref_slice %arg23[%dma_wait3A_638] : memref<16384xf32, #tpu.memory_space<vmem_shared>> -> memref<16384xf32, #tpu.memory_space<vmem_shared>>
      tpu.wait_indirect_dma semaphore(%arg26 : memref<!tpu.dma_semaphore, #tpu.memory_space<semaphore_mem>>) src(%dma_wait3A_636 : memref<128xf32, #tpu.memory_space<vmem>>) dst(%dma_wait3A_639 : memref<16384xf32, #tpu.memory_space<vmem_shared>>)
      %dma_wait3A_640 = tpu.memref_slice %arg22[%mul3A_631] : memref<8448xf32, #tpu.memory_space<vmem>> -> memref<128xf32, #tpu.memory_space<vmem>>
      %dma_wait3A_641 = tpu.memref_slice %arg20[%mul3A_623] : memref<8448xi32, #tpu.memory_space<vmem>> -> memref<128xi32, #tpu.memory_space<vmem>>
      %dma_wait3A_642 = arith.constant 0 : i32
      %dma_wait3A_643 = tpu.memref_slice %arg24[%dma_wait3A_642] : memref<16384xf32, #tpu.memory_space<vmem_shared>> -> memref<16384xf32, #tpu.memory_space<vmem_shared>>
      tpu.wait_indirect_dma semaphore(%arg26 : memref<!tpu.dma_semaphore, #tpu.memory_space<semaphore_mem>>) src(%dma_wait3A_640 : memref<128xf32, #tpu.memory_space<vmem>>) dst(%dma_wait3A_643 : memref<16384xf32, #tpu.memory_space<vmem_shared>>)
      %while3A_644 = arith.constant 0 : i32
      scf.yield %while3A_644 : i32
    }
    %while3A_315 = arith.constant 1 : i32
    %while3A_316 = scf.for %while3A_620 = %while3A_312 to %while3A_308 step %while3A_315 iter_args(%while3A_621 = %while3A_314) -> (i32)  : i32 {
      %mul3A_622 = arith.constant 128 : i32
      %mul3A_623 = arith.muli %while3A_620, %mul3A_622 : i32
      %mul3A_624 = arith.constant 128 : i32
      %mul3A_625 = arith.muli %while3A_620, %mul3A_624 : i32
      %dma_start3A_626 = tpu.memref_slice %arg21[%mul3A_625] : memref<8448xf32, #tpu.memory_space<vmem>> -> memref<128xf32, #tpu.memory_space<vmem>>
      %dma_start3A_627 = tpu.memref_slice %arg20[%mul3A_623] : memref<8448xi32, #tpu.memory_space<vmem>> -> memref<128xi32, #tpu.memory_space<vmem>>
      %dma_start3A_628 = arith.constant 0 : i32
      %dma_start3A_629 = tpu.memref_slice %arg23[%dma_start3A_628] : memref<16384xf32, #tpu.memory_space<vmem_shared>> -> memref<16384xf32, #tpu.memory_space<vmem_shared>>
      tpu.enqueue_indirect_dma source(%dma_start3A_626 : memref<128xf32, #tpu.memory_space<vmem>>) target(%dma_start3A_629 : memref<16384xf32, #tpu.memory_space<vmem_shared>>) offsets(%dma_start3A_627 : memref<128xi32, #tpu.memory_space<vmem>>) semaphore(%arg26 : memref<!tpu.dma_semaphore, #tpu.memory_space<semaphore_mem>>) {add = true}
      %mul3A_630 = arith.constant 128 : i32
      %mul3A_631 = arith.muli %while3A_620, %mul3A_630 : i32
      %dma_start3A_632 = tpu.memref_slice %arg22[%mul3A_631] : memref<8448xf32, #tpu.memory_space<vmem>> -> memref<128xf32, #tpu.memory_space<vmem>>
      %dma_start3A_633 = tpu.memref_slice %arg20[%mul3A_623] : memref<8448xi32, #tpu.memory_space<vmem>> -> memref<128xi32, #tpu.memory_space<vmem>>
      %dma_start3A_634 = arith.constant 0 : i32
      %dma_start3A_635 = tpu.memref_slice %arg24[%dma_start3A_634] : memref<16384xf32, #tpu.memory_space<vmem_shared>> -> memref<16384xf32, #tpu.memory_space<vmem_shared>>
      tpu.enqueue_indirect_dma source(%dma_start3A_632 : memref<128xf32, #tpu.memory_space<vmem>>) target(%dma_start3A_635 : memref<16384xf32, #tpu.memory_space<vmem_shared>>) offsets(%dma_start3A_633 : memref<128xi32, #tpu.memory_space<vmem>>) semaphore(%arg26 : memref<!tpu.dma_semaphore, #tpu.memory_space<semaphore_mem>>) {add = true}
      %dma_wait3A_636 = tpu.memref_slice %arg21[%mul3A_625] : memref<8448xf32, #tpu.memory_space<vmem>> -> memref<128xf32, #tpu.memory_space<vmem>>
      %dma_wait3A_637 = tpu.memref_slice %arg20[%mul3A_623] : memref<8448xi32, #tpu.memory_space<vmem>> -> memref<128xi32, #tpu.memory_space<vmem>>
      %dma_wait3A_638 = arith.constant 0 : i32
      %dma_wait3A_639 = tpu.memref_slice %arg23[%dma_wait3A_638] : memref<16384xf32, #tpu.memory_space<vmem_shared>> -> memref<16384xf32, #tpu.memory_space<vmem_shared>>
      tpu.wait_indirect_dma semaphore(%arg26 : memref<!tpu.dma_semaphore, #tpu.memory_space<semaphore_mem>>) src(%dma_wait3A_636 : memref<128xf32, #tpu.memory_space<vmem>>) dst(%dma_wait3A_639 : memref<16384xf32, #tpu.memory_space<vmem_shared>>)
      %dma_wait3A_640 = tpu.memref_slice %arg22[%mul3A_631] : memref<8448xf32, #tpu.memory_space<vmem>> -> memref<128xf32, #tpu.memory_space<vmem>>
      %dma_wait3A_641 = tpu.memref_slice %arg20[%mul3A_623] : memref<8448xi32, #tpu.memory_space<vmem>> -> memref<128xi32, #tpu.memory_space<vmem>>
      %dma_wait3A_642 = arith.constant 0 : i32
      %dma_wait3A_643 = tpu.memref_slice %arg24[%dma_wait3A_642] : memref<16384xf32, #tpu.memory_space<vmem_shared>> -> memref<16384xf32, #tpu.memory_space<vmem_shared>>
      tpu.wait_indirect_dma semaphore(%arg26 : memref<!tpu.dma_semaphore, #tpu.memory_space<semaphore_mem>>) src(%dma_wait3A_640 : memref<128xf32, #tpu.memory_space<vmem>>) dst(%dma_wait3A_643 : memref<16384xf32, #tpu.memory_space<vmem_shared>>)
      %while3A_644 = arith.constant 0 : i32
      scf.yield %while3A_644 : i32
    }
    %dma_wait3A_317 = tpu.memref_slice %arg2[%add3A_28] : memref<524288xf32, #tpu.memory_space<hbm>> -> memref<8192xf32, #tpu.memory_space<hbm>>
    %dma_wait3A_318 = tpu.memref_slice %arg2[%add3A_28] : memref<524288xf32, #tpu.memory_space<hbm>> -> memref<8192xf32, #tpu.memory_space<hbm>>
    tpu.wait_dma2 semaphore(%arg25 : memref<!tpu.dma_semaphore, #tpu.memory_space<semaphore_mem>>) src(%dma_wait3A_318 : memref<8192xf32, #tpu.memory_space<hbm>>) dst(%arg9 : memref<8192xf32, #tpu.memory_space<vmem>>)
    %dma_wait3A_319 = tpu.memref_slice %arg3[%add3A_28] : memref<524288xf32, #tpu.memory_space<hbm>> -> memref<8192xf32, #tpu.memory_space<hbm>>
    %dma_wait3A_320 = tpu.memref_slice %arg3[%add3A_28] : memref<524288xf32, #tpu.memory_space<hbm>> -> memref<8192xf32, #tpu.memory_space<hbm>>
    tpu.wait_dma2 semaphore(%arg25 : memref<!tpu.dma_semaphore, #tpu.memory_space<semaphore_mem>>) src(%dma_wait3A_320 : memref<8192xf32, #tpu.memory_space<hbm>>) dst(%arg11 : memref<8192xf32, #tpu.memory_space<vmem>>)
    %dma_wait3A_321 = tpu.memref_slice %arg4[%add3A_28] : memref<524288xi32, #tpu.memory_space<hbm>> -> memref<8192xi32, #tpu.memory_space<hbm>>
    %dma_wait3A_322 = tpu.memref_slice %arg4[%add3A_28] : memref<524288xi32, #tpu.memory_space<hbm>> -> memref<8192xi32, #tpu.memory_space<hbm>>
    tpu.wait_dma2 semaphore(%arg25 : memref<!tpu.dma_semaphore, #tpu.memory_space<semaphore_mem>>) src(%dma_wait3A_322 : memref<8192xi32, #tpu.memory_space<hbm>>) dst(%arg13 : memref<8192xi32, #tpu.memory_space<vmem>>)
    %parallel_loop3A_323 = arith.constant 0 : i32
    %parallel_loop3A_324 = arith.constant 8192 : i32
    %parallel_loop3A_325 = arith.constant 16 : i32
    %parallel_loop3A_326 = arith.constant 0 : i32
    %parallel_loop3A_327 = arith.constant 0 : i32
    %parallel_loop3A_328:2 = scf.for %parallel_loop3A_620 = %parallel_loop3A_323 to %parallel_loop3A_324 step %parallel_loop3A_325 iter_args(%parallel_loop3A_621 = %parallel_loop3A_326, %parallel_loop3A_622 = %parallel_loop3A_327) -> (i32, i32)  : i32 {
      %parallel_loop3A_623 = arith.index_cast %parallel_loop3A_620 : i32 to index
      %parallel_loop3A_624 = tpu.vector_load %arg15[%parallel_loop3A_623] {strides = array<i32>} : memref<8208xi32, #tpu.memory_space<vmem>>, vector<16xi32>,
      %parallel_loop3A_625 = arith.constant 1 : i32
      %parallel_loop3A_626 = arith.addi %parallel_loop3A_620, %parallel_loop3A_625 : i32
      %parallel_loop3A_627 = arith.index_cast %parallel_loop3A_626 : i32 to index
      %parallel_loop3A_628 = tpu.vector_load %arg15[%parallel_loop3A_627] {strides = array<i32>} : memref<8208xi32, #tpu.memory_space<vmem>>, vector<16xi32>,
      %parallel_loop3A_629 = arith.index_cast %parallel_loop3A_620 : i32 to index
      %parallel_loop3A_630 = tpu.vector_load %arg9[%parallel_loop3A_629] {strides = array<i32>} : memref<8192xf32, #tpu.memory_space<vmem>>, vector<16xf32>,
      %parallel_loop3A_631 = arith.index_cast %parallel_loop3A_620 : i32 to index
      %parallel_loop3A_632 = tpu.vector_load %arg11[%parallel_loop3A_631] {strides = array<i32>} : memref<8192xf32, #tpu.memory_space<vmem>>, vector<16xf32>,
      %parallel_loop3A_633 = arith.constant 1.000000e+00 : f32
      %parallel_loop3A_634 = vector.broadcast %parallel_loop3A_633 : f32 to vector<16xf32>
      %parallel_loop3A_635 = arith.divf %parallel_loop3A_634, %parallel_loop3A_632 : vector<16xf32>
      %parallel_loop3A_636 = arith.index_cast %parallel_loop3A_620 : i32 to index
      %parallel_loop3A_637 = tpu.vector_load %arg13[%parallel_loop3A_636] {strides = array<i32>} : memref<8192xi32, #tpu.memory_space<vmem>>, vector<16xi32>,
      %parallel_loop3A_638 = arith.sitofp %parallel_loop3A_637 : vector<16xi32> to vector<16xf32>
      %parallel_loop3A_639 = arith.mulf %parallel_loop3A_630, %parallel_loop3A_635 : vector<16xf32>
      %parallel_loop3A_640 = arith.addf %parallel_loop3A_639, %parallel_loop3A_638 : vector<16xf32>
      %parallel_loop3A_641 = arith.constant true
      %parallel_loop3A_642 = vector.broadcast %parallel_loop3A_641 : i1 to vector<16xi1>
      %parallel_loop3A_643 = tpu.scan <sum>, %parallel_loop3A_640 masked %parallel_loop3A_642 : vector<16xf32>, vector<16xi1> -> vector<16xf32>
      %parallel_loop3A_644 = arith.constant true
      %parallel_loop3A_645 = vector.broadcast %parallel_loop3A_644 : i1 to vector<16xi1>
      %parallel_loop3A_646 = tpu.scan <sum>, %parallel_loop3A_635 masked %parallel_loop3A_645 : vector<16xf32>, vector<16xi1> -> vector<16xf32>
      %parallel_loop3A_647 = arith.cmpi ne, %parallel_loop3A_624, %parallel_loop3A_628 : vector<16xi32>
      %parallel_loop3A_648 = arith.ori %parallel_loop3A_647, %eq3A_7 : vector<16xi1>
      %parallel_loop3A_649 = arith.constant dense<true> : vector<16xi1>
      %parallel_loop3A_650 = arith.xori %eq3A_7, %parallel_loop3A_649 : vector<16xi1>
      %parallel_loop3A_651 = arith.andi %parallel_loop3A_647, %parallel_loop3A_650 : vector<16xi1>
      %parallel_loop3A_652 = arith.index_cast %parallel_loop3A_621 : i32 to index
      %parallel_loop3A_653 = tpu.vector_load %arg17[%parallel_loop3A_652] masked %parallel_loop3A_648 {strides = array<i32>} : memref<8448xi32, #tpu.memory_space<vmem>>, vector<16xi32>, vector<16xi1>
      tpu.vector_store %arg17[%parallel_loop3A_652], %parallel_loop3A_624 masked %parallel_loop3A_648 {strides = array<i32>} : memref<8448xi32, #tpu.memory_space<vmem>>, vector<16xi32>, vector<16xi1>
      %parallel_loop3A_654 = arith.index_cast %parallel_loop3A_621 : i32 to index
      %parallel_loop3A_655 = tpu.vector_load %arg18[%parallel_loop3A_654] masked %parallel_loop3A_648 {strides = array<i32>} : memref<8448xf32, #tpu.memory_space<vmem>>, vector<16xf32>, vector<16xi1>
      tpu.vector_store %arg18[%parallel_loop3A_654], %parallel_loop3A_643 masked %parallel_loop3A_648 {strides = array<i32>} : memref<8448xf32, #tpu.memory_space<vmem>>, vector<16xf32>, vector<16xi1>
      %parallel_loop3A_656 = arith.index_cast %parallel_loop3A_621 : i32 to index
      %parallel_loop3A_657 = tpu.vector_load %arg19[%parallel_loop3A_656] masked %parallel_loop3A_648 {strides = array<i32>} : memref<8448xf32, #tpu.memory_space<vmem>>, vector<16xf32>, vector<16xi1>
      tpu.vector_store %arg19[%parallel_loop3A_656], %parallel_loop3A_646 masked %parallel_loop3A_648 {strides = array<i32>} : memref<8448xf32, #tpu.memory_space<vmem>>, vector<16xf32>, vector<16xi1>
      %parallel_loop3A_658 = arith.index_cast %parallel_loop3A_622 : i32 to index
      %parallel_loop3A_659 = tpu.vector_load %arg20[%parallel_loop3A_658] masked %parallel_loop3A_651 {strides = array<i32>} : memref<8448xi32, #tpu.memory_space<vmem>>, vector<16xi32>, vector<16xi1>
      tpu.vector_store %arg20[%parallel_loop3A_658], %parallel_loop3A_628 masked %parallel_loop3A_651 {strides = array<i32>} : memref<8448xi32, #tpu.memory_space<vmem>>, vector<16xi32>, vector<16xi1>
      %parallel_loop3A_660 = arith.constant 0.000000e+00 : f32
      %parallel_loop3A_661 = vector.broadcast %parallel_loop3A_660 : f32 to vector<16xf32>
      %parallel_loop3A_662 = arith.subf %parallel_loop3A_661, %parallel_loop3A_643 : vector<16xf32>
      %parallel_loop3A_663 = arith.index_cast %parallel_loop3A_622 : i32 to index
      %parallel_loop3A_664 = tpu.vector_load %arg21[%parallel_loop3A_663] masked %parallel_loop3A_651 {strides = array<i32>} : memref<8448xf32, #tpu.memory_space<vmem>>, vector<16xf32>, vector<16xi1>
      tpu.vector_store %arg21[%parallel_loop3A_663], %parallel_loop3A_662 masked %parallel_loop3A_651 {strides = array<i32>} : memref<8448xf32, #tpu.memory_space<vmem>>, vector<16xf32>, vector<16xi1>
      %parallel_loop3A_665 = arith.constant 0.000000e+00 : f32
      %parallel_loop3A_666 = vector.broadcast %parallel_loop3A_665 : f32 to vector<16xf32>
      %parallel_loop3A_667 = arith.subf %parallel_loop3A_666, %parallel_loop3A_646 : vector<16xf32>
      %parallel_loop3A_668 = arith.index_cast %parallel_loop3A_622 : i32 to index
      %parallel_loop3A_669 = tpu.vector_load %arg22[%parallel_loop3A_668] masked %parallel_loop3A_651 {strides = array<i32>} : memref<8448xf32, #tpu.memory_space<vmem>>, vector<16xf32>, vector<16xi1>
      tpu.vector_store %arg22[%parallel_loop3A_668], %parallel_loop3A_667 masked %parallel_loop3A_651 {strides = array<i32>} : memref<8448xf32, #tpu.memory_space<vmem>>, vector<16xf32>, vector<16xi1>
      %parallel_loop3A_670 = arith.extui %parallel_loop3A_648 : vector<16xi1> to vector<16xi32>
      %parallel_loop3A_671 = arith.constant true
      %parallel_loop3A_672 = vector.broadcast %parallel_loop3A_671 : i1 to vector<16xi1>
      %parallel_loop3A_673 = tpu.scan <sum>, %parallel_loop3A_670 masked %parallel_loop3A_672 : vector<16xi32>, vector<16xi1> -> vector<16xi32>
      %parallel_loop3A_674 = vector.extract %parallel_loop3A_673[15] : i32 from vector<16xi32>
      %parallel_loop3A_675 = arith.extui %parallel_loop3A_651 : vector<16xi1> to vector<16xi32>
      %parallel_loop3A_676 = arith.constant true
      %parallel_loop3A_677 = vector.broadcast %parallel_loop3A_676 : i1 to vector<16xi1>
      %parallel_loop3A_678 = tpu.scan <sum>, %parallel_loop3A_675 masked %parallel_loop3A_677 : vector<16xi32>, vector<16xi1> -> vector<16xi32>
      %parallel_loop3A_679 = vector.extract %parallel_loop3A_678[15] : i32 from vector<16xi32>
      %parallel_loop3A_680 = arith.addi %parallel_loop3A_621, %parallel_loop3A_674 : i32
      %parallel_loop3A_681 = arith.addi %parallel_loop3A_622, %parallel_loop3A_679 : i32
      scf.yield %parallel_loop3A_680, %parallel_loop3A_681 : i32, i32
    } {sc.loop_unroll_factor = 4 : i64, sc.parallel_access}
    %add3A_329 = arith.constant 0 : i32
    %add3A_330 = arith.addi %parallel_loop3A_328#0, %add3A_329 : i32
    %swap3A_331 = arith.index_cast %add3A_330 : i32 to index
    %swap3A_332 = tpu.vector_load %arg17[%swap3A_331] {strides = array<i32>} : memref<8448xi32, #tpu.memory_space<vmem>>, vector<16xi32>,
    tpu.vector_store %arg17[%swap3A_331], %broadcast_in_dim3A_3 {strides = array<i32>} : memref<8448xi32, #tpu.memory_space<vmem>>, vector<16xi32>,
    %add3A_333 = arith.constant 0 : i32
    %add3A_334 = arith.addi %parallel_loop3A_328#0, %add3A_333 : i32
    %swap3A_335 = arith.index_cast %add3A_334 : i32 to index
    %swap3A_336 = tpu.vector_load %arg18[%swap3A_335] {strides = array<i32>} : memref<8448xf32, #tpu.memory_space<vmem>>, vector<16xf32>,
    tpu.vector_store %arg18[%swap3A_335], %broadcast_in_dim3A_5 {strides = array<i32>} : memref<8448xf32, #tpu.memory_space<vmem>>, vector<16xf32>,
    %add3A_337 = arith.constant 0 : i32
    %add3A_338 = arith.addi %parallel_loop3A_328#0, %add3A_337 : i32
    %swap3A_339 = arith.index_cast %add3A_338 : i32 to index
    %swap3A_340 = tpu.vector_load %arg19[%swap3A_339] {strides = array<i32>} : memref<8448xf32, #tpu.memory_space<vmem>>, vector<16xf32>,
    tpu.vector_store %arg19[%swap3A_339], %broadcast_in_dim3A_5 {strides = array<i32>} : memref<8448xf32, #tpu.memory_space<vmem>>, vector<16xf32>,
    %add3A_341 = arith.constant 0 : i32
    %add3A_342 = arith.addi %parallel_loop3A_328#1, %add3A_341 : i32
    %swap3A_343 = arith.index_cast %add3A_342 : i32 to index
    %swap3A_344 = tpu.vector_load %arg20[%swap3A_343] {strides = array<i32>} : memref<8448xi32, #tpu.memory_space<vmem>>, vector<16xi32>,
    tpu.vector_store %arg20[%swap3A_343], %broadcast_in_dim3A_3 {strides = array<i32>} : memref<8448xi32, #tpu.memory_space<vmem>>, vector<16xi32>,
    %add3A_345 = arith.constant 0 : i32
    %add3A_346 = arith.addi %parallel_loop3A_328#1, %add3A_345 : i32
    %swap3A_347 = arith.index_cast %add3A_346 : i32 to index
    %swap3A_348 = tpu.vector_load %arg21[%swap3A_347] {strides = array<i32>} : memref<8448xf32, #tpu.memory_space<vmem>>, vector<16xf32>,
    tpu.vector_store %arg21[%swap3A_347], %broadcast_in_dim3A_5 {strides = array<i32>} : memref<8448xf32, #tpu.memory_space<vmem>>, vector<16xf32>,
    %add3A_349 = arith.constant 0 : i32
    %add3A_350 = arith.addi %parallel_loop3A_328#1, %add3A_349 : i32
    %swap3A_351 = arith.index_cast %add3A_350 : i32 to index
    %swap3A_352 = tpu.vector_load %arg22[%swap3A_351] {strides = array<i32>} : memref<8448xf32, #tpu.memory_space<vmem>>, vector<16xf32>,
    tpu.vector_store %arg22[%swap3A_351], %broadcast_in_dim3A_5 {strides = array<i32>} : memref<8448xf32, #tpu.memory_space<vmem>>, vector<16xf32>,
    %add3A_353 = arith.constant 16 : i32
    %add3A_354 = arith.addi %parallel_loop3A_328#0, %add3A_353 : i32
    %swap3A_355 = arith.index_cast %add3A_354 : i32 to index
    %swap3A_356 = tpu.vector_load %arg17[%swap3A_355] {strides = array<i32>} : memref<8448xi32, #tpu.memory_space<vmem>>, vector<16xi32>,
    tpu.vector_store %arg17[%swap3A_355], %broadcast_in_dim3A_3 {strides = array<i32>} : memref<8448xi32, #tpu.memory_space<vmem>>, vector<16xi32>,
    %add3A_357 = arith.constant 16 : i32
    %add3A_358 = arith.addi %parallel_loop3A_328#0, %add3A_357 : i32
    %swap3A_359 = arith.index_cast %add3A_358 : i32 to index
    %swap3A_360 = tpu.vector_load %arg18[%swap3A_359] {strides = array<i32>} : memref<8448xf32, #tpu.memory_space<vmem>>, vector<16xf32>,
    tpu.vector_store %arg18[%swap3A_359], %broadcast_in_dim3A_5 {strides = array<i32>} : memref<8448xf32, #tpu.memory_space<vmem>>, vector<16xf32>,
    %add3A_361 = arith.constant 16 : i32
    %add3A_362 = arith.addi %parallel_loop3A_328#0, %add3A_361 : i32
    %swap3A_363 = arith.index_cast %add3A_362 : i32 to index
    %swap3A_364 = tpu.vector_load %arg19[%swap3A_363] {strides = array<i32>} : memref<8448xf32, #tpu.memory_space<vmem>>, vector<16xf32>,
    tpu.vector_store %arg19[%swap3A_363], %broadcast_in_dim3A_5 {strides = array<i32>} : memref<8448xf32, #tpu.memory_space<vmem>>, vector<16xf32>,
    %add3A_365 = arith.constant 16 : i32
    %add3A_366 = arith.addi %parallel_loop3A_328#1, %add3A_365 : i32
    %swap3A_367 = arith.index_cast %add3A_366 : i32 to index
    %swap3A_368 = tpu.vector_load %arg20[%swap3A_367] {strides = array<i32>} : memref<8448xi32, #tpu.memory_space<vmem>>, vector<16xi32>,
    tpu.vector_store %arg20[%swap3A_367], %broadcast_in_dim3A_3 {strides = array<i32>} : memref<8448xi32, #tpu.memory_space<vmem>>, vector<16xi32>,
    %add3A_369 = arith.constant 16 : i32
    %add3A_370 = arith.addi %parallel_loop3A_328#1, %add3A_369 : i32
    %swap3A_371 = arith.index_cast %add3A_370 : i32 to index
    %swap3A_372 = tpu.vector_load %arg21[%swap3A_371] {strides = array<i32>} : memref<8448xf32, #tpu.memory_space<vmem>>, vector<16xf32>,
    tpu.vector_store %arg21[%swap3A_371], %broadcast_in_dim3A_5 {strides = array<i32>} : memref<8448xf32, #tpu.memory_space<vmem>>, vector<16xf32>,
    %add3A_373 = arith.constant 16 : i32
    %add3A_374 = arith.addi %parallel_loop3A_328#1, %add3A_373 : i32
    %swap3A_375 = arith.index_cast %add3A_374 : i32 to index
    %swap3A_376 = tpu.vector_load %arg22[%swap3A_375] {strides = array<i32>} : memref<8448xf32, #tpu.memory_space<vmem>>, vector<16xf32>,
    tpu.vector_store %arg22[%swap3A_375], %broadcast_in_dim3A_5 {strides = array<i32>} : memref<8448xf32, #tpu.memory_space<vmem>>, vector<16xf32>,
    %add3A_377 = arith.constant 32 : i32
    %add3A_378 = arith.addi %parallel_loop3A_328#0, %add3A_377 : i32
    %swap3A_379 = arith.index_cast %add3A_378 : i32 to index
    %swap3A_380 = tpu.vector_load %arg17[%swap3A_379] {strides = array<i32>} : memref<8448xi32, #tpu.memory_space<vmem>>, vector<16xi32>,
    tpu.vector_store %arg17[%swap3A_379], %broadcast_in_dim3A_3 {strides = array<i32>} : memref<8448xi32, #tpu.memory_space<vmem>>, vector<16xi32>,
    %add3A_381 = arith.constant 32 : i32
    %add3A_382 = arith.addi %parallel_loop3A_328#0, %add3A_381 : i32
    %swap3A_383 = arith.index_cast %add3A_382 : i32 to index
    %swap3A_384 = tpu.vector_load %arg18[%swap3A_383] {strides = array<i32>} : memref<8448xf32, #tpu.memory_space<vmem>>, vector<16xf32>,
    tpu.vector_store %arg18[%swap3A_383], %broadcast_in_dim3A_5 {strides = array<i32>} : memref<8448xf32, #tpu.memory_space<vmem>>, vector<16xf32>,
    %add3A_385 = arith.constant 32 : i32
    %add3A_386 = arith.addi %parallel_loop3A_328#0, %add3A_385 : i32
    %swap3A_387 = arith.index_cast %add3A_386 : i32 to index
    %swap3A_388 = tpu.vector_load %arg19[%swap3A_387] {strides = array<i32>} : memref<8448xf32, #tpu.memory_space<vmem>>, vector<16xf32>,
    tpu.vector_store %arg19[%swap3A_387], %broadcast_in_dim3A_5 {strides = array<i32>} : memref<8448xf32, #tpu.memory_space<vmem>>, vector<16xf32>,
    %add3A_389 = arith.constant 32 : i32
    %add3A_390 = arith.addi %parallel_loop3A_328#1, %add3A_389 : i32
    %swap3A_391 = arith.index_cast %add3A_390 : i32 to index
    %swap3A_392 = tpu.vector_load %arg20[%swap3A_391] {strides = array<i32>} : memref<8448xi32, #tpu.memory_space<vmem>>, vector<16xi32>,
    tpu.vector_store %arg20[%swap3A_391], %broadcast_in_dim3A_3 {strides = array<i32>} : memref<8448xi32, #tpu.memory_space<vmem>>, vector<16xi32>,
    %add3A_393 = arith.constant 32 : i32
    %add3A_394 = arith.addi %parallel_loop3A_328#1, %add3A_393 : i32
    %swap3A_395 = arith.index_cast %add3A_394 : i32 to index
    %swap3A_396 = tpu.vector_load %arg21[%swap3A_395] {strides = array<i32>} : memref<8448xf32, #tpu.memory_space<vmem>>, vector<16xf32>,
    tpu.vector_store %arg21[%swap3A_395], %broadcast_in_dim3A_5 {strides = array<i32>} : memref<8448xf32, #tpu.memory_space<vmem>>, vector<16xf32>,
    %add3A_397 = arith.constant 32 : i32
    %add3A_398 = arith.addi %parallel_loop3A_328#1, %add3A_397 : i32
    %swap3A_399 = arith.index_cast %add3A_398 : i32 to index
    %swap3A_400 = tpu.vector_load %arg22[%swap3A_399] {strides = array<i32>} : memref<8448xf32, #tpu.memory_space<vmem>>, vector<16xf32>,
    tpu.vector_store %arg22[%swap3A_399], %broadcast_in_dim3A_5 {strides = array<i32>} : memref<8448xf32, #tpu.memory_space<vmem>>, vector<16xf32>,
    %add3A_401 = arith.constant 48 : i32
    %add3A_402 = arith.addi %parallel_loop3A_328#0, %add3A_401 : i32
    %swap3A_403 = arith.index_cast %add3A_402 : i32 to index
    %swap3A_404 = tpu.vector_load %arg17[%swap3A_403] {strides = array<i32>} : memref<8448xi32, #tpu.memory_space<vmem>>, vector<16xi32>,
    tpu.vector_store %arg17[%swap3A_403], %broadcast_in_dim3A_3 {strides = array<i32>} : memref<8448xi32, #tpu.memory_space<vmem>>, vector<16xi32>,
    %add3A_405 = arith.constant 48 : i32
    %add3A_406 = arith.addi %parallel_loop3A_328#0, %add3A_405 : i32
    %swap3A_407 = arith.index_cast %add3A_406 : i32 to index
    %swap3A_408 = tpu.vector_load %arg18[%swap3A_407] {strides = array<i32>} : memref<8448xf32, #tpu.memory_space<vmem>>, vector<16xf32>,
    tpu.vector_store %arg18[%swap3A_407], %broadcast_in_dim3A_5 {strides = array<i32>} : memref<8448xf32, #tpu.memory_space<vmem>>, vector<16xf32>,
    %add3A_409 = arith.constant 48 : i32
    %add3A_410 = arith.addi %parallel_loop3A_328#0, %add3A_409 : i32
    %swap3A_411 = arith.index_cast %add3A_410 : i32 to index
    %swap3A_412 = tpu.vector_load %arg19[%swap3A_411] {strides = array<i32>} : memref<8448xf32, #tpu.memory_space<vmem>>, vector<16xf32>,
    tpu.vector_store %arg19[%swap3A_411], %broadcast_in_dim3A_5 {strides = array<i32>} : memref<8448xf32, #tpu.memory_space<vmem>>, vector<16xf32>,
    %add3A_413 = arith.constant 48 : i32
    %add3A_414 = arith.addi %parallel_loop3A_328#1, %add3A_413 : i32
    %swap3A_415 = arith.index_cast %add3A_414 : i32 to index
    %swap3A_416 = tpu.vector_load %arg20[%swap3A_415] {strides = array<i32>} : memref<8448xi32, #tpu.memory_space<vmem>>, vector<16xi32>,
    tpu.vector_store %arg20[%swap3A_415], %broadcast_in_dim3A_3 {strides = array<i32>} : memref<8448xi32, #tpu.memory_space<vmem>>, vector<16xi32>,
    %add3A_417 = arith.constant 48 : i32
    %add3A_418 = arith.addi %parallel_loop3A_328#1, %add3A_417 : i32
    %swap3A_419 = arith.index_cast %add3A_418 : i32 to index
    %swap3A_420 = tpu.vector_load %arg21[%swap3A_419] {strides = array<i32>} : memref<8448xf32, #tpu.memory_space<vmem>>, vector<16xf32>,
    tpu.vector_store %arg21[%swap3A_419], %broadcast_in_dim3A_5 {strides = array<i32>} : memref<8448xf32, #tpu.memory_space<vmem>>, vector<16xf32>,
    %add3A_421 = arith.constant 48 : i32
    %add3A_422 = arith.addi %parallel_loop3A_328#1, %add3A_421 : i32
    %swap3A_423 = arith.index_cast %add3A_422 : i32 to index
    %swap3A_424 = tpu.vector_load %arg22[%swap3A_423] {strides = array<i32>} : memref<8448xf32, #tpu.memory_space<vmem>>, vector<16xf32>,
    tpu.vector_store %arg22[%swap3A_423], %broadcast_in_dim3A_5 {strides = array<i32>} : memref<8448xf32, #tpu.memory_space<vmem>>, vector<16xf32>,
    %add3A_425 = arith.constant 64 : i32
    %add3A_426 = arith.addi %parallel_loop3A_328#0, %add3A_425 : i32
    %swap3A_427 = arith.index_cast %add3A_426 : i32 to index
    %swap3A_428 = tpu.vector_load %arg17[%swap3A_427] {strides = array<i32>} : memref<8448xi32, #tpu.memory_space<vmem>>, vector<16xi32>,
    tpu.vector_store %arg17[%swap3A_427], %broadcast_in_dim3A_3 {strides = array<i32>} : memref<8448xi32, #tpu.memory_space<vmem>>, vector<16xi32>,
    %add3A_429 = arith.constant 64 : i32
    %add3A_430 = arith.addi %parallel_loop3A_328#0, %add3A_429 : i32
    %swap3A_431 = arith.index_cast %add3A_430 : i32 to index
    %swap3A_432 = tpu.vector_load %arg18[%swap3A_431] {strides = array<i32>} : memref<8448xf32, #tpu.memory_space<vmem>>, vector<16xf32>,
    tpu.vector_store %arg18[%swap3A_431], %broadcast_in_dim3A_5 {strides = array<i32>} : memref<8448xf32, #tpu.memory_space<vmem>>, vector<16xf32>,
    %add3A_433 = arith.constant 64 : i32
    %add3A_434 = arith.addi %parallel_loop3A_328#0, %add3A_433 : i32
    %swap3A_435 = arith.index_cast %add3A_434 : i32 to index
    %swap3A_436 = tpu.vector_load %arg19[%swap3A_435] {strides = array<i32>} : memref<8448xf32, #tpu.memory_space<vmem>>, vector<16xf32>,
    tpu.vector_store %arg19[%swap3A_435], %broadcast_in_dim3A_5 {strides = array<i32>} : memref<8448xf32, #tpu.memory_space<vmem>>, vector<16xf32>,
    %add3A_437 = arith.constant 64 : i32
    %add3A_438 = arith.addi %parallel_loop3A_328#1, %add3A_437 : i32
    %swap3A_439 = arith.index_cast %add3A_438 : i32 to index
    %swap3A_440 = tpu.vector_load %arg20[%swap3A_439] {strides = array<i32>} : memref<8448xi32, #tpu.memory_space<vmem>>, vector<16xi32>,
    tpu.vector_store %arg20[%swap3A_439], %broadcast_in_dim3A_3 {strides = array<i32>} : memref<8448xi32, #tpu.memory_space<vmem>>, vector<16xi32>,
    %add3A_441 = arith.constant 64 : i32
    %add3A_442 = arith.addi %parallel_loop3A_328#1, %add3A_441 : i32
    %swap3A_443 = arith.index_cast %add3A_442 : i32 to index
    %swap3A_444 = tpu.vector_load %arg21[%swap3A_443] {strides = array<i32>} : memref<8448xf32, #tpu.memory_space<vmem>>, vector<16xf32>,
    tpu.vector_store %arg21[%swap3A_443], %broadcast_in_dim3A_5 {strides = array<i32>} : memref<8448xf32, #tpu.memory_space<vmem>>, vector<16xf32>,
    %add3A_445 = arith.constant 64 : i32
    %add3A_446 = arith.addi %parallel_loop3A_328#1, %add3A_445 : i32
    %swap3A_447 = arith.index_cast %add3A_446 : i32 to index
    %swap3A_448 = tpu.vector_load %arg22[%swap3A_447] {strides = array<i32>} : memref<8448xf32, #tpu.memory_space<vmem>>, vector<16xf32>,
    tpu.vector_store %arg22[%swap3A_447], %broadcast_in_dim3A_5 {strides = array<i32>} : memref<8448xf32, #tpu.memory_space<vmem>>, vector<16xf32>,
    %add3A_449 = arith.constant 80 : i32
    %add3A_450 = arith.addi %parallel_loop3A_328#0, %add3A_449 : i32
    %swap3A_451 = arith.index_cast %add3A_450 : i32 to index
    %swap3A_452 = tpu.vector_load %arg17[%swap3A_451] {strides = array<i32>} : memref<8448xi32, #tpu.memory_space<vmem>>, vector<16xi32>,
    tpu.vector_store %arg17[%swap3A_451], %broadcast_in_dim3A_3 {strides = array<i32>} : memref<8448xi32, #tpu.memory_space<vmem>>, vector<16xi32>,
    %add3A_453 = arith.constant 80 : i32
    %add3A_454 = arith.addi %parallel_loop3A_328#0, %add3A_453 : i32
    %swap3A_455 = arith.index_cast %add3A_454 : i32 to index
    %swap3A_456 = tpu.vector_load %arg18[%swap3A_455] {strides = array<i32>} : memref<8448xf32, #tpu.memory_space<vmem>>, vector<16xf32>,
    tpu.vector_store %arg18[%swap3A_455], %broadcast_in_dim3A_5 {strides = array<i32>} : memref<8448xf32, #tpu.memory_space<vmem>>, vector<16xf32>,
    %add3A_457 = arith.constant 80 : i32
    %add3A_458 = arith.addi %parallel_loop3A_328#0, %add3A_457 : i32
    %swap3A_459 = arith.index_cast %add3A_458 : i32 to index
    %swap3A_460 = tpu.vector_load %arg19[%swap3A_459] {strides = array<i32>} : memref<8448xf32, #tpu.memory_space<vmem>>, vector<16xf32>,
    tpu.vector_store %arg19[%swap3A_459], %broadcast_in_dim3A_5 {strides = array<i32>} : memref<8448xf32, #tpu.memory_space<vmem>>, vector<16xf32>,
    %add3A_461 = arith.constant 80 : i32
    %add3A_462 = arith.addi %parallel_loop3A_328#1, %add3A_461 : i32
    %swap3A_463 = arith.index_cast %add3A_462 : i32 to index
    %swap3A_464 = tpu.vector_load %arg20[%swap3A_463] {strides = array<i32>} : memref<8448xi32, #tpu.memory_space<vmem>>, vector<16xi32>,
    tpu.vector_store %arg20[%swap3A_463], %broadcast_in_dim3A_3 {strides = array<i32>} : memref<8448xi32, #tpu.memory_space<vmem>>, vector<16xi32>,
    %add3A_465 = arith.constant 80 : i32
    %add3A_466 = arith.addi %parallel_loop3A_328#1, %add3A_465 : i32
    %swap3A_467 = arith.index_cast %add3A_466 : i32 to index
    %swap3A_468 = tpu.vector_load %arg21[%swap3A_467] {strides = array<i32>} : memref<8448xf32, #tpu.memory_space<vmem>>, vector<16xf32>,
    tpu.vector_store %arg21[%swap3A_467], %broadcast_in_dim3A_5 {strides = array<i32>} : memref<8448xf32, #tpu.memory_space<vmem>>, vector<16xf32>,
    %add3A_469 = arith.constant 80 : i32
    %add3A_470 = arith.addi %parallel_loop3A_328#1, %add3A_469 : i32
    %swap3A_471 = arith.index_cast %add3A_470 : i32 to index
    %swap3A_472 = tpu.vector_load %arg22[%swap3A_471] {strides = array<i32>} : memref<8448xf32, #tpu.memory_space<vmem>>, vector<16xf32>,
    tpu.vector_store %arg22[%swap3A_471], %broadcast_in_dim3A_5 {strides = array<i32>} : memref<8448xf32, #tpu.memory_space<vmem>>, vector<16xf32>,
    %add3A_473 = arith.constant 96 : i32
    %add3A_474 = arith.addi %parallel_loop3A_328#0, %add3A_473 : i32
    %swap3A_475 = arith.index_cast %add3A_474 : i32 to index
    %swap3A_476 = tpu.vector_load %arg17[%swap3A_475] {strides = array<i32>} : memref<8448xi32, #tpu.memory_space<vmem>>, vector<16xi32>,
    tpu.vector_store %arg17[%swap3A_475], %broadcast_in_dim3A_3 {strides = array<i32>} : memref<8448xi32, #tpu.memory_space<vmem>>, vector<16xi32>,
    %add3A_477 = arith.constant 96 : i32
    %add3A_478 = arith.addi %parallel_loop3A_328#0, %add3A_477 : i32
    %swap3A_479 = arith.index_cast %add3A_478 : i32 to index
    %swap3A_480 = tpu.vector_load %arg18[%swap3A_479] {strides = array<i32>} : memref<8448xf32, #tpu.memory_space<vmem>>, vector<16xf32>,
    tpu.vector_store %arg18[%swap3A_479], %broadcast_in_dim3A_5 {strides = array<i32>} : memref<8448xf32, #tpu.memory_space<vmem>>, vector<16xf32>,
    %add3A_481 = arith.constant 96 : i32
    %add3A_482 = arith.addi %parallel_loop3A_328#0, %add3A_481 : i32
    %swap3A_483 = arith.index_cast %add3A_482 : i32 to index
    %swap3A_484 = tpu.vector_load %arg19[%swap3A_483] {strides = array<i32>} : memref<8448xf32, #tpu.memory_space<vmem>>, vector<16xf32>,
    tpu.vector_store %arg19[%swap3A_483], %broadcast_in_dim3A_5 {strides = array<i32>} : memref<8448xf32, #tpu.memory_space<vmem>>, vector<16xf32>,
    %add3A_485 = arith.constant 96 : i32
    %add3A_486 = arith.addi %parallel_loop3A_328#1, %add3A_485 : i32
    %swap3A_487 = arith.index_cast %add3A_486 : i32 to index
    %swap3A_488 = tpu.vector_load %arg20[%swap3A_487] {strides = array<i32>} : memref<8448xi32, #tpu.memory_space<vmem>>, vector<16xi32>,
    tpu.vector_store %arg20[%swap3A_487], %broadcast_in_dim3A_3 {strides = array<i32>} : memref<8448xi32, #tpu.memory_space<vmem>>, vector<16xi32>,
    %add3A_489 = arith.constant 96 : i32
    %add3A_490 = arith.addi %parallel_loop3A_328#1, %add3A_489 : i32
    %swap3A_491 = arith.index_cast %add3A_490 : i32 to index
    %swap3A_492 = tpu.vector_load %arg21[%swap3A_491] {strides = array<i32>} : memref<8448xf32, #tpu.memory_space<vmem>>, vector<16xf32>,
    tpu.vector_store %arg21[%swap3A_491], %broadcast_in_dim3A_5 {strides = array<i32>} : memref<8448xf32, #tpu.memory_space<vmem>>, vector<16xf32>,
    %add3A_493 = arith.constant 96 : i32
    %add3A_494 = arith.addi %parallel_loop3A_328#1, %add3A_493 : i32
    %swap3A_495 = arith.index_cast %add3A_494 : i32 to index
    %swap3A_496 = tpu.vector_load %arg22[%swap3A_495] {strides = array<i32>} : memref<8448xf32, #tpu.memory_space<vmem>>, vector<16xf32>,
    tpu.vector_store %arg22[%swap3A_495], %broadcast_in_dim3A_5 {strides = array<i32>} : memref<8448xf32, #tpu.memory_space<vmem>>, vector<16xf32>,
    %add3A_497 = arith.constant 112 : i32
    %add3A_498 = arith.addi %parallel_loop3A_328#0, %add3A_497 : i32
    %swap3A_499 = arith.index_cast %add3A_498 : i32 to index
    %swap3A_500 = tpu.vector_load %arg17[%swap3A_499] {strides = array<i32>} : memref<8448xi32, #tpu.memory_space<vmem>>, vector<16xi32>,
    tpu.vector_store %arg17[%swap3A_499], %broadcast_in_dim3A_3 {strides = array<i32>} : memref<8448xi32, #tpu.memory_space<vmem>>, vector<16xi32>,
    %add3A_501 = arith.constant 112 : i32
    %add3A_502 = arith.addi %parallel_loop3A_328#0, %add3A_501 : i32
    %swap3A_503 = arith.index_cast %add3A_502 : i32 to index
    %swap3A_504 = tpu.vector_load %arg18[%swap3A_503] {strides = array<i32>} : memref<8448xf32, #tpu.memory_space<vmem>>, vector<16xf32>,
    tpu.vector_store %arg18[%swap3A_503], %broadcast_in_dim3A_5 {strides = array<i32>} : memref<8448xf32, #tpu.memory_space<vmem>>, vector<16xf32>,
    %add3A_505 = arith.constant 112 : i32
    %add3A_506 = arith.addi %parallel_loop3A_328#0, %add3A_505 : i32
    %swap3A_507 = arith.index_cast %add3A_506 : i32 to index
    %swap3A_508 = tpu.vector_load %arg19[%swap3A_507] {strides = array<i32>} : memref<8448xf32, #tpu.memory_space<vmem>>, vector<16xf32>,
    tpu.vector_store %arg19[%swap3A_507], %broadcast_in_dim3A_5 {strides = array<i32>} : memref<8448xf32, #tpu.memory_space<vmem>>, vector<16xf32>,
    %add3A_509 = arith.constant 112 : i32
    %add3A_510 = arith.addi %parallel_loop3A_328#1, %add3A_509 : i32
    %swap3A_511 = arith.index_cast %add3A_510 : i32 to index
    %swap3A_512 = tpu.vector_load %arg20[%swap3A_511] {strides = array<i32>} : memref<8448xi32, #tpu.memory_space<vmem>>, vector<16xi32>,
    tpu.vector_store %arg20[%swap3A_511], %broadcast_in_dim3A_3 {strides = array<i32>} : memref<8448xi32, #tpu.memory_space<vmem>>, vector<16xi32>,
    %add3A_513 = arith.constant 112 : i32
    %add3A_514 = arith.addi %parallel_loop3A_328#1, %add3A_513 : i32
    %swap3A_515 = arith.index_cast %add3A_514 : i32 to index
    %swap3A_516 = tpu.vector_load %arg21[%swap3A_515] {strides = array<i32>} : memref<8448xf32, #tpu.memory_space<vmem>>, vector<16xf32>,
    tpu.vector_store %arg21[%swap3A_515], %broadcast_in_dim3A_5 {strides = array<i32>} : memref<8448xf32, #tpu.memory_space<vmem>>, vector<16xf32>,
    %add3A_517 = arith.constant 112 : i32
    %add3A_518 = arith.addi %parallel_loop3A_328#1, %add3A_517 : i32
    %swap3A_519 = arith.index_cast %add3A_518 : i32 to index
    %swap3A_520 = tpu.vector_load %arg22[%swap3A_519] {strides = array<i32>} : memref<8448xf32, #tpu.memory_space<vmem>>, vector<16xf32>,
    tpu.vector_store %arg22[%swap3A_519], %broadcast_in_dim3A_5 {strides = array<i32>} : memref<8448xf32, #tpu.memory_space<vmem>>, vector<16xf32>,
    %add3A_521 = arith.constant 127 : i32
    %add3A_522 = arith.addi %parallel_loop3A_328#0, %add3A_521 : i32
    %jit3A_523 = arith.constant 128 : i32
    %div3A_524 = arith.divsi %add3A_522, %jit3A_523 : i32
    %sign3A_525 = arith.constant 0 : i32
    %sign3A_526 = arith.cmpi sgt, %add3A_522, %sign3A_525 : i32
    %sign3A_527 = arith.extui %sign3A_526 : i1 to i32
    %sign3A_528 = arith.constant 0 : i32
    %sign3A_529 = arith.cmpi slt, %add3A_522, %sign3A_528 : i32
    %sign3A_530 = arith.extui %sign3A_529 : i1 to i32
    %sign3A_531 = arith.subi %sign3A_527, %sign3A_530 : i32
    %sign3A_532 = arith.constant 0 : i32
    %sign3A_533 = arith.cmpi sgt, %jit3A_523, %sign3A_532 : i32
    %sign3A_534 = arith.extui %sign3A_533 : i1 to i32
    %sign3A_535 = arith.constant 0 : i32
    %sign3A_536 = arith.cmpi slt, %jit3A_523, %sign3A_535 : i32
    %sign3A_537 = arith.extui %sign3A_536 : i1 to i32
    %sign3A_538 = arith.subi %sign3A_534, %sign3A_537 : i32
    %ne3A_539 = arith.cmpi ne, %sign3A_531, %sign3A_538 : i32
    %rem3A_540 = arith.remsi %add3A_522, %jit3A_523 : i32
    %ne3A_541 = arith.constant 0 : i32
    %ne3A_542 = arith.cmpi ne, %rem3A_540, %ne3A_541 : i32
    %and3A_543 = arith.andi %ne3A_539, %ne3A_542 : i1
    %sub3A_544 = arith.constant 1 : i32
    %sub3A_545 = arith.subi %div3A_524, %sub3A_544 : i32
    %select_n3A_546 = arith.select %and3A_543, %sub3A_545, %div3A_524 : i32
    %while3A_547 = arith.constant 0 : i32
    %while3A_548 = arith.constant 0 : i32
    %while3A_549 = arith.subi %select_n3A_546, %while3A_547 : i32
    %while3A_550 = arith.addi %while3A_547, %while3A_549 : i32
    %while3A_551 = arith.constant 1 : i32
    %while3A_552 = arith.divsi %while3A_549, %while3A_551 : i32
    %while3A_553 = arith.muli %while3A_552, %while3A_551 : i32
    %while3A_554 = arith.addi %while3A_547, %while3A_553 : i32
    %while3A_555 = arith.constant 1 : i32
    %while3A_556 = scf.for %while3A_620 = %while3A_547 to %while3A_554 step %while3A_555 iter_args(%while3A_621 = %while3A_548) -> (i32)  : i32 {
      %mul3A_622 = arith.constant 128 : i32
      %mul3A_623 = arith.muli %while3A_620, %mul3A_622 : i32
      %mul3A_624 = arith.constant 128 : i32
      %mul3A_625 = arith.muli %while3A_620, %mul3A_624 : i32
      %dma_start3A_626 = tpu.memref_slice %arg18[%mul3A_625] : memref<8448xf32, #tpu.memory_space<vmem>> -> memref<128xf32, #tpu.memory_space<vmem>>
      %dma_start3A_627 = tpu.memref_slice %arg17[%mul3A_623] : memref<8448xi32, #tpu.memory_space<vmem>> -> memref<128xi32, #tpu.memory_space<vmem>>
      %dma_start3A_628 = arith.constant 0 : i32
      %dma_start3A_629 = tpu.memref_slice %arg23[%dma_start3A_628] : memref<16384xf32, #tpu.memory_space<vmem_shared>> -> memref<16384xf32, #tpu.memory_space<vmem_shared>>
      tpu.enqueue_indirect_dma source(%dma_start3A_626 : memref<128xf32, #tpu.memory_space<vmem>>) target(%dma_start3A_629 : memref<16384xf32, #tpu.memory_space<vmem_shared>>) offsets(%dma_start3A_627 : memref<128xi32, #tpu.memory_space<vmem>>) semaphore(%arg26 : memref<!tpu.dma_semaphore, #tpu.memory_space<semaphore_mem>>) {add = true}
      %mul3A_630 = arith.constant 128 : i32
      %mul3A_631 = arith.muli %while3A_620, %mul3A_630 : i32
      %dma_start3A_632 = tpu.memref_slice %arg19[%mul3A_631] : memref<8448xf32, #tpu.memory_space<vmem>> -> memref<128xf32, #tpu.memory_space<vmem>>
      %dma_start3A_633 = tpu.memref_slice %arg17[%mul3A_623] : memref<8448xi32, #tpu.memory_space<vmem>> -> memref<128xi32, #tpu.memory_space<vmem>>
      %dma_start3A_634 = arith.constant 0 : i32
      %dma_start3A_635 = tpu.memref_slice %arg24[%dma_start3A_634] : memref<16384xf32, #tpu.memory_space<vmem_shared>> -> memref<16384xf32, #tpu.memory_space<vmem_shared>>
      tpu.enqueue_indirect_dma source(%dma_start3A_632 : memref<128xf32, #tpu.memory_space<vmem>>) target(%dma_start3A_635 : memref<16384xf32, #tpu.memory_space<vmem_shared>>) offsets(%dma_start3A_633 : memref<128xi32, #tpu.memory_space<vmem>>) semaphore(%arg26 : memref<!tpu.dma_semaphore, #tpu.memory_space<semaphore_mem>>) {add = true}
      %dma_wait3A_636 = tpu.memref_slice %arg18[%mul3A_625] : memref<8448xf32, #tpu.memory_space<vmem>> -> memref<128xf32, #tpu.memory_space<vmem>>
      %dma_wait3A_637 = tpu.memref_slice %arg17[%mul3A_623] : memref<8448xi32, #tpu.memory_space<vmem>> -> memref<128xi32, #tpu.memory_space<vmem>>
      %dma_wait3A_638 = arith.constant 0 : i32
      %dma_wait3A_639 = tpu.memref_slice %arg23[%dma_wait3A_638] : memref<16384xf32, #tpu.memory_space<vmem_shared>> -> memref<16384xf32, #tpu.memory_space<vmem_shared>>
      tpu.wait_indirect_dma semaphore(%arg26 : memref<!tpu.dma_semaphore, #tpu.memory_space<semaphore_mem>>) src(%dma_wait3A_636 : memref<128xf32, #tpu.memory_space<vmem>>) dst(%dma_wait3A_639 : memref<16384xf32, #tpu.memory_space<vmem_shared>>)
      %dma_wait3A_640 = tpu.memref_slice %arg19[%mul3A_631] : memref<8448xf32, #tpu.memory_space<vmem>> -> memref<128xf32, #tpu.memory_space<vmem>>
      %dma_wait3A_641 = tpu.memref_slice %arg17[%mul3A_623] : memref<8448xi32, #tpu.memory_space<vmem>> -> memref<128xi32, #tpu.memory_space<vmem>>
      %dma_wait3A_642 = arith.constant 0 : i32
      %dma_wait3A_643 = tpu.memref_slice %arg24[%dma_wait3A_642] : memref<16384xf32, #tpu.memory_space<vmem_shared>> -> memref<16384xf32, #tpu.memory_space<vmem_shared>>
      tpu.wait_indirect_dma semaphore(%arg26 : memref<!tpu.dma_semaphore, #tpu.memory_space<semaphore_mem>>) src(%dma_wait3A_640 : memref<128xf32, #tpu.memory_space<vmem>>) dst(%dma_wait3A_643 : memref<16384xf32, #tpu.memory_space<vmem_shared>>)
      %while3A_644 = arith.constant 0 : i32
      scf.yield %while3A_644 : i32
    }
    %while3A_557 = arith.constant 1 : i32
    %while3A_558 = scf.for %while3A_620 = %while3A_554 to %while3A_550 step %while3A_557 iter_args(%while3A_621 = %while3A_556) -> (i32)  : i32 {
      %mul3A_622 = arith.constant 128 : i32
      %mul3A_623 = arith.muli %while3A_620, %mul3A_622 : i32
      %mul3A_624 = arith.constant 128 : i32
      %mul3A_625 = arith.muli %while3A_620, %mul3A_624 : i32
      %dma_start3A_626 = tpu.memref_slice %arg18[%mul3A_625] : memref<8448xf32, #tpu.memory_space<vmem>> -> memref<128xf32, #tpu.memory_space<vmem>>
      %dma_start3A_627 = tpu.memref_slice %arg17[%mul3A_623] : memref<8448xi32, #tpu.memory_space<vmem>> -> memref<128xi32, #tpu.memory_space<vmem>>
      %dma_start3A_628 = arith.constant 0 : i32
      %dma_start3A_629 = tpu.memref_slice %arg23[%dma_start3A_628] : memref<16384xf32, #tpu.memory_space<vmem_shared>> -> memref<16384xf32, #tpu.memory_space<vmem_shared>>
      tpu.enqueue_indirect_dma source(%dma_start3A_626 : memref<128xf32, #tpu.memory_space<vmem>>) target(%dma_start3A_629 : memref<16384xf32, #tpu.memory_space<vmem_shared>>) offsets(%dma_start3A_627 : memref<128xi32, #tpu.memory_space<vmem>>) semaphore(%arg26 : memref<!tpu.dma_semaphore, #tpu.memory_space<semaphore_mem>>) {add = true}
      %mul3A_630 = arith.constant 128 : i32
      %mul3A_631 = arith.muli %while3A_620, %mul3A_630 : i32
      %dma_start3A_632 = tpu.memref_slice %arg19[%mul3A_631] : memref<8448xf32, #tpu.memory_space<vmem>> -> memref<128xf32, #tpu.memory_space<vmem>>
      %dma_start3A_633 = tpu.memref_slice %arg17[%mul3A_623] : memref<8448xi32, #tpu.memory_space<vmem>> -> memref<128xi32, #tpu.memory_space<vmem>>
      %dma_start3A_634 = arith.constant 0 : i32
      %dma_start3A_635 = tpu.memref_slice %arg24[%dma_start3A_634] : memref<16384xf32, #tpu.memory_space<vmem_shared>> -> memref<16384xf32, #tpu.memory_space<vmem_shared>>
      tpu.enqueue_indirect_dma source(%dma_start3A_632 : memref<128xf32, #tpu.memory_space<vmem>>) target(%dma_start3A_635 : memref<16384xf32, #tpu.memory_space<vmem_shared>>) offsets(%dma_start3A_633 : memref<128xi32, #tpu.memory_space<vmem>>) semaphore(%arg26 : memref<!tpu.dma_semaphore, #tpu.memory_space<semaphore_mem>>) {add = true}
      %dma_wait3A_636 = tpu.memref_slice %arg18[%mul3A_625] : memref<8448xf32, #tpu.memory_space<vmem>> -> memref<128xf32, #tpu.memory_space<vmem>>
      %dma_wait3A_637 = tpu.memref_slice %arg17[%mul3A_623] : memref<8448xi32, #tpu.memory_space<vmem>> -> memref<128xi32, #tpu.memory_space<vmem>>
      %dma_wait3A_638 = arith.constant 0 : i32
      %dma_wait3A_639 = tpu.memref_slice %arg23[%dma_wait3A_638] : memref<16384xf32, #tpu.memory_space<vmem_shared>> -> memref<16384xf32, #tpu.memory_space<vmem_shared>>
      tpu.wait_indirect_dma semaphore(%arg26 : memref<!tpu.dma_semaphore, #tpu.memory_space<semaphore_mem>>) src(%dma_wait3A_636 : memref<128xf32, #tpu.memory_space<vmem>>) dst(%dma_wait3A_639 : memref<16384xf32, #tpu.memory_space<vmem_shared>>)
      %dma_wait3A_640 = tpu.memref_slice %arg19[%mul3A_631] : memref<8448xf32, #tpu.memory_space<vmem>> -> memref<128xf32, #tpu.memory_space<vmem>>
      %dma_wait3A_641 = tpu.memref_slice %arg17[%mul3A_623] : memref<8448xi32, #tpu.memory_space<vmem>> -> memref<128xi32, #tpu.memory_space<vmem>>
      %dma_wait3A_642 = arith.constant 0 : i32
      %dma_wait3A_643 = tpu.memref_slice %arg24[%dma_wait3A_642] : memref<16384xf32, #tpu.memory_space<vmem_shared>> -> memref<16384xf32, #tpu.memory_space<vmem_shared>>
      tpu.wait_indirect_dma semaphore(%arg26 : memref<!tpu.dma_semaphore, #tpu.memory_space<semaphore_mem>>) src(%dma_wait3A_640 : memref<128xf32, #tpu.memory_space<vmem>>) dst(%dma_wait3A_643 : memref<16384xf32, #tpu.memory_space<vmem_shared>>)
      %while3A_644 = arith.constant 0 : i32
      scf.yield %while3A_644 : i32
    }
    %add3A_559 = arith.constant 127 : i32
    %add3A_560 = arith.addi %parallel_loop3A_328#1, %add3A_559 : i32
    %jit3A_561 = arith.constant 128 : i32
    %div3A_562 = arith.divsi %add3A_560, %jit3A_561 : i32
    %sign3A_563 = arith.constant 0 : i32
    %sign3A_564 = arith.cmpi sgt, %add3A_560, %sign3A_563 : i32
    %sign3A_565 = arith.extui %sign3A_564 : i1 to i32
    %sign3A_566 = arith.constant 0 : i32
    %sign3A_567 = arith.cmpi slt, %add3A_560, %sign3A_566 : i32
    %sign3A_568 = arith.extui %sign3A_567 : i1 to i32
    %sign3A_569 = arith.subi %sign3A_565, %sign3A_568 : i32
    %sign3A_570 = arith.constant 0 : i32
    %sign3A_571 = arith.cmpi sgt, %jit3A_561, %sign3A_570 : i32
    %sign3A_572 = arith.extui %sign3A_571 : i1 to i32
    %sign3A_573 = arith.constant 0 : i32
    %sign3A_574 = arith.cmpi slt, %jit3A_561, %sign3A_573 : i32
    %sign3A_575 = arith.extui %sign3A_574 : i1 to i32
    %sign3A_576 = arith.subi %sign3A_572, %sign3A_575 : i32
    %ne3A_577 = arith.cmpi ne, %sign3A_569, %sign3A_576 : i32
    %rem3A_578 = arith.remsi %add3A_560, %jit3A_561 : i32
    %ne3A_579 = arith.constant 0 : i32
    %ne3A_580 = arith.cmpi ne, %rem3A_578, %ne3A_579 : i32
    %and3A_581 = arith.andi %ne3A_577, %ne3A_580 : i1
    %sub3A_582 = arith.constant 1 : i32
    %sub3A_583 = arith.subi %div3A_562, %sub3A_582 : i32
    %select_n3A_584 = arith.select %and3A_581, %sub3A_583, %div3A_562 : i32
    %while3A_585 = arith.constant 0 : i32
    %while3A_586 = arith.constant 0 : i32
    %while3A_587 = arith.subi %select_n3A_584, %while3A_585 : i32
    %while3A_588 = arith.addi %while3A_585, %while3A_587 : i32
    %while3A_589 = arith.constant 1 : i32
    %while3A_590 = arith.divsi %while3A_587, %while3A_589 : i32
    %while3A_591 = arith.muli %while3A_590, %while3A_589 : i32
    %while3A_592 = arith.addi %while3A_585, %while3A_591 : i32
    %while3A_593 = arith.constant 1 : i32
    %while3A_594 = scf.for %while3A_620 = %while3A_585 to %while3A_592 step %while3A_593 iter_args(%while3A_621 = %while3A_586) -> (i32)  : i32 {
      %mul3A_622 = arith.constant 128 : i32
      %mul3A_623 = arith.muli %while3A_620, %mul3A_622 : i32
      %mul3A_624 = arith.constant 128 : i32
      %mul3A_625 = arith.muli %while3A_620, %mul3A_624 : i32
      %dma_start3A_626 = tpu.memref_slice %arg21[%mul3A_625] : memref<8448xf32, #tpu.memory_space<vmem>> -> memref<128xf32, #tpu.memory_space<vmem>>
      %dma_start3A_627 = tpu.memref_slice %arg20[%mul3A_623] : memref<8448xi32, #tpu.memory_space<vmem>> -> memref<128xi32, #tpu.memory_space<vmem>>
      %dma_start3A_628 = arith.constant 0 : i32
      %dma_start3A_629 = tpu.memref_slice %arg23[%dma_start3A_628] : memref<16384xf32, #tpu.memory_space<vmem_shared>> -> memref<16384xf32, #tpu.memory_space<vmem_shared>>
      tpu.enqueue_indirect_dma source(%dma_start3A_626 : memref<128xf32, #tpu.memory_space<vmem>>) target(%dma_start3A_629 : memref<16384xf32, #tpu.memory_space<vmem_shared>>) offsets(%dma_start3A_627 : memref<128xi32, #tpu.memory_space<vmem>>) semaphore(%arg26 : memref<!tpu.dma_semaphore, #tpu.memory_space<semaphore_mem>>) {add = true}
      %mul3A_630 = arith.constant 128 : i32
      %mul3A_631 = arith.muli %while3A_620, %mul3A_630 : i32
      %dma_start3A_632 = tpu.memref_slice %arg22[%mul3A_631] : memref<8448xf32, #tpu.memory_space<vmem>> -> memref<128xf32, #tpu.memory_space<vmem>>
      %dma_start3A_633 = tpu.memref_slice %arg20[%mul3A_623] : memref<8448xi32, #tpu.memory_space<vmem>> -> memref<128xi32, #tpu.memory_space<vmem>>
      %dma_start3A_634 = arith.constant 0 : i32
      %dma_start3A_635 = tpu.memref_slice %arg24[%dma_start3A_634] : memref<16384xf32, #tpu.memory_space<vmem_shared>> -> memref<16384xf32, #tpu.memory_space<vmem_shared>>
      tpu.enqueue_indirect_dma source(%dma_start3A_632 : memref<128xf32, #tpu.memory_space<vmem>>) target(%dma_start3A_635 : memref<16384xf32, #tpu.memory_space<vmem_shared>>) offsets(%dma_start3A_633 : memref<128xi32, #tpu.memory_space<vmem>>) semaphore(%arg26 : memref<!tpu.dma_semaphore, #tpu.memory_space<semaphore_mem>>) {add = true}
      %dma_wait3A_636 = tpu.memref_slice %arg21[%mul3A_625] : memref<8448xf32, #tpu.memory_space<vmem>> -> memref<128xf32, #tpu.memory_space<vmem>>
      %dma_wait3A_637 = tpu.memref_slice %arg20[%mul3A_623] : memref<8448xi32, #tpu.memory_space<vmem>> -> memref<128xi32, #tpu.memory_space<vmem>>
      %dma_wait3A_638 = arith.constant 0 : i32
      %dma_wait3A_639 = tpu.memref_slice %arg23[%dma_wait3A_638] : memref<16384xf32, #tpu.memory_space<vmem_shared>> -> memref<16384xf32, #tpu.memory_space<vmem_shared>>
      tpu.wait_indirect_dma semaphore(%arg26 : memref<!tpu.dma_semaphore, #tpu.memory_space<semaphore_mem>>) src(%dma_wait3A_636 : memref<128xf32, #tpu.memory_space<vmem>>) dst(%dma_wait3A_639 : memref<16384xf32, #tpu.memory_space<vmem_shared>>)
      %dma_wait3A_640 = tpu.memref_slice %arg22[%mul3A_631] : memref<8448xf32, #tpu.memory_space<vmem>> -> memref<128xf32, #tpu.memory_space<vmem>>
      %dma_wait3A_641 = tpu.memref_slice %arg20[%mul3A_623] : memref<8448xi32, #tpu.memory_space<vmem>> -> memref<128xi32, #tpu.memory_space<vmem>>
      %dma_wait3A_642 = arith.constant 0 : i32
      %dma_wait3A_643 = tpu.memref_slice %arg24[%dma_wait3A_642] : memref<16384xf32, #tpu.memory_space<vmem_shared>> -> memref<16384xf32, #tpu.memory_space<vmem_shared>>
      tpu.wait_indirect_dma semaphore(%arg26 : memref<!tpu.dma_semaphore, #tpu.memory_space<semaphore_mem>>) src(%dma_wait3A_640 : memref<128xf32, #tpu.memory_space<vmem>>) dst(%dma_wait3A_643 : memref<16384xf32, #tpu.memory_space<vmem_shared>>)
      %while3A_644 = arith.constant 0 : i32
      scf.yield %while3A_644 : i32
    }
    %while3A_595 = arith.constant 1 : i32
    %while3A_596 = scf.for %while3A_620 = %while3A_592 to %while3A_588 step %while3A_595 iter_args(%while3A_621 = %while3A_594) -> (i32)  : i32 {
      %mul3A_622 = arith.constant 128 : i32
      %mul3A_623 = arith.muli %while3A_620, %mul3A_622 : i32
      %mul3A_624 = arith.constant 128 : i32
      %mul3A_625 = arith.muli %while3A_620, %mul3A_624 : i32
      %dma_start3A_626 = tpu.memref_slice %arg21[%mul3A_625] : memref<8448xf32, #tpu.memory_space<vmem>> -> memref<128xf32, #tpu.memory_space<vmem>>
      %dma_start3A_627 = tpu.memref_slice %arg20[%mul3A_623] : memref<8448xi32, #tpu.memory_space<vmem>> -> memref<128xi32, #tpu.memory_space<vmem>>
      %dma_start3A_628 = arith.constant 0 : i32
      %dma_start3A_629 = tpu.memref_slice %arg23[%dma_start3A_628] : memref<16384xf32, #tpu.memory_space<vmem_shared>> -> memref<16384xf32, #tpu.memory_space<vmem_shared>>
      tpu.enqueue_indirect_dma source(%dma_start3A_626 : memref<128xf32, #tpu.memory_space<vmem>>) target(%dma_start3A_629 : memref<16384xf32, #tpu.memory_space<vmem_shared>>) offsets(%dma_start3A_627 : memref<128xi32, #tpu.memory_space<vmem>>) semaphore(%arg26 : memref<!tpu.dma_semaphore, #tpu.memory_space<semaphore_mem>>) {add = true}
      %mul3A_630 = arith.constant 128 : i32
      %mul3A_631 = arith.muli %while3A_620, %mul3A_630 : i32
      %dma_start3A_632 = tpu.memref_slice %arg22[%mul3A_631] : memref<8448xf32, #tpu.memory_space<vmem>> -> memref<128xf32, #tpu.memory_space<vmem>>
      %dma_start3A_633 = tpu.memref_slice %arg20[%mul3A_623] : memref<8448xi32, #tpu.memory_space<vmem>> -> memref<128xi32, #tpu.memory_space<vmem>>
      %dma_start3A_634 = arith.constant 0 : i32
      %dma_start3A_635 = tpu.memref_slice %arg24[%dma_start3A_634] : memref<16384xf32, #tpu.memory_space<vmem_shared>> -> memref<16384xf32, #tpu.memory_space<vmem_shared>>
      tpu.enqueue_indirect_dma source(%dma_start3A_632 : memref<128xf32, #tpu.memory_space<vmem>>) target(%dma_start3A_635 : memref<16384xf32, #tpu.memory_space<vmem_shared>>) offsets(%dma_start3A_633 : memref<128xi32, #tpu.memory_space<vmem>>) semaphore(%arg26 : memref<!tpu.dma_semaphore, #tpu.memory_space<semaphore_mem>>) {add = true}
      %dma_wait3A_636 = tpu.memref_slice %arg21[%mul3A_625] : memref<8448xf32, #tpu.memory_space<vmem>> -> memref<128xf32, #tpu.memory_space<vmem>>
      %dma_wait3A_637 = tpu.memref_slice %arg20[%mul3A_623] : memref<8448xi32, #tpu.memory_space<vmem>> -> memref<128xi32, #tpu.memory_space<vmem>>
      %dma_wait3A_638 = arith.constant 0 : i32
      %dma_wait3A_639 = tpu.memref_slice %arg23[%dma_wait3A_638] : memref<16384xf32, #tpu.memory_space<vmem_shared>> -> memref<16384xf32, #tpu.memory_space<vmem_shared>>
      tpu.wait_indirect_dma semaphore(%arg26 : memref<!tpu.dma_semaphore, #tpu.memory_space<semaphore_mem>>) src(%dma_wait3A_636 : memref<128xf32, #tpu.memory_space<vmem>>) dst(%dma_wait3A_639 : memref<16384xf32, #tpu.memory_space<vmem_shared>>)
      %dma_wait3A_640 = tpu.memref_slice %arg22[%mul3A_631] : memref<8448xf32, #tpu.memory_space<vmem>> -> memref<128xf32, #tpu.memory_space<vmem>>
      %dma_wait3A_641 = tpu.memref_slice %arg20[%mul3A_623] : memref<8448xi32, #tpu.memory_space<vmem>> -> memref<128xi32, #tpu.memory_space<vmem>>
      %dma_wait3A_642 = arith.constant 0 : i32
      %dma_wait3A_643 = tpu.memref_slice %arg24[%dma_wait3A_642] : memref<16384xf32, #tpu.memory_space<vmem_shared>> -> memref<16384xf32, #tpu.memory_space<vmem_shared>>
      tpu.wait_indirect_dma semaphore(%arg26 : memref<!tpu.dma_semaphore, #tpu.memory_space<semaphore_mem>>) src(%dma_wait3A_640 : memref<128xf32, #tpu.memory_space<vmem>>) dst(%dma_wait3A_643 : memref<16384xf32, #tpu.memory_space<vmem_shared>>)
      %while3A_644 = arith.constant 0 : i32
      scf.yield %while3A_644 : i32
    }
    %barrier3A_597 = arith.constant 0 : index
    tpu.barrier barrier_id(%barrier3A_597)
    %mul3A_598 = arith.constant 1024 : i32
    %mul3A_599 = arith.muli %arg1, %mul3A_598 : i32
    %mul3A_600 = arith.constant 16384 : i32
    %mul3A_601 = arith.muli %arg0, %mul3A_600 : i32
    %mul3A_602 = arith.constant 1024 : i32
    %mul3A_603 = arith.muli %arg1, %mul3A_602 : i32
    %add3A_604 = arith.addi %mul3A_601, %mul3A_603 : i32
    %dma_start3A_605 = tpu.memref_slice %arg6[%add3A_604] : memref<32768xf32, #tpu.memory_space<hbm>> -> memref<1024xf32, #tpu.memory_space<hbm>>
    %dma_start3A_606 = tpu.memref_slice %arg23[%mul3A_599] : memref<16384xf32, #tpu.memory_space<vmem_shared>> -> memref<1024xf32, #tpu.memory_space<vmem_shared>>
    tpu.enqueue_dma source(%dma_start3A_606 : memref<1024xf32, #tpu.memory_space<vmem_shared>>) target(%dma_start3A_605 : memref<1024xf32, #tpu.memory_space<hbm>>) target_semaphore(%arg27 : memref<!tpu.dma_semaphore, #tpu.memory_space<semaphore_mem>>)
    %mul3A_607 = arith.constant 1024 : i32
    %mul3A_608 = arith.muli %arg1, %mul3A_607 : i32
    %mul3A_609 = arith.constant 16384 : i32
    %mul3A_610 = arith.muli %arg0, %mul3A_609 : i32
    %mul3A_611 = arith.constant 1024 : i32
    %mul3A_612 = arith.muli %arg1, %mul3A_611 : i32
    %add3A_613 = arith.addi %mul3A_610, %mul3A_612 : i32
    %dma_start3A_614 = tpu.memref_slice %arg7[%add3A_613] : memref<32768xf32, #tpu.memory_space<hbm>> -> memref<1024xf32, #tpu.memory_space<hbm>>
    %dma_start3A_615 = tpu.memref_slice %arg24[%mul3A_608] : memref<16384xf32, #tpu.memory_space<vmem_shared>> -> memref<1024xf32, #tpu.memory_space<vmem_shared>>
    tpu.enqueue_dma source(%dma_start3A_615 : memref<1024xf32, #tpu.memory_space<vmem_shared>>) target(%dma_start3A_614 : memref<1024xf32, #tpu.memory_space<hbm>>) target_semaphore(%arg27 : memref<!tpu.dma_semaphore, #tpu.memory_space<semaphore_mem>>)
    %dma_wait3A_616 = tpu.memref_slice %arg6[%add3A_604] : memref<32768xf32, #tpu.memory_space<hbm>> -> memref<1024xf32, #tpu.memory_space<hbm>>
    %dma_wait3A_617 = tpu.memref_slice %arg23[%mul3A_599] : memref<16384xf32, #tpu.memory_space<vmem_shared>> -> memref<1024xf32, #tpu.memory_space<vmem_shared>>
    tpu.wait_dma2 semaphore(%arg27 : memref<!tpu.dma_semaphore, #tpu.memory_space<semaphore_mem>>) src(%dma_wait3A_617 : memref<1024xf32, #tpu.memory_space<vmem_shared>>) dst(%dma_wait3A_616 : memref<1024xf32, #tpu.memory_space<hbm>>)
    %dma_wait3A_618 = tpu.memref_slice %arg7[%add3A_613] : memref<32768xf32, #tpu.memory_space<hbm>> -> memref<1024xf32, #tpu.memory_space<hbm>>
    %dma_wait3A_619 = tpu.memref_slice %arg24[%mul3A_608] : memref<16384xf32, #tpu.memory_space<vmem_shared>> -> memref<1024xf32, #tpu.memory_space<vmem_shared>>
    tpu.wait_dma2 semaphore(%arg27 : memref<!tpu.dma_semaphore, #tpu.memory_space<semaphore_mem>>) src(%dma_wait3A_619 : memref<1024xf32, #tpu.memory_space<vmem_shared>>) dst(%dma_wait3A_618 : memref<1024xf32, #tpu.memory_space<hbm>>)
    return
  }
}

#map = affine_map<(d0, d1) -> (0)>
module attributes {stable_mosaic.version = 14 : i64} {
  func.func @_charges(%arg0: i32, %arg1: i32, %arg2: memref<524288xf32, #tpu.memory_space<hbm>>, %arg3: memref<524288xf32, #tpu.memory_space<hbm>>, %arg4: memref<524288xi32, #tpu.memory_space<hbm>>, %arg5: memref<16384xf32, #tpu.memory_space<hbm>>, %arg6: memref<524288xf32, #tpu.memory_space<hbm>>, %arg7: memref<16384xf32, #tpu.memory_space<vmem>>, %arg8: memref<16384xf32, #tpu.memory_space<vmem>>, %arg9: memref<16384xf32, #tpu.memory_space<vmem>>, %arg10: memref<16384xi32, #tpu.memory_space<vmem>>, %arg11: memref<8192xf32, #tpu.memory_space<vmem>>, %arg12: memref<8192xf32, #tpu.memory_space<vmem>>, %arg13: memref<!tpu.dma_semaphore, #tpu.memory_space<semaphore_mem>>, %arg14: memref<!tpu.dma_semaphore, #tpu.memory_space<semaphore_mem>>) attributes {dimension_semantics = [#tpu.dimension_semantics<core_parallel>, #tpu.dimension_semantics<subcore_parallel>], iteration_bounds = array<i64: 2, 16>, scalar_prefetch = 0 : i64, scratch_operands = 8 : i64, tpu.core_type = #tpu.core_type<sc_vector_subcore>, window_params = [{transform_indices = #map}, {transform_indices = #map}, {transform_indices = #map}, {transform_indices = #map}, {transform_indices = #map}]} {
    %mul3A = arith.constant 2 : i32
    %mul3A_0 = arith.muli %arg1, %mul3A : i32
    %add3A = arith.addi %mul3A_0, %arg0 : i32
    %mul3A_1 = arith.constant 16384 : i32
    %mul3A_2 = arith.muli %add3A, %mul3A_1 : i32
    tpu.enqueue_dma source(%arg5 : memref<16384xf32, #tpu.memory_space<hbm>>) target(%arg7 : memref<16384xf32, #tpu.memory_space<vmem>>) target_semaphore(%arg13 : memref<!tpu.dma_semaphore, #tpu.memory_space<semaphore_mem>>)
    %dma_start3A = tpu.memref_slice %arg2[%mul3A_2] : memref<524288xf32, #tpu.memory_space<hbm>> -> memref<16384xf32, #tpu.memory_space<hbm>>
    %dma_start3A_3 = tpu.memref_slice %arg2[%mul3A_2] : memref<524288xf32, #tpu.memory_space<hbm>> -> memref<16384xf32, #tpu.memory_space<hbm>>
    tpu.enqueue_dma source(%dma_start3A_3 : memref<16384xf32, #tpu.memory_space<hbm>>) target(%arg8 : memref<16384xf32, #tpu.memory_space<vmem>>) target_semaphore(%arg13 : memref<!tpu.dma_semaphore, #tpu.memory_space<semaphore_mem>>)
    %dma_start3A_4 = tpu.memref_slice %arg3[%mul3A_2] : memref<524288xf32, #tpu.memory_space<hbm>> -> memref<16384xf32, #tpu.memory_space<hbm>>
    %dma_start3A_5 = tpu.memref_slice %arg3[%mul3A_2] : memref<524288xf32, #tpu.memory_space<hbm>> -> memref<16384xf32, #tpu.memory_space<hbm>>
    tpu.enqueue_dma source(%dma_start3A_5 : memref<16384xf32, #tpu.memory_space<hbm>>) target(%arg9 : memref<16384xf32, #tpu.memory_space<vmem>>) target_semaphore(%arg13 : memref<!tpu.dma_semaphore, #tpu.memory_space<semaphore_mem>>)
    %dma_start3A_6 = tpu.memref_slice %arg4[%mul3A_2] : memref<524288xi32, #tpu.memory_space<hbm>> -> memref<16384xi32, #tpu.memory_space<hbm>>
    %dma_start3A_7 = tpu.memref_slice %arg4[%mul3A_2] : memref<524288xi32, #tpu.memory_space<hbm>> -> memref<16384xi32, #tpu.memory_space<hbm>>
    tpu.enqueue_dma source(%dma_start3A_7 : memref<16384xi32, #tpu.memory_space<hbm>>) target(%arg10 : memref<16384xi32, #tpu.memory_space<vmem>>) target_semaphore(%arg13 : memref<!tpu.dma_semaphore, #tpu.memory_space<semaphore_mem>>)
    tpu.wait_dma2 semaphore(%arg13 : memref<!tpu.dma_semaphore, #tpu.memory_space<semaphore_mem>>) src(%arg5 : memref<16384xf32, #tpu.memory_space<hbm>>) dst(%arg7 : memref<16384xf32, #tpu.memory_space<vmem>>)
    %dma_wait3A = tpu.memref_slice %arg2[%mul3A_2] : memref<524288xf32, #tpu.memory_space<hbm>> -> memref<16384xf32, #tpu.memory_space<hbm>>
    %dma_wait3A_8 = tpu.memref_slice %arg2[%mul3A_2] : memref<524288xf32, #tpu.memory_space<hbm>> -> memref<16384xf32, #tpu.memory_space<hbm>>
    tpu.wait_dma2 semaphore(%arg13 : memref<!tpu.dma_semaphore, #tpu.memory_space<semaphore_mem>>) src(%dma_wait3A_8 : memref<16384xf32, #tpu.memory_space<hbm>>) dst(%arg8 : memref<16384xf32, #tpu.memory_space<vmem>>)
    %dma_wait3A_9 = tpu.memref_slice %arg3[%mul3A_2] : memref<524288xf32, #tpu.memory_space<hbm>> -> memref<16384xf32, #tpu.memory_space<hbm>>
    %dma_wait3A_10 = tpu.memref_slice %arg3[%mul3A_2] : memref<524288xf32, #tpu.memory_space<hbm>> -> memref<16384xf32, #tpu.memory_space<hbm>>
    tpu.wait_dma2 semaphore(%arg13 : memref<!tpu.dma_semaphore, #tpu.memory_space<semaphore_mem>>) src(%dma_wait3A_10 : memref<16384xf32, #tpu.memory_space<hbm>>) dst(%arg9 : memref<16384xf32, #tpu.memory_space<vmem>>)
    %dma_wait3A_11 = tpu.memref_slice %arg4[%mul3A_2] : memref<524288xi32, #tpu.memory_space<hbm>> -> memref<16384xi32, #tpu.memory_space<hbm>>
    %dma_wait3A_12 = tpu.memref_slice %arg4[%mul3A_2] : memref<524288xi32, #tpu.memory_space<hbm>> -> memref<16384xi32, #tpu.memory_space<hbm>>
    tpu.wait_dma2 semaphore(%arg13 : memref<!tpu.dma_semaphore, #tpu.memory_space<semaphore_mem>>) src(%dma_wait3A_12 : memref<16384xi32, #tpu.memory_space<hbm>>) dst(%arg10 : memref<16384xi32, #tpu.memory_space<vmem>>)
    %parallel_loop3A = arith.constant 0 : i32
    %parallel_loop3A_13 = arith.constant 8192 : i32
    %parallel_loop3A_14 = arith.constant 16 : i32
    scf.for %parallel_loop3A_30 = %parallel_loop3A to %parallel_loop3A_13 step %parallel_loop3A_14  : i32 {
      %parallel_loop3A_31 = arith.constant 0 : i32
      %parallel_loop3A_32 = arith.addi %parallel_loop3A_31, %parallel_loop3A_30 : i32
      %parallel_loop3A_33 = arith.index_cast %parallel_loop3A_32 : i32 to index
      %parallel_loop3A_34 = tpu.vector_load %arg8[%parallel_loop3A_33] {strides = array<i32>} : memref<16384xf32, #tpu.memory_space<vmem>>, vector<16xf32>,
      %parallel_loop3A_35 = arith.index_cast %parallel_loop3A_32 : i32 to index
      %parallel_loop3A_36 = tpu.vector_load %arg9[%parallel_loop3A_35] {strides = array<i32>} : memref<16384xf32, #tpu.memory_space<vmem>>, vector<16xf32>,
      %parallel_loop3A_37 = arith.constant 1.000000e+00 : f32
      %parallel_loop3A_38 = vector.broadcast %parallel_loop3A_37 : f32 to vector<16xf32>
      %parallel_loop3A_39 = arith.divf %parallel_loop3A_38, %parallel_loop3A_36 : vector<16xf32>
      %parallel_loop3A_40 = arith.index_cast %parallel_loop3A_32 : i32 to index
      %parallel_loop3A_41 = tpu.vector_load %arg10[%parallel_loop3A_40] {strides = array<i32>} : memref<16384xi32, #tpu.memory_space<vmem>>, vector<16xi32>,
      %parallel_loop3A_42 = tpu.vector_load_idx %arg7[%parallel_loop3A_41] : memref<16384xf32, #tpu.memory_space<vmem>>[vector<16xi32>], vector<16xf32>,
      %parallel_loop3A_43 = arith.mulf %parallel_loop3A_39, %parallel_loop3A_42 : vector<16xf32>
      %parallel_loop3A_44 = arith.mulf %parallel_loop3A_34, %parallel_loop3A_39 : vector<16xf32>
      %parallel_loop3A_45 = arith.subf %parallel_loop3A_43, %parallel_loop3A_44 : vector<16xf32>
      %parallel_loop3A_46 = arith.index_cast %parallel_loop3A_30 : i32 to index
      %parallel_loop3A_47 = tpu.vector_load %arg11[%parallel_loop3A_46] {strides = array<i32>} : memref<8192xf32, #tpu.memory_space<vmem>>, vector<16xf32>,
      tpu.vector_store %arg11[%parallel_loop3A_46], %parallel_loop3A_45 {strides = array<i32>} : memref<8192xf32, #tpu.memory_space<vmem>>, vector<16xf32>,
    } {sc.loop_unroll_factor = 8 : i64, sc.parallel_access}
    %add3A_15 = arith.constant 0 : i32
    %add3A_16 = arith.addi %mul3A_2, %add3A_15 : i32
    %dma_start3A_17 = tpu.memref_slice %arg6[%add3A_16] : memref<524288xf32, #tpu.memory_space<hbm>> -> memref<8192xf32, #tpu.memory_space<hbm>>
    %dma_start3A_18 = tpu.memref_slice %arg6[%add3A_16] : memref<524288xf32, #tpu.memory_space<hbm>> -> memref<8192xf32, #tpu.memory_space<hbm>>
    tpu.enqueue_dma source(%arg11 : memref<8192xf32, #tpu.memory_space<vmem>>) target(%dma_start3A_18 : memref<8192xf32, #tpu.memory_space<hbm>>) target_semaphore(%arg14 : memref<!tpu.dma_semaphore, #tpu.memory_space<semaphore_mem>>)
    %parallel_loop3A_19 = arith.constant 0 : i32
    %parallel_loop3A_20 = arith.constant 8192 : i32
    %parallel_loop3A_21 = arith.constant 16 : i32
    scf.for %parallel_loop3A_30 = %parallel_loop3A_19 to %parallel_loop3A_20 step %parallel_loop3A_21  : i32 {
      %parallel_loop3A_31 = arith.constant 8192 : i32
      %parallel_loop3A_32 = arith.addi %parallel_loop3A_31, %parallel_loop3A_30 : i32
      %parallel_loop3A_33 = arith.index_cast %parallel_loop3A_32 : i32 to index
      %parallel_loop3A_34 = tpu.vector_load %arg8[%parallel_loop3A_33] {strides = array<i32>} : memref<16384xf32, #tpu.memory_space<vmem>>, vector<16xf32>,
      %parallel_loop3A_35 = arith.index_cast %parallel_loop3A_32 : i32 to index
      %parallel_loop3A_36 = tpu.vector_load %arg9[%parallel_loop3A_35] {strides = array<i32>} : memref<16384xf32, #tpu.memory_space<vmem>>, vector<16xf32>,
      %parallel_loop3A_37 = arith.constant 1.000000e+00 : f32
      %parallel_loop3A_38 = vector.broadcast %parallel_loop3A_37 : f32 to vector<16xf32>
      %parallel_loop3A_39 = arith.divf %parallel_loop3A_38, %parallel_loop3A_36 : vector<16xf32>
      %parallel_loop3A_40 = arith.index_cast %parallel_loop3A_32 : i32 to index
      %parallel_loop3A_41 = tpu.vector_load %arg10[%parallel_loop3A_40] {strides = array<i32>} : memref<16384xi32, #tpu.memory_space<vmem>>, vector<16xi32>,
      %parallel_loop3A_42 = tpu.vector_load_idx %arg7[%parallel_loop3A_41] : memref<16384xf32, #tpu.memory_space<vmem>>[vector<16xi32>], vector<16xf32>,
      %parallel_loop3A_43 = arith.mulf %parallel_loop3A_39, %parallel_loop3A_42 : vector<16xf32>
      %parallel_loop3A_44 = arith.mulf %parallel_loop3A_34, %parallel_loop3A_39 : vector<16xf32>
      %parallel_loop3A_45 = arith.subf %parallel_loop3A_43, %parallel_loop3A_44 : vector<16xf32>
      %parallel_loop3A_46 = arith.index_cast %parallel_loop3A_30 : i32 to index
      %parallel_loop3A_47 = tpu.vector_load %arg12[%parallel_loop3A_46] {strides = array<i32>} : memref<8192xf32, #tpu.memory_space<vmem>>, vector<16xf32>,
      tpu.vector_store %arg12[%parallel_loop3A_46], %parallel_loop3A_45 {strides = array<i32>} : memref<8192xf32, #tpu.memory_space<vmem>>, vector<16xf32>,
    } {sc.loop_unroll_factor = 8 : i64, sc.parallel_access}
    %add3A_22 = arith.constant 8192 : i32
    %add3A_23 = arith.addi %mul3A_2, %add3A_22 : i32
    %dma_start3A_24 = tpu.memref_slice %arg6[%add3A_23] : memref<524288xf32, #tpu.memory_space<hbm>> -> memref<8192xf32, #tpu.memory_space<hbm>>
    %dma_start3A_25 = tpu.memref_slice %arg6[%add3A_23] : memref<524288xf32, #tpu.memory_space<hbm>> -> memref<8192xf32, #tpu.memory_space<hbm>>
    tpu.enqueue_dma source(%arg12 : memref<8192xf32, #tpu.memory_space<vmem>>) target(%dma_start3A_25 : memref<8192xf32, #tpu.memory_space<hbm>>) target_semaphore(%arg14 : memref<!tpu.dma_semaphore, #tpu.memory_space<semaphore_mem>>)
    %dma_wait3A_26 = tpu.memref_slice %arg6[%add3A_16] : memref<524288xf32, #tpu.memory_space<hbm>> -> memref<8192xf32, #tpu.memory_space<hbm>>
    %dma_wait3A_27 = tpu.memref_slice %arg6[%add3A_16] : memref<524288xf32, #tpu.memory_space<hbm>> -> memref<8192xf32, #tpu.memory_space<hbm>>
    tpu.wait_dma2 semaphore(%arg14 : memref<!tpu.dma_semaphore, #tpu.memory_space<semaphore_mem>>) src(%arg11 : memref<8192xf32, #tpu.memory_space<vmem>>) dst(%dma_wait3A_27 : memref<8192xf32, #tpu.memory_space<hbm>>)
    %dma_wait3A_28 = tpu.memref_slice %arg6[%add3A_23] : memref<524288xf32, #tpu.memory_space<hbm>> -> memref<8192xf32, #tpu.memory_space<hbm>>
    %dma_wait3A_29 = tpu.memref_slice %arg6[%add3A_23] : memref<524288xf32, #tpu.memory_space<hbm>> -> memref<8192xf32, #tpu.memory_space<hbm>>
    tpu.wait_dma2 semaphore(%arg14 : memref<!tpu.dma_semaphore, #tpu.memory_space<semaphore_mem>>) src(%arg12 : memref<8192xf32, #tpu.memory_space<vmem>>) dst(%dma_wait3A_29 : memref<8192xf32, #tpu.memory_space<hbm>>)
    return
  }
}

</mosaic_0001>

<sc_bundles>
// kernel: kernel.4.cloned.1.call-start
scs
__scs_entry_jumppad:
0x0: {  	(pc) =	sbr.rel $0x88, $3  }
0x1: {  	(tag) =	ssettag $0x0;
	lr =	simm.s32 $0x1  }
0x2: {  	[smem:$0x3F9E] =	sst lr;
	_ =	strace $0xD0000000  }
0x3: {  	_ = 	snop  }
0x4: {  	_ = 	snop  }
0x5: {  	_ = 	snop  }
0x6: {  	_ = 	snop  }
0x7: {  	_ = 	snop  }
__scs_overlays_trampoline_lowered:
0x8: {  	[smem:$0x3FAD] =	sst s0  }
0x9: {  	[smem:$0x3FAE] =	sst s1  }
0xa: {  	[smem:$0x3FAF] =	sst s2  }
0xb: {  	[smem:$0x3FB0] =	sst s3  }
0xc: {  	[smem:$0x3FB1] =	sst s4  }
0xd: {  	[smem:$0x3FB2] =	sst s5  }
0xe: {  	[smem:$0x3FB3] =	sst s6  }
0xf: {  	[smem:$0x3FB4] =	sst s7  }
0x10: {  	[smem:$0x3FB5] =	sst s8  }
0x11: {  	[smem:$0x3FB6] =	sst s9;
	s0 =	simm.s32 @!p0 $0x0  }
0x12: {  	s1 =	sld [smem:$0x3F9C];
	s0 =	simm.s32 @p0 $0x1  }
0x13: {  	[smem:$0x3FB7] =	sst s0;
	s0 =	simm.s32 @!p1 $0x0  }
0x14: {  	s2 =	sld [smem:$0x3F9B];
	s0 =	simm.s32 @p1 $0x1  }
0x15: {  	[smem:$0x3FB8] =	sst s0;
	s0 =	simm.s32 @!p2 $0x0  }
0x16: {  	s3 =	sld [smem:$0x3FDB];
	s0 =	simm.s32 @p2 $0x1  }
0x17: {  	s4 =	simm.s32 $0x1BF5;
	[smem:$0x3FBA] =	sst s0  }
0x18: {  	s0 =	sld [smem:$0x3F9D];
	_ =	swait.ge [sflag:s4], $0x0  }
0x19: {  	s7 =	sld [smem:$0x3F9E]  }
0x1a: {  	s8 =	sadd.s32 $0xFFFFE003, lr  }
0x1b: {  	s9 =	sadd.s32 $0xFFFFFEF7, lr;
	s5 =	simm.s32 $0xFFFFFFFF;
	p2 =	slt.u32 s8, $0xFFFFF086  }
0x1c: {  	p1 =	slt.u32 s9, $0xF7A;
	s5 =	simm.s32 @!p2 $0x0  }
0x1d: {  	s5 =	simm.s32 @p1 $0x1;
	p0 =	seq.s32 s7, s2  }
0x1e: {  	s7 =	smul.u32 @!p0 $0xF7A, s2;
	p2 =	seq.s32 @!p0 s5, $0x0  }
0x1f: {  	s9 =	smul.u32 $0xF7A, s1;
	s8 =	simm.s32 @!p0 $0x1BF5;
	p2 =	por !p2, p0  }
0x20: {  	[sflag:s8] =	ssyncset.s32 @!p0 $0xFFFFF086;
	s6 =	sadd.s32 @!p0 s3, s7;
	s7 =	simm.s32 @!p0 $0x108  }
0x21: {  	s3 =	sadd.s32 s3, s9;
	s6 =	sadd.s32 @!p0 $0x88, s6;
	s7 =	simm.s32 @p2 $0x1082  }
0x22: {  	[simem:s7], [sflag:s8] =	dma.local @!p0 [hbm:s6], $0xF7A  }
0x23: {  	s9 =	sor.u32 $0xD0000000, s2;
	s6 =	simm.s32 $0x108;
	_ =	swait.ge @!p0 [sflag:s8], $0x0  }
0x24: {  	s3 =	sadd.s32 $0x88, s3;
	s6 =	simm.s32 @!p1 $0x1082;
	[sflag:s4] =	ssyncset.s32 $0xFFFFF086  }
0x25: {  	[simem:s6], [sflag:s4] =	dma.local [hbm:s3], $0xF7A  }
0x26: {  	[smem:$0x3F9E] =	sst s1;
	(tag) =	ssettag s2;
	_ =	strace s9  }
0x27: {  	s1 =	sld [smem:$0x3FAE]  }
0x28: {  	s2 =	sld [smem:$0x3FAF]  }
0x29: {  	s4 =	sld [smem:$0x3FB1]  }
0x2a: {  	p0 =	seq.s32 s5, $0x0;
	s5 =	sld [smem:$0x3FB2]  }
0x2b: {  	s6 =	sld [smem:$0x3FB3]  }
0x2c: {  	s7 =	sld [smem:$0x3FB4]  }
0x2d: {  	s3 =	simm.s32 $0x108;
	s8 =	sld [smem:$0x3FB5]  }
0x2e: {  	s3 =	simm.s32 @!p0 $0x1082;
	s9 =	sld [smem:$0x3FB6]  }
0x2f: {  	lr =	sadd.s32 s0, s3;
	s0 =	sld [smem:$0x3FAD]  }
0x30: {  	s3 =	sld [smem:$0x3FB0]  }
0x31: {  	[smem:$0x3FB9] =	sst s10  }
0x32: {  	s10 =	sld [smem:$0x3FB7];
	_ =	sdelay $0x3  }
0x33: {  	p0 =	seq.s32 s10, $0x1;
	s10 =	sld [smem:$0x3FB9];
	_ =	sdelay $0x3  }
0x34: {  	[smem:$0x3FB9] =	sst s10  }
0x35: {  	s10 =	sld [smem:$0x3FB8];
	_ =	sdelay $0x3  }
0x36: {  	p1 =	seq.s32 s10, $0x1;
	s10 =	sld [smem:$0x3FB9];
	_ =	sdelay $0x3  }
0x37: {  	[smem:$0x3FB9] =	sst s10  }
0x38: {  	s10 =	sld [smem:$0x3FBA]  }
0x39: {  	_ = 	snop;
	(pc) =	sbr.ind lr, $3  }
0x3a: {  	_ = 	snop  }
0x3b: {  	_ = 	snop  }
0x3c: {  	p2 =	seq.s32 s10, $0x1;
	s10 =	sld [smem:$0x3FB9]  }
0x3d: {  	_ =	shalt  }
0x3e: {  	_ =	shalt  }
0x3f: {  	_ =	shalt  }
0x40: {  	_ =	shalt  }
0x41: {  	_ =	shalt  }
0x42: {  	_ =	shalt  }
0x43: {  	_ =	shalt  }
0x44: {  	_ =	shalt  }
0x45: {  	_ =	shalt  }
0x46: {  	_ =	shalt  }
0x47: {  	_ =	shalt  }
0x48: {  	_ =	shalt  }
0x49: {  	_ =	shalt  }
0x4a: {  	_ =	shalt  }
0x4b: {  	_ =	shalt  }
0x4c: {  	_ =	shalt  }
0x4d: {  	_ =	shalt  }
0x4e: {  	_ =	shalt  }
0x4f: {  	_ =	shalt  }
0x50: {  	_ =	shalt  }
0x51: {  	_ =	shalt  }
0x52: {  	_ =	shalt  }
0x53: {  	_ =	shalt  }
0x54: {  	_ =	shalt  }
0x55: {  	_ =	shalt  }
0x56: {  	_ =	shalt  }
0x57: {  	_ =	shalt  }
0x58: {  	_ =	shalt  }
0x59: {  	_ =	shalt  }
0x5a: {  	_ =	shalt  }
0x5b: {  	_ =	shalt  }
0x5c: {  	_ =	shalt  }
0x5d: {  	_ =	shalt  }
0x5e: {  	_ =	shalt  }
0x5f: {  	_ =	shalt  }
0x60: {  	_ =	shalt  }
0x61: {  	_ =	shalt  }
0x62: {  	_ =	shalt  }
0x63: {  	_ =	shalt  }
0x64: {  	_ =	shalt  }
0x65: {  	_ =	shalt  }
0x66: {  	_ =	shalt  }
0x67: {  	_ =	shalt  }
0x68: {  	_ =	shalt  }
0x69: {  	_ =	shalt  }
0x6a: {  	_ =	shalt  }
0x6b: {  	_ =	shalt  }
0x6c: {  	_ =	shalt  }
0x6d: {  	_ =	shalt  }
0x6e: {  	_ =	shalt  }
0x6f: {  	_ =	shalt  }
0x70: {  	_ =	shalt  }
0x71: {  	_ =	shalt  }
0x72: {  	_ =	shalt  }
0x73: {  	_ =	shalt  }
0x74: {  	_ =	shalt  }
0x75: {  	_ =	shalt  }
0x76: {  	_ =	shalt  }
0x77: {  	_ =	shalt  }
0x78: {  	_ =	shalt  }
0x79: {  	_ =	shalt  }
0x7a: {  	_ =	shalt  }
0x7b: {  	_ =	shalt  }
0x7c: {  	_ =	shalt  }
0x7d: {  	_ =	shalt  }
0x7e: {  	_ =	shalt  }
0x7f: {  	_ =	shalt  }
0x80: {  	_ =	shalt  }
0x81: {  	_ =	shalt  }
0x82: {  	_ =	shalt  }
0x83: {  	_ =	shalt  }
0x84: {  	_ =	shalt  }
0x85: {  	_ =	shalt  }
0x86: {  	_ =	shalt  }
0x87: {  	_ =	shalt  }
.Lfunc_end0:
.L_simem_size_0:
called_computation_lowered:
.L_overlay_start_0:
0x88: {  	s2 =	sld [smem:$0x3FD9]  }
0x89: {  	s3 =	sld [smem:$0x3FFE];
	_ =	sdelay $0x1  }
0x8a: {  	s1 =	srdreg.scid  }
0x8b: {  	s0 =	sand.u32 $0x1, s1  }
0x8c: {  	s17 =	sshll.u32 s0, $0xA;
	s2 =	sadd.s32 s3, s2  }
0x8d: {  	s2 =	sadd.s32 s2, s17  }
0x8e: {  	[smem:$0x3FC5] =	sst s2  }
0x8f: {  	_ = 	snop  }
0x90: {  	s2 =	sld [smem:$0x3FC8]  }
0x91: {  	s18 =	sld [smem:$0x3FC7]  }
0x92: {  	s4 =	sld [smem:$0x3FD0];
	(tm) =	ssettm $0x1  }
0x93: {  	s5 =	sld [smem:$0x3FFB];
	_ =	sdelay $0x3  }
0x94: {  	_ =	strace s5  }
0x95: {  	s5 =	sld [smem:$0x3FFC];
	_ =	sdelay $0x3  }
0x96: {  	_ =	strace s5  }
0x97: {  	s5 =	sld [smem:$0x3FFD];
	_ =	sdelay $0x3  }
0x98: {  	_ =	strace s5  }
0x99: {  	_ =	strace $0x8FFFFFFF  }
0x9a: {  	s19 =	sld [smem:$0x3FDB];
	_ =	sdelay $0x1  }
0x9b: {  	s6 =	simm.s32 $_scs_section_size  }
0x9c: {  	s7 =	simm.s32 $_size__tile_overlayer_lowered;
	s8 =	simm.s32 $_tile_overlayer_lowered  }
0x9d: {  	s22 =	simm.s32 $0x1BFF;
	s21 =	sshll.u32 s8, $0x1;
	s5 =	sadd.s32 s6, s19  }
0x9e: {  	s9 =	simm.s32 $0x0;
	s20 =	sshll.u32 s7, $0x1;
	s7 =	sadd.s32 s21, s5  }
0x9f: {  	[timem:s9], [sflag:s22] =	dma.local [hbm:s7], s20  }
0xa0: {  	_ =	swait.ge [sflag:s22], s20  }
0xa1: {  	s6 =	ssub.s32 $0x0, s20;
	[sflag:s22] =	ssyncset.done $0x0  }
0xa2: {  	[sflag:s22] =	ssyncadd.s32 s6;
	_ =	sdelay $0x1  }
0xa3: {  	s23 =	simm.s32 $0x1B8B  }
0xa4: {  	_ =	swait.ge [sflag:s23], $0x1  }
0xa5: {  	[sflag:s23] =	ssyncset.done $0x0  }
0xa6: {  	s25 =	simm.s32 $0x1B8E;
	s24 =	sld [smem:$0x3FFE];
	[sflag:s23] =	ssyncadd.s32 $0xFFFFFFFF  }
0xa7: {  	s26 =	simm.s32 $execute0_lowered;
	[smem:$0x3FD2] =	sst s25  }
0xa8: {  	s7 =	sshll.u32 s26, $0x1;
	_ =	strace $0x80000046;
	[dreg:$0x1] =	wrdreg $0xFFFFFFFF  }
0xa9: {  	s28 =	simm.s32 $_size_execute0_lowered;
	s5 =	sadd.s32 s5, s7;
	[dreg:$0x0] =	wrdreg $0x0  }
0xaa: {  	s7 =	sshll.u32 s28, $0x1;
	[dreg:$0x2] =	wrdreg s5  }
0xab: {  	[dreg:$0x3] =	wrdreg s7  }
0xac: {  	[dreg:$0x4] =	wrdreg $0xC0  }
0xad: {  	_ =	task [dreg:s9], $0x5FFFF  }
0xae: {  	[dreg:$0x1] =	wrdreg $0xFFFFFFFF  }
0xaf: {  	[dreg:$0x0] =	wrdreg $0x60  }
0xb0: {  	[dreg:$0x2] =	wrdreg s24  }
0xb1: {  	[dreg:$0x3] =	wrdreg s2  }
0xb2: {  	[dreg:$0x4] =	wrdreg s18  }
0xb3: {  	[dreg:$0x5] =	wrdreg s4  }
0xb4: {  	[dreg:$0x6] =	wrdreg $0x1CB000  }
0xb5: {  	[dreg:$0x7] =	wrdreg $0x1CF000  }
0xb6: {  	[dreg:$0x8] =	wrdreg $0x9  }
0xb7: {  	_ =	task.clear_ibuf [dreg:s9], $0x9FFFF;
	_ =	strace $0x90000046  }
0xb8: {  	s29 =	simm.s32 $0x9;
	_ =	strace $0x80000048  }
0xb9: {  	_ =	swait.ge [sflag:s29], $0x1  }
0xba: {  	[sflag:s29] =	ssyncadd.s32 $0xFFFFFFFF  }
0xbb: {  	_ =	strace $0x90000048  }
0xbc: {  	_ =	sfence  }
0xbd: {  	s30 =	sld [smem:$0x0];
	_ =	sdelay $0x2  }
0xbe: {  	s31 =	sshll.u32 s1, $0xD;
	s1 =	sshrl.u32 s1, $0x2  }
0xbf: {  	s3 =	sand.u32 $0x4000, s31;
	s1 =	sadd.s32 s1, s30  }
0xc0: {  	s0 =	sor.u32 s3, s0;
	s1 =	sshll.u32 s1, $0x11  }
0xc1: {  	s0 =	sor.u32 s1, s0  }
0xc2: {  	s0 =	sadd.s32 $0x8F2B, s0  }
0xc3: {  	[sflag:s0] =	ssyncadd.remote.s32 $0x1  }
0xc4: {  	_ =	sfence.sel $0xFFFF  }
0xc5: {  	[dreg:$0x0] =	wrdreg $0xFFFFFFFF;
	(pc) =	sbr.abs _section_cstart, $3  }
0xc6: {  	[dreg:$0x1] =	wrdreg $0xFFFFFFFF  }
0xc7: {  	_ =	task.clear_ibuf [dreg:s9], $0x2FFFF;
	_ =	strace $0x9FFFFFFF  }
0xc8: {  	(tm) =	ssettm $0x7FFFFFFF  }
0xc9: {  	_ =	shalt  }
tec
execute0_lowered:
.L_overlay_start_1:
0x0: {  	(tag) =	ssettag $0x1  }
0x1: {  	s0 =	rddreg [dreg:$0x0]  }
0x2: {  	s4 =	rddreg [dreg:$0x1]  }
0x3: {  	s7 =	rddreg [dreg:$0x2]  }
0x4: {  	s8 =	rddreg [dreg:$0x3]  }
0x5: {  	s1 =	rddreg [dreg:$0x4]  }
0x6: {  	s2 =	rddreg [dreg:$0x5];
	s3 =	simm.s32 $0x0  }
0x7: {  	s5 =	srdreg.scid;
	s13 =	stileid.u32;
	s28 =	simm.s32 $0x80  }
0x8: {  	s29 =	simm.s32 $0x2;
	s30 =	simm.s32 $0x0;
	[smem:$0x7FF] =	sst s3  }
0x9: {  	s11 =	sadd.s32 $0x10E00, s0;
	s5 =	sand.u32 $0x1, s5;
	s12 =	sadd.s32 $0xE00, s0  }
0xa: {  	s6 =	sshll.u32 s13, $0xA;
	s13 =	sshll.u32 s13, $0x1;
	_ =	strace $0x80000047  }
0xb: {  	s9 =	sshll.u32 s5, $0xE;
	s10 =	ssub.s32 $0x2, s5;
	s18 =	sor.u32 s5, s13  }
0xc: {  	s5 =	sadd.s32 s6, s1;
	s9 =	sor.u32 s6, s9;
	s23 =	sshrl.u32 s10, $0x1  }
0xd: {  	s24 =	sshll.u32 s18, $0xB;
	s6 =	sadd.s32 s6, s2;
	p0 =	seq.s32 s18, $0x1F  }
0xe: {  	s15 =	sshrl.u32 s9, $0x3;
	s17 =	ssub.s32 s10, s23;
	s25 =	sadd.s32 s11, s24  }
0xf: {  	s26 =	sadd.s32 s12, s24;
	s31 =	sadd.s32 s4, s24;
	[dreg:$0x7] =	wrdreg s25  }
.Ltmp0:
0x10: {  	s14 =	sor.u32 $0x400, s24;
	[dreg:$0x8] =	wrdreg s26;
	(pc) =	sbr.rel .LBB2_1-.Ltmp0, $4  }
0x11: {  	s10 =	sadd.s32 s7, s24;
	s0 =	sadd.s32 s15, s0;
	[dreg:$0x9] =	wrdreg s31  }
0x12: {  	vm3 =	vmmov $0x7fff;
	v2 =	vimm.s32 $0x0;
	s11 =	sadd.s32 s11, s14;
	s12 =	sadd.s32 s12, s14;
	s13 =	sadd.s32 s4, s14  }
0x13: {  	v2 =	vsel vm3, $0xFFFFFFFF, v2;
	s14 =	sadd.s32 s7, s14;
	s15 =	sadd.s32 s8, s15;
	s17 =	smax.u32 s17, $0x1  }
0x14: {  	v0 =	vimm.f32 $0.0e+00;
	vm8 =	vcmask $0x3F3C;
	v1 =	vimm.s32 $0x0;
	[tilespmem:$0x1FFF0] =	vst v2;
	s25 =	simm.s32 $0x3;
	s26 =	simm.s32 $0x1;
	s16 =	sadd.s32 $0x20E00, s0  }
.LBB2_22:
0x15: {  	[sflag:s29] =	ssyncadd.s32 $0xFFFFFF80  }
.LBB2_23:
0x16: {  	s0 =	stileid.u32  }
0x17: {  	[bflag:$0x0] =	sbarrier.arrive $0xFFFF;
	s4 =	sshrl.u32 s5, $0x3;
	s0 =	sshll.u32 s0, $0x6  }
0x18: {  	s31 =	sshrl.u32 s6, $0x3;
	s30 =	sadd.s32 $0x1, s30;
	s0 =	sor.u32 $0x1C03, s0  }
0x19: {  	[hbm:s15], [sflag:s0] =	dma.local [spmem:s4], $0x80  }
0x1a: {  	[hbm:s16], [sflag:s0] =	dma.local [spmem:s31], $0x80  }
0x1b: {  	p1 =	sne.s32 s30, s17;
	_ =	swait.ge [sflag:s25], $0x80  }
.Ltmp1:
0x1c: {  	[sflag:s25] =	ssyncset.done $0x0;
	(pc) =	sbr.rel @!p1 .LBB2_24-.Ltmp1, $4  }
0x1d: {  	[sflag:s25] =	ssyncadd.s32 $0xFFFFFF80  }
0x1e: {  	_ =	swait.ge [sflag:s25], $0x80  }
0x1f: {  	[sflag:s25] =	ssyncset.done $0x0  }
0x20: {  	[sflag:s25] =	ssyncadd.s32 $0xFFFFFF80  }
.LBB2_1:
0x21: {  	s0 =	simm.s32 $0x10140  }
0x22: {  	[tilespmem:s0+$0xFFFFFFC0] =	vst v0  }
0x23: {  	[tilespmem:s0+$0x30] =	vst v0  }
0x24: {  	[tilespmem:s0+$0x20] =	vst v0  }
0x25: {  	[tilespmem:s0+$0x10] =	vst v0  }
0x26: {  	[tilespmem:s0+$0x0] =	vst v0  }
0x27: {  	[tilespmem:s0+$0xFFFFFFF0] =	vst v0  }
0x28: {  	s4 =	simm.s32 $0x0;
	[tilespmem:s0+$0xFFFFFFE0] =	vst v0  }
.LBB2_2:
0x29: {  	s4 =	sadd.s32 $0x80, s4;
	[tilespmem:s0+$0xFFFFFFD0] =	vst v0;
	s0 =	sadd.s32 $0x80, s0  }
0x2a: {  	[tilespmem:s0+$0xFFFFFFC0] =	vst v0;
	p1 =	slt.u32 s4, $0x380  }
0x2b: {  	[tilespmem:s0+$0x30] =	vst v0  }
.Ltmp2:
0x2c: {  	[tilespmem:s0+$0x20] =	vst v0;
	(pc) =	sbr.rel @p1 .LBB2_2-.Ltmp2, $4  }
0x2d: {  	[tilespmem:s0+$0x10] =	vst v0  }
0x2e: {  	[tilespmem:s0+$0x0] =	vst v0  }
0x2f: {  	[tilespmem:s0+$0xFFFFFFF0] =	vst v0  }
0x30: {  	[tilespmem:s0+$0xFFFFFFE0] =	vst v0  }
0x31: {  	[tilespmem:s0+$0xFFFFFFD0] =	vst v0;
	s22 =	simm.s32 $0x10100  }
0x32: {  	[spmem:s5] =	stream.linear.scatter [tilespmem:s22], [sflag:$0x3], $0x400, $0x38;
	[tilespmem:$0x1D300] =	vst v63  }
0x33: {  	_ = 	snop  }
0x34: {  	[spmem:s6] =	stream.linear.scatter [tilespmem:s22], [sflag:$0x3], $0x400, $0x38;
	[tilespmem:$0x1D300] =	vst v63  }
0x35: {  	s23 =	rddreg [dreg:$0x7]  }
0x36: {  	[tilespmem:s3], [sflag:$0x1] =	stream.linear.gather [hbm4b:s23+s3], $0x2000, $0x38;
	[tilespmem:$0x1D300] =	vst v63  }
0x37: {  	s4 =	simm.s32 $0x4000;
	s24 =	rddreg [dreg:$0x8]  }
0x38: {  	[tilespmem:s4], [sflag:$0x1] =	stream.linear.gather [hbm4b:s24+s3], $0x2000, $0x38;
	[tilespmem:$0x1D300] =	vst v63  }
0x39: {  	s7 =	simm.s32 $0x8000;
	s4 =	rddreg [dreg:$0x9]  }
0x3a: {  	[tilespmem:s7], [sflag:$0x1] =	stream.linear.gather [hbm4b:s4+s3], $0x2000, $0x38;
	[tilespmem:$0x1D300] =	vst v63  }
0x3b: {  	s8 =	simm.s32 $0xC000  }
0x3c: {  	[tilespmem:s8], [sflag:$0x1] =	stream.linear.gather [hbm4b:s10+s3], $0x2010, $0x38;
	[tilespmem:$0x1D300] =	vst v63  }
0x3d: {  	s9 =	simm.s32 $0x2000  }
0x3e: {  	[tilespmem:s9], [sflag:$0x1] =	stream.linear.gather [hbm4b:s11+s3], $0x2000, $0x38;
	[tilespmem:$0x1D300] =	vst v63  }
0x3f: {  	s18 =	simm.s32 $0x6000  }
0x40: {  	[tilespmem:s18], [sflag:$0x1] =	stream.linear.gather [hbm4b:s12+s3], $0x2000, $0x38;
	[tilespmem:$0x1D300] =	vst v63  }
0x41: {  	s19 =	simm.s32 $0xA000  }
0x42: {  	[tilespmem:s19], [sflag:$0x1] =	stream.linear.gather [hbm4b:s13+s3], $0x2000, $0x38;
	[tilespmem:$0x1D300] =	vst v63  }
0x43: {  	s0 =	simm.s32 @p0 $0x0;
	s4 =	simm.s32 @p0 $0xE080  }
0x44: {  	[tilespmem:s4], [sflag:$0x4] =	stream.linear.gather @p0 [hbm4b:s14+s0], $0x2000, $0x38;
	[tilespmem:$0x1D300] =	vst v63  }
0x45: {  	s0 =	simm.s32 @p0 $0x4  }
0x46: {  	_ =	swait.ge @p0 [sflag:s0], $0x2000  }
0x47: {  	[sflag:s0] =	ssyncset.done @p0 $0x0  }
0x48: {  	s4 =	simm.s32 @!p0 $0xE080;
	[sflag:s0] =	ssyncadd.s32 @p0 $0xFFFFE000;
	s0 =	simm.s32 @!p0 $0x0  }
0x49: {  	[tilespmem:s4], [sflag:$0x4] =	stream.linear.gather @!p0 [hbm4b:s14+s0], $0x2010, $0x38;
	[tilespmem:$0x1D300] =	vst v63  }
0x4a: {  	s0 =	simm.s32 @!p0 $0x4  }
0x4b: {  	_ =	swait.ge @!p0 [sflag:s0], $0x2010  }
0x4c: {  	[sflag:s0] =	ssyncset.done @!p0 $0x0  }
0x4d: {  	[sflag:s0] =	ssyncadd.s32 @!p0 $0xFFFFDFF0  }
0x4e: {  	_ =	swait.ge [sflag:s25], $0x400  }
0x4f: {  	[sflag:s25] =	ssyncset.done $0x0  }
0x50: {  	[sflag:s25] =	ssyncadd.s32 $0xFFFFFC00  }
0x51: {  	_ =	swait.ge [sflag:s25], $0x400  }
0x52: {  	[sflag:s25] =	ssyncset.done $0x0  }
0x53: {  	[sflag:s25] =	ssyncadd.s32 $0xFFFFFC00  }
0x54: {  	[bflag:$0x0] =	sbarrier.arrive $0xFFFF  }
0x55: {  	_ =	swait.ge [sflag:s26], $0x2000  }
0x56: {  	[sflag:s26] =	ssyncset.done $0x0  }
0x57: {  	[sflag:s26] =	ssyncadd.s32 $0xFFFFE000  }
0x58: {  	_ =	swait.ge [sflag:s26], $0x2000  }
0x59: {  	[sflag:s26] =	ssyncset.done $0x0  }
0x5a: {  	[sflag:s26] =	ssyncadd.s32 $0xFFFFE000  }
0x5b: {  	_ =	swait.ge [sflag:s26], $0x2000  }
0x5c: {  	[sflag:s26] =	ssyncset.done $0x0  }
0x5d: {  	[sflag:s26] =	ssyncadd.s32 $0xFFFFE000  }
0x5e: {  	_ =	swait.ge [sflag:s26], $0x2010  }
0x5f: {  	[sflag:s26] =	ssyncset.done $0x0  }
0x60: {  	s20 =	simm.s32 $0xC020;
	[sflag:s26] =	ssyncadd.s32 $0xFFFFDFF0  }
0x61: {  	v17 =	vld [tilespmem:s20+$0xFFFFFFF1]  }
0x62: {  	v15 =	vld [tilespmem:s20+$0xFFFFFFE0]  }
0x63: {  	s21 =	simm.s32 $0x4020;
	v6 =	vld [tilespmem:s20+$0xFFFFFFE1]  }
0x64: {  	v2 =	vld [tilespmem:s21+$0xFFFFFFE0]  }
0x65: {  	v13 =	vld [tilespmem:s20+$0xFFFFFFF0]  }
0x66: {  	v3 =	vld [tilespmem:s21+$0xFFFFFFF0];
	_ =	sdelay $0x1  }
0x67: {  	v9 =	vld [tilespmem:s20+$0x0];
	vm1 =	vne.s32 v15, v6  }
0x68: {  	v20 =	vld [tilespmem:s20+$0x1];
	(erf) = vrcp.f32 v2;
	vm0 =	vmor vm1, vm8  }
0x69: {  	v7 =	vld [tilespmem:s20+$0x11];
	vm6 =	vne.s32 v13, v17;
	v4 =	vsel vm0, $0x1, v1  }
0x6a: {  	v12 =	vld [tilespmem:s20+$0x10];
	vm2 =	vmand vm6, vm3;
	(erf) = vrcp.f32 v3;
	(xrf0) =	vadd.scan.msk.s32 $0xffff, v4  }
0x6b: {  	s22 =	simm.s32 $0x20;
	v2 =	vsel vm2, $0x1, v1  }
0x6c: {  	s8 =	simm.s32 $0x8020;
	v5 =	vld [tilespmem:s22+$0xFFFFFFF0];
	(xrf0) =	vadd.scan.msk.s32 $0xffff, v2  }
0x6d: {  	v2 =	vld [tilespmem:s8+$0xFFFFFFF0]  }
0x6e: {  	v8 =	vld [tilespmem:s21+$0x0];
	vm7 =	vne.s32 v9, v20;
	vm12 =	vmand vm1, vm3  }
0x6f: {  	v11 =	vld [tilespmem:s21+$0x10];
	vm5 =	vne.s32 v12, v7;
	vm11 =	vmor vm7, vm8;
	v4 =	vsel vm12, $0x1, v1  }
0x70: {  	v16 =	vld [tilespmem:s22+$0xFFFFFFE0];
	vm4 =	vmor vm5, vm8;
	(xrf0) =	vadd.scan.msk.s32 $0xffff, v4;
	v4 =	vsel vm11, $0x1, v1;
	v10, _, _ =	vpop (xrf0)  }
0x71: {  	s7 =	simm.s32 $0xC060;
	v3 =	vld [tilespmem:s8+$0xFFFFFFE0];
	vm5 =	vmand vm5, vm3;
	(xrf0) =	vadd.scan.msk.s32 $0xffff, v4;
	v4 =	vsel vm4, $0x1, v1;
	v19 =	vpop (erf)  }
0x72: {  	vm7 =	vmand vm7, vm3;
	v18 =	vsel vm5, $0x1, v1;
	v22 =	vcvt.s32.f32 v2;
	v2 =	vld [tilespmem:s7+$0xFFFFFFF1];
	v14, _, _ =	vpop (xrf0);
	(xrf0) =	vadd.scan.msk.s32 $0xffff, v4  }
0x73: {  	v4 =	vsel vm7, $0x1, v1;
	v23 =	vpop (erf);
	(erf) = vrcp.f32 v8;
	v8 =	vld [tilespmem:s7+$0xFFFFFFE1];
	(xrf0) =	vadd.scan.msk.s32 $0xffff, v18  }
0x74: {  	vm6 =	vmor vm6, vm8;
	(v2sf) =	vpush v14, $0xF;
	v14 =	vld [tilespmem:s7+$0xFFFFFFE0];
	(xrf0) =	vadd.scan.msk.s32 $0xffff, v4;
	v4 =	vmul.f32 v23, v5  }
0x75: {  	v18 =	vsel vm6, $0x1, v1;
	(erf) = vrcp.f32 v11;
	v11 =	vld [tilespmem:s7+$0xFFFFFFF0];
	(xrf2) =	vadd.scan.msk.f32 $0xffff, v23;
	(v2sf) =	vpush v10, $0xF  }
0x76: {  	v3 =	vcvt.s32.f32 v3;
	v16 =	vmul.f32 v19, v16;
	(xrf0) =	vadd.scan.msk.s32 $0xffff, v18;
	v18 =	vadd.f32 v22, v4  }
0x77: {  	v25 =	vimm.s32 $0x0;
	s23 =	simm.s32 $0x4060;
	v21 =	vld [tilespmem:s8+$0x0];
	vm1 =	vmmov vm8;
	vm13 =	vmmov vm2;
	v5, _, _ =	vpop (xrf0)  }
0x78: {  	vm10 =	vmmov vm0;
	vm9 =	vmmov vm12;
	v3 =	vadd.f32 v3, v16;
	v16 =	vld [tilespmem:s23+$0xFFFFFFE0];
	v10, _, _ =	vpop (xrf0);
	(xrf2) =	vadd.scan.msk.f32 $0xffff, v18  }
0x79: {  	vm0 =	vmmov vm6;
	(v2sf) =	vpush v5, $0xF;
	v22 =	vld [tilespmem:s22+$0x0];
	v5, _, _ =	vpop (xrf0);
	vm2 =	vne.s32 v14, v8  }
0x7a: {  	(v2sf) =	vpush v5, $0xF;
	(xrf2) =	vadd.scan.msk.f32 $0xffff, v19;
	v5 =	vld [tilespmem:s8+$0x10];
	vm6 =	vmor vm2, vm8;
	vm8 =	vne.s32 v11, v2;
	v18, _, _ =	vpop (xrf0)  }
0x7b: {  	v19 =	vld [tilespmem:s22+$0x10];
	vm12 =	vmand vm2, vm3;
	(v2sf) =	vpush v10, $0xF;
	vm2 =	vmor vm8, vm1;
	v10, _, _ =	vpop (xrf0)  }
0x7c: {  	v23 =	vimm.s32 $0x0;
	v4 =	vld [tilespmem:s7+$0x0];
	(xrf2) =	vadd.scan.msk.f32 $0xffff, v3;
	v25 =	vsel vm2, $0xFFFFFFFF, v25;
	v3, _, _ =	vpop (xrf0);
	(v2sf) =	vpush v10, $0xF  }
0x7d: {  	v21 =	vcvt.s32.f32 v21;
	v23 =	vsel vm12, $0xFFFFFFFF, v23;
	v10 =	vld [tilespmem:s23+$0xFFFFFFF0];
	(v2sf) =	vpush v3, $0xF  }
0x7e: {  	(erf) = vrcp.f32 v16;
	vm14 =	vmand vm8, vm3;
	v24 =	vpop (erf);
	v3 =	vld [tilespmem:s7+$0x1];
	[tilespmem:$0x1FFC0] =	vst v23;
	v23 =	vsel vm6, $0x1, v1  }
0x7f: {  	s0 =	simm.s32 $0x8060;
	v16 =	vsel vm14, $0x1, v1;
	v22 =	vmul.f32 v24, v22;
	[tilespmem:$0x1FFD0] =	vst v25;
	v25 =	vpop (erf);
	(xrf0) =	vadd.scan.msk.s32 $0xffff, v23  }
0x80: {  	v28 =	vsel vm2, $0x1, v1;
	v30, _, _ =	vpop (xrf2);
	(xrf2) =	vadd.scan.msk.f32 $0xffff, v24;
	v23 =	vld [tilespmem:s0+$0xFFFFFFF0];
	v26 =	vcvt.s32.f32 v5;
	v19 =	vmul.f32 v25, v19  }
0x81: {  	vm2 =	vmmov vm11;
	vm11 =	vmmov vm4;
	vm4 =	vmmov vm14;
	v29 =	vld [tilespmem:s0+$0xFFFFFFE0];
	(xrf0) =	vadd.scan.msk.s32 $0xffff, v16  }
0x82: {  	v5 =	vld [tilespmem:s7+$0x11];
	(erf) = vrcp.f32 v10;
	v19 =	vadd.f32 v26, v19;
	v24, _, _ =	vpop (xrf2);
	(xrf2) =	vadd.scan.msk.f32 $0xffff, v25;
	v25 =	vimm.s32 $0x0  }
0x83: {  	s31 =	simm.s32 $0x60;
	v10 =	vld [tilespmem:s7+$0x10];
	s18 =	spop (v2sf);
	v25 =	vsel vm4, $0xFFFFFFFF, v25  }
0x84: {  	s20 =	simm.s32 $0x0;
	v21 =	vadd.f32 v21, v22;
	v22, _, _ =	vpop (xrf2);
	(xrf2) =	vadd.scan.msk.f32 $0xffff, v19;
	s24 =	spop (v2sf);
	v19 =	vld [tilespmem:s31+$0xFFFFFFE0];
	[tilespmem:$0x1FF90] =	vst v25  }
0x85: {  	v27 =	vsel vm12, $0x1, v1;
	vm8 =	vmmov vm5;
	(v2sf) =	vpush v18, $0xF;
	s7 =	sadd.s32 $0x0, s24;
	v18, _, _ =	vpop (xrf0);
	[tilespmem:s20+$0x10500] =	vst.msk vm10, v15  }
0x86: {  	vm5 =	vmmov vm7;
	(xrf0) =	vadd.scan.msk.s32 $0xffff, v27;
	vm12 =	vne.s32 v4, v3;
	v15, _, _ =	vpop (xrf2);
	[tilespmem:s7+$0x10500] =	vst.msk vm0, v13  }
0x87: {  	v26 =	vcvt.s32.f32 v29;
	v29 =	vsub.f32 $0.0e+00, v24;
	vm7 =	vmor vm12, vm1;
	v25 =	vld [tilespmem:s31+$0xFFFFFFF0];
	v13, _, _ =	vpop (xrf0);
	[tilespmem:s20+$0x12600] =	vst.msk vm10, v15  }
0x88: {  	s22 =	spop (v2sf);
	(xrf2) =	vadd.scan.msk.f32 $0xffff, v21;
	v21 =	vpop (erf);
	vm4 =	vne.s32 v10, v5;
	[tilespmem:s7+$0x12600] =	vst.msk vm0, v24;
	v15 =	vsub.f32 $0.0e+00, v15  }
0x89: {  	v24 =	vsel vm7, $0x1, v1;
	(v2sf) =	vpush v13, $0xF;
	[tilespmem:s20+$0x14700] =	vst.msk vm10, v22;
	s9 =	spop (v2sf);
	v13 =	vmul.f32 v21, v19  }
0x8a: {  	v27 =	vsub.f32 $0.0e+00, v22;
	vm10 =	vmor vm4, vm1;
	(xrf0) =	vadd.scan.msk.s32 $0xffff, v24;
	[tilespmem:s20+$0x16800] =	vst.msk vm9, v6;
	s24 =	spop (v2sf)  }
0x8b: {  	v22 =	vld [tilespmem:s23+$0x0];
	vm14 =	vmand vm4, vm3;
	[tilespmem:s20+$0x18900] =	vst.msk vm9, v15;
	v19 =	vpop (erf);
	v32 =	vadd.f32 v26, v13;
	v13 =	vimm.s32 $0x0;
	s21 =	spop (v2sf)  }
0x8c: {  	s19 =	simm.s32 $0xC0A0;
	[tilespmem:s20+$0x1AA00] =	vst.msk vm9, v27;
	v24 =	vmul.f32 v19, v25;
	(xrf2) =	vadd.scan.msk.f32 $0xffff, v19;
	v19 =	vld [tilespmem:s23+$0x10];
	v13 =	vsel vm14, $0xFFFFFFFF, v13;
	s23 =	spop (v2sf)  }
0x8d: {  	v6 =	vld [tilespmem:s19+$0xFFFFFFF1];
	v25 =	vsel vm10, $0x1, v1;
	[tilespmem:$0x1FFA0] =	vst v13;
	s23 =	sadd.s32 s7, s23  }
0x8e: {  	vm4 =	vmand vm12, vm3;
	[tilespmem:s23+$0x10500] =	vst.msk vm2, v9;
	v9 =	vimm.s32 $0x0  }
0x8f: {  	v31, _, _ =	vpop (xrf2);
	v9 =	vsel vm4, $0xFFFFFFFF, v9  }
0x90: {  	(xrf0) =	vadd.scan.msk.s32 $0xffff, v25;
	v15 =	vld [tilespmem:s19+$0xFFFFFFE0];
	v25, _, _ =	vpop (xrf2);
	s24 =	sadd.s32 s23, s24;
	[tilespmem:$0x1FFB0] =	vst v9  }
0x91: {  	v13 =	vsel vm14, $0x1, v1;
	(v2sf) =	vpush v18, $0xF;
	v18, _, _ =	vpop (xrf2);
	[tilespmem:s24+$0x10500] =	vst.msk vm11, v12  }
0x92: {  	v23 =	vcvt.s32.f32 v23;
	(xrf0) =	vadd.scan.msk.s32 $0xffff, v13;
	v9 =	vsel vm4, $0x1, v1;
	[tilespmem:s24+$0x12600] =	vst.msk vm11, v18  }
0x93: {  	vm13 =	vmmov vm13;
	s4 =	sadd.s32 $0x0, s22;
	(xrf0) =	vadd.scan.msk.s32 $0xffff, v9;
	v9 =	vld [tilespmem:$0x1FFC0];
	[tilespmem:s7+$0x14700] =	vst.msk vm0, v30  }
0x94: {  	v23 =	vadd.f32 v23, v24;
	v24, _, _ =	vpop (xrf0);
	v13 =	vld [tilespmem:s19+$0xFFFFFFE1];
	[tilespmem:s4+$0x16800] =	vst.msk vm13, v17  }
0x95: {  	s20 =	simm.s32 $0x40A0;
	(erf) = vrcp.f32 v22;
	v33, _, _ =	vpop (xrf0);
	v17 =	vld [tilespmem:$0x1FFD0]  }
0x96: {  	v16 =	vsub.f32 $0.0e+00, v30;
	(xrf2) =	vadd.scan.msk.f32 $0xffff, v23;
	v23 =	vsub.f32 $0.0e+00, v25;
	(erf) = vrcp.f32 v19;
	v19, _, _ =	vpop (xrf2);
	v34 =	vld [tilespmem:s20+$0xFFFFFFE0]  }
0x97: {  	(v2sf) =	vpush v24, $0xF;
	v27 =	vsub.f32 $0.0e+00, v18;
	v12 =	vld [tilespmem:s19+$0xFFFFFFF0];
	(xrf0) =	vadd.scan.msk.s32 $0xffff, v28;
	v22, _, _ =	vpop (xrf0)  }
0x98: {  	v24 =	vsub.f32 $0.0e+00, v19;
	(v2sf) =	vpush v22, $0xF  }
0x99: {  	vm15 =	vmmov vm6;
	(v2sf) =	vpush v33, $0xF;
	[tilespmem:s24+$0x14700] =	vst.msk vm11, v25;
	v25 =	vsub.f32 $0.0e+00, v31  }
0x9a: {  	[tilespmem:s23+$0x12600] =	vst.msk vm2, v19;
	v19 =	vimm.s32 $0x0;
	vm4 =	vnez.u8 v9;
	v9 =	vld [tilespmem:s19+$0x0];
	vm0 =	vnez.u8 v17  }
0x9b: {  	(xrf2) =	vadd.scan.msk.f32 $0xffff, v21;
	v21, _, _ =	vpop (xrf0);
	(erf) = vrcp.f32 v34;
	v17 =	vld [tilespmem:s19+$0x1];
	vm12 =	vmmov vm0;
	vm0 =	vne.s32 v15, v13  }
0x9c: {  	s18 =	sadd.s32 s4, s18;
	(xrf2) =	vadd.scan.msk.f32 $0xffff, v32;
	v28 =	vld [tilespmem:s20+$0xFFFFFFF0];
	v63, _, _ =	vpop (xrf0);
	vm11 =	vmor vm0, vm1;
	vm9 =	vmand vm0, vm3;
	vm0 =	vne.s32 v12, v6  }
0x9d: {  	v22 =	vld [tilespmem:s0+$0x0];
	s7 =	sadd.s32 s18, s21;
	[tilespmem:s23+$0x14700] =	vst.msk vm2, v31;
	s23 =	sadd.s32 s24, s9;
	s24 =	spop (v2sf);
	v36, _, _ =	vpop (xrf0);
	(v2sf) =	vpush v63, $0xF;
	vm14 =	vmmov vm4;
	vm1 =	vmor vm0, vm1  }
0x9e: {  	v30 =	vld [tilespmem:s31+$0x10];
	[tilespmem:s4+$0x18900] =	vst.msk vm13, v29;
	s21 =	sadd.s32 s7, s24;
	s24 =	spop (v2sf);
	(v2sf) =	vpush v36, $0xF;
	vm0 =	vmand vm0, vm3;
	v19 =	vsel vm1, $0xFFFFFFFF, v19  }
0x9f: {  	v18, _, _ =	vpop (xrf2);
	v29 =	vld [tilespmem:s0+$0x10];
	v35 =	vsel vm11, $0x1, v1;
	v26 =	vsel vm9, $0x1, v1;
	v32 =	vsel vm0, $0x1, v1;
	[tilespmem:$0x1FFE0] =	vst v19  }
0xa0: {  	s22 =	simm.s32 $0x80;
	s0 =	simm.s32 $0x80A0;
	(xrf0) =	vadd.scan.msk.s32 $0xffff, v35;
	v19 =	vsel vm1, $0x1, v1;
	vm1 =	vne.s32 v9, v17;
	[tilespmem:s18+$0x16800] =	vst.msk vm5, v20;
	v31 =	vld [tilespmem:s31+$0x0];
	v20 =	vpop (erf)  }
.LBB2_4:
0xa1: {  	[tilespmem:s7+$0x16800] =	vst.msk vm8, v7  }
0xa2: {  	v33 =	vld [tilespmem:s0+$0xFFFFFFF0];
	[tilespmem:s7+$0x18900] =	vst.msk vm8, v27;
	(erf) = vrcp.f32 v28;
	v28 =	vsub.f32 $0.0e+00, v18  }
0xa3: {  	[tilespmem:s4+$0x1AA00] =	vst.msk vm13, v16;
	v7 =	vmov v5;
	v5 =	vld [tilespmem:s19+$0x11]  }
0xa4: {  	[tilespmem:s18+$0x18900] =	vst.msk vm5, v24;
	v16 =	vmov v28;
	v28 =	vld [tilespmem:s19+$0x10]  }
0xa5: {  	[tilespmem:s7+$0x1AA00] =	vst.msk vm8, v23;
	v23 =	vld [tilespmem:$0x1FFA0]  }
0xa6: {  	[tilespmem:s18+$0x1AA00] =	vst.msk vm5, v25;
	v25 =	vld [tilespmem:$0x1FFB0];
	_ =	sdelay $0x1  }
0xa7: {  	(xrf0) =	vadd.scan.msk.s32 $0xffff, v32;
	v35, _, _ =	vpop (xrf2);
	v22 =	vcvt.s32.f32 v22;
	vm2 =	vmmov vm7  }
0xa8: {  	s31 =	sadd.s32 $0x40, s31;
	v34 =	vld [tilespmem:s0+$0xFFFFFFE0];
	(xrf2) =	vadd.scan.msk.f32 $0xffff, v20;
	v31 =	vmul.f32 v20, v31;
	v20 =	vmov v3;
	v3 =	vmov v17;
	v54 =	vpop (erf)  }
0xa9: {  	v17 =	vld [tilespmem:s31+$0xFFFFFFE0];
	v29 =	vcvt.s32.f32 v29;
	v30 =	vmul.f32 v54, v30;
	v24, _, _ =	vpop (xrf2);
	vm4 =	vnez.u8 v23  }
0xaa: {  	vm3 =	vmmov vm10;
	s8 =	spop (v2sf);
	[tilespmem:s23+$0x10500] =	vst.msk vm15, v14;
	v14, _, _ =	vpop (xrf2);
	vm8 =	vmmov vm4;
	vm4 =	vnez.u8 v25;
	v25 =	vld [tilespmem:$0x1FF90]  }
0xab: {  	v40 =	vimm.s32 $0x0;
	s7 =	sadd.s32 s23, s8;
	v29 =	vadd.f32 v29, v30;
	[tilespmem:s23+$0x12600] =	vst.msk vm15, v14;
	v55 =	vsub.f32 $0.0e+00, v14;
	v14 =	vmovc v15;
	v15 =	vld [tilespmem:$0x1FFF0]  }
0xac: {  	v38 =	vimm.s32 $0x0;
	(v2sf) =	vpush v21, $0xF;
	v27, _, _ =	vpop (xrf0);
	(xrf0) =	vadd.scan.msk.s32 $0xffff, v26;
	v23 =	vld [tilespmem:s31+$0xFFFFFFF0];
	[tilespmem:s7+$0x10500] =	vst.msk vm12, v11;
	s18 =	spop (v2sf)  }
0xad: {  	v22 =	vadd.f32 v22, v31;
	v21 =	vcvt.s32.f32 v34;
	v26, _, _ =	vpop (xrf0);
	(xrf2) =	vadd.scan.msk.f32 $0xffff, v54;
	[tilespmem:s7+$0x12600] =	vst.msk vm12, v35;
	s4 =	sadd.s32 s21, s18  }
0xae: {  	v30 =	vsub.f32 $0.0e+00, v24;
	(v2sf) =	vpush v26, $0xF;
	[tilespmem:s23+$0x14700] =	vst.msk vm15, v24;
	(xrf2) =	vadd.scan.msk.f32 $0xffff, v29;
	s18 =	sadd.s32 s4, s24;
	s24 =	spop (v2sf)  }
0xaf: {  	vm5 =	vmmov vm4;
	[tilespmem:s21+$0x16800] =	vst.msk vm14, v8;
	(xrf2) =	vadd.scan.msk.f32 $0xffff, v22;
	s23 =	spop (v2sf);
	v29 =	vpop (erf);
	vm4 =	vnez.u8 v25  }
0xb0: {  	[tilespmem:s21+$0x18900] =	vst.msk vm14, v55;
	s9 =	spop (v2sf);
	v25 =	vimm.s32 $0x0;
	v17 =	vmul.f32 v29, v17;
	vm6 =	vnez.u8 v15  }
0xb1: {  	s19 =	sadd.s32 $0x40, s19;
	v26 =	vld [tilespmem:s20+$0x10];
	[tilespmem:s21+$0x1AA00] =	vst.msk vm14, v30;
	v57 =	vpop (erf);
	s8 =	spop (v2sf);
	vm13 =	vmmov vm4;
	vm4 =	vmmov vm0;
	vm0 =	vne.s32 v28, v5  }
0xb2: {  	v36, _, _ =	vpop (xrf2);
	v59 =	vld [tilespmem:s19+$0xFFFFFFF1];
	v11 =	vmul.f32 v57, v23;
	(xrf2) =	vadd.scan.msk.f32 $0xffff, v57;
	s8 =	sadd.s32 s7, s8;
	v25 =	vsel vm4, $0xFFFFFFFF, v25;
	vm4 =	vcmask $0x3F3C  }
0xb3: {  	v22 =	vld [tilespmem:s0+$0x0];
	s21 =	sadd.s32 s8, s23;
	[tilespmem:$0x1FF90] =	vst v25;
	v25 =	vcvt.s32.f32 v33;
	vm7 =	vmor vm1, vm4;
	vm1 =	vmand vm1, vm6  }
0xb4: {  	v8 =	vmovc v13;
	v13 =	vld [tilespmem:s19+$0xFFFFFFE1];
	v58 =	vadd.f32 v21, v17;
	vm10 =	vmor vm0, vm4;
	[tilespmem:s21+$0x10500] =	vst.msk vm3, v10;
	v39 =	vsel vm1, $0xFFFFFFFF, v40  }
0xb5: {  	v24, _, _ =	vpop (xrf0);
	vm0 =	vmand vm0, vm6;
	v56 =	vsel vm7, $0x1, v1;
	v17 =	vadd.f32 v25, v11;
	[tilespmem:$0x1FFB0] =	vst v39;
	v25 =	vld [tilespmem:s20+$0x0]  }
0xb6: {  	v37 =	vsel vm0, $0xFFFFFFFF, v38;
	v15 =	vsel vm10, $0x1, v1;
	(xrf0) =	vadd.scan.msk.s32 $0xffff, v56;
	v11 =	vmovc v12;
	v12 =	vld [tilespmem:s19+$0xFFFFFFF0];
	s20 =	sadd.s32 $0x40, s20;
	[tilespmem:s7+$0x14700] =	vst.msk vm12, v18  }
0xb7: {  	(v2sf) =	vpush v27, $0xF;
	v27, _, _ =	vpop (xrf2);
	v10 =	vmov v28;
	[tilespmem:$0x1FFA0] =	vst v37;
	(xrf0) =	vadd.scan.msk.s32 $0xffff, v15;
	v28 =	vld [tilespmem:s20+$0xFFFFFFF0]  }
0xb8: {  	v31 =	vsub.f32 $0.0e+00, v35;
	[tilespmem:s8+$0x10500] =	vst.msk vm2, v4;
	v30, _, _ =	vpop (xrf2);
	(xrf2) =	vadd.scan.msk.f32 $0xffff, v17;
	v17 =	vld [tilespmem:$0x1FFE0]  }
0xb9: {  	vm15 =	vmmov vm11;
	[tilespmem:s4+$0x16800] =	vst.msk vm13, v2;
	v60 =	vld [tilespmem:s20+$0xFFFFFFE0]  }
0xba: {  	vm14 =	vmmov vm9;
	(v2sf) =	vpush v24, $0xF;
	v23 =	vsel vm0, $0x1, v1;
	v15 =	vld [tilespmem:s19+$0xFFFFFFE0];
	[tilespmem:s4+$0x18900] =	vst.msk vm13, v31  }
0xbb: {  	v21 =	vsel vm1, $0x1, v1;
	(xrf0) =	vadd.scan.msk.s32 $0xffff, v23;
	[tilespmem:s21+$0x12600] =	vst.msk vm3, v30;
	(erf) = vrcp.f32 v25  }
0xbc: {  	v4 =	vmov v9;
	v23 =	vsub.f32 $0.0e+00, v27;
	[tilespmem:s21+$0x14700] =	vst.msk vm3, v27;
	v33, _, _ =	vpop (xrf0);
	(xrf0) =	vadd.scan.msk.s32 $0xffff, v21  }
0xbd: {  	v27 =	vsub.f32 $0.0e+00, v30;
	(erf) = vrcp.f32 v26;
	vm0 =	vnez.u8 v17;
	(xrf0) =	vadd.scan.msk.s32 $0xffff, v19;
	v19, _, _ =	vpop (xrf2)  }
0xbe: {  	s22 =	sadd.s32 $0x40, s22;
	v9 =	vld [tilespmem:s19+$0x0];
	v25 =	vsub.f32 $0.0e+00, v36;
	v18, _, _ =	vpop (xrf0);
	(xrf2) =	vadd.scan.msk.f32 $0xffff, v29;
	(erf) = vrcp.f32 v60;
	vm12 =	vmmov vm0  }
0xbf: {  	p1 =	slt.u32 s22, $0x1FC0;
	s23 =	sadd.s32 s21, s24;
	s24 =	spop (v2sf);
	v2 =	vmovc v6;
	v6 =	vmovc v59;
	v17 =	vld [tilespmem:s19+$0x1];
	v24 =	vsub.f32 $0.0e+00, v19;
	vm0 =	vne.s32 v15, v13;
	(v2sf) =	vpush v18, $0xF;
	[tilespmem:s8+$0x12600] =	vst.msk vm2, v19  }
.Ltmp3:
0xc0: {  	s7 =	sadd.s32 s18, s9;
	v18, _, _ =	vpop (xrf2);
	(xrf2) =	vadd.scan.msk.f32 $0xffff, v58;
	vm11 =	vmor vm0, vm4;
	vm9 =	vmand vm0, vm6;
	vm0 =	vne.s32 v12, v59;
	(pc) =	sbr.rel @p1 .LBB2_4-.Ltmp3, $4  }
0xc1: {  	s21 =	sadd.s32 s7, s24;
	s24 =	spop (v2sf);
	v21, _, _ =	vpop (xrf0);
	v19 =	vimm.s32 $0x0;
	(v2sf) =	vpush v33, $0xF;
	v31 =	vld [tilespmem:s31+$0x0];
	[tilespmem:s8+$0x14700] =	vst.msk vm2, v36;
	vm1 =	vmor vm0, vm4  }
0xc2: {  	v61 =	vsel vm11, $0x1, v1;
	vm0 =	vmand vm0, vm6;
	[tilespmem:s18+$0x16800] =	vst.msk vm5, v20;
	v19 =	vsel vm1, $0xFFFFFFFF, v19;
	v62, _, _ =	vpop (xrf0)  }
0xc3: {  	v30 =	vld [tilespmem:s31+$0x10];
	v26 =	vsel vm9, $0x1, v1;
	v32 =	vsel vm0, $0x1, v1;
	[tilespmem:$0x1FFE0] =	vst v19;
	v63, _, _ =	vpop (xrf0);
	(v2sf) =	vpush v62, $0xF  }
0xc4: {  	v29 =	vld [tilespmem:s0+$0x10];
	s0 =	sadd.s32 $0x40, s0;
	v19 =	vsel vm1, $0x1, v1;
	vm1 =	vne.s32 v9, v17;
	(xrf0) =	vadd.scan.msk.s32 $0xffff, v61;
	(v2sf) =	vpush v63, $0xF;
	v20 =	vpop (erf)  }
0xc5: {  	_ =	sdelay $0x1  }
0xc6: {  	[tilespmem:s4+$0x1AA00] =	vst.msk vm13, v16  }
0xc7: {  	[tilespmem:s7+$0x16800] =	vst.msk vm8, v7;
	v33 =	vpop (erf)  }
0xc8: {  	[tilespmem:s18+$0x18900] =	vst.msk vm5, v24;
	v43 =	vmul.f32 v33, v30;
	v42 =	vcvt.s32.f32 v29  }
0xc9: {  	(xrf2) =	vadd.scan.msk.f32 $0xffff, v20;
	[tilespmem:s7+$0x18900] =	vst.msk vm8, v27  }
0xca: {  	v22 =	vcvt.s32.f32 v22;
	v44 =	vmul.f32 v20, v31;
	[tilespmem:s7+$0x1AA00] =	vst.msk vm8, v23;
	v23, _, _ =	vpop (xrf2);
	v45 =	vadd.f32 v42, v43  }
0xcb: {  	[tilespmem:s23+$0x10500] =	vst.msk vm15, v14;
	s8 =	spop (v2sf);
	v46, _, _ =	vpop (xrf2);
	(xrf2) =	vadd.scan.msk.f32 $0xffff, v33  }
0xcc: {  	[tilespmem:s18+$0x1AA00] =	vst.msk vm5, v25;
	s9 =	sadd.s32 s23, s8;
	v20 =	vadd.f32 v22, v44;
	v47, _, _ =	vpop (xrf2);
	(xrf2) =	vadd.scan.msk.f32 $0xffff, v45  }
0xcd: {  	[tilespmem:s9+$0x10500] =	vst.msk vm12, v11  }
0xce: {  	[tilespmem:s23+$0x12600] =	vst.msk vm15, v47;
	(xrf2) =	vadd.scan.msk.f32 $0xffff, v20  }
0xcf: {  	s18 =	spop (v2sf);
	v14 =	vsub.f32 $0.0e+00, v47;
	[tilespmem:s23+$0x14700] =	vst.msk vm15, v46  }
0xd0: {  	v24 =	vsub.f32 $0.0e+00, v46;
	[tilespmem:s21+$0x16800] =	vst.msk vm14, v8;
	s4 =	spop (v2sf)  }
0xd1: {  	[tilespmem:s21+$0x18900] =	vst.msk vm14, v14;
	s22 =	spop (v2sf)  }
0xd2: {  	[tilespmem:s21+$0x1AA00] =	vst.msk vm14, v24;
	s23 =	spop (v2sf)  }
0xd3: {  	s7 =	sadd.s32 $0x40, s31;
	v11 =	vld [tilespmem:$0x1FFF0];
	[tilespmem:s9+$0x12600] =	vst.msk vm12, v23;
	s31 =	spop (v2sf)  }
0xd4: {  	v7 =	vld [tilespmem:s19+$0x11];
	vm15 =	vmmov vm7;
	v60, _, _ =	vpop (xrf2);
	[tilespmem:s9+$0x14700] =	vst.msk vm12, v18;
	s9 =	sadd.s32 s9, s31  }
0xd5: {  	v16 =	vld [tilespmem:s19+$0x10];
	vm7 =	vmmov vm10;
	v33, _, _ =	vpop (xrf2);
	s19 =	sadd.s32 s9, s22;
	[tilespmem:s9+$0x10500] =	vst.msk vm15, v4  }
0xd6: {  	[tilespmem:s19+$0x10500] =	vst.msk vm7, v10;
	v34, _, _ =	vpop (xrf2)  }
0xd7: {  	[tilespmem:s19+$0x12600] =	vst.msk vm7, v34  }
0xd8: {  	v38, _, _ =	vpop (xrf2);
	[tilespmem:s19+$0x14700] =	vst.msk vm7, v33  }
0xd9: {  	[tilespmem:s9+$0x12600] =	vst.msk vm15, v38  }
0xda: {  	[tilespmem:s9+$0x14700] =	vst.msk vm15, v60  }
0xdb: {  	v43 =	vld [tilespmem:$0x1FF90];
	_ =	sdelay $0x1  }
0xdc: {  	(erf) = vrcp.f32 v28;
	_ =	sdelay $0x1  }
0xdd: {  	v48 =	vld [tilespmem:s0+$0xFFFFFFF0];
	vm13 =	vcmask $0x3F3C;
	v44 =	vsub.f32 $0.0e+00, v23  }
0xde: {  	v49 =	vld [tilespmem:s0+$0xFFFFFFE0];
	vm3 =	vne.s32 v16, v7;
	vm4 =	vnez.u8 v11;
	vm12 =	vnez.u8 v43  }
0xdf: {  	(xrf0) =	vadd.scan.msk.s32 $0xffff, v32;
	v55 =	vld [tilespmem:s20+$0x0];
	vm8 =	vmor vm3, vm13;
	s22 =	sadd.s32 s21, s18;
	vm5 =	vmand vm3, vm4;
	vm3 =	vmmov vm12  }
0xe0: {  	v58 =	vld [tilespmem:s20+$0x10];
	v47 =	vsub.f32 $0.0e+00, v18;
	[tilespmem:s22+$0x16800] =	vst.msk vm3, v2  }
0xe1: {  	v59 =	vld [tilespmem:s7+$0xFFFFFFE0];
	[tilespmem:s22+$0x18900] =	vst.msk vm3, v44  }
0xe2: {  	(xrf0) =	vadd.scan.msk.s32 $0xffff, v26;
	v54 =	vpop (erf);
	v51 =	vld [tilespmem:s7+$0xFFFFFFF0];
	[tilespmem:s22+$0x1AA00] =	vst.msk vm3, v47  }
0xe3: {  	vm2 =	vmor vm1, vm13;
	v50, _, _ =	vpop (xrf0);
	v11 =	vld [tilespmem:$0x1FFA0]  }
0xe4: {  	v53 =	vsel vm2, $0x1, v1;
	v56 =	vpop (erf);
	(erf) = vrcp.f32 v55  }
0xe5: {  	(v2sf) =	vpush v21, $0xF;
	(xrf0) =	vadd.scan.msk.s32 $0xffff, v53;
	v22 =	vcvt.s32.f32 v48;
	v52, _, _ =	vpop (xrf0);
	v57 =	vsel vm8, $0x1, v1  }
0xe6: {  	v36 =	vcvt.s32.f32 v49;
	(v2sf) =	vpush v52, $0xF;
	(xrf0) =	vadd.scan.msk.s32 $0xffff, v57;
	v37 =	vmul.f32 v54, v59  }
0xe7: {  	v8 =	vmul.f32 v56, v51;
	vm1 =	vmand vm1, vm4;
	v61 =	vsel vm5, $0x1, v1  }
0xe8: {  	v63, _, _ =	vpop (xrf0);
	(erf) = vrcp.f32 v58;
	s18 =	sadd.s32 s22, s24;
	v62 =	vsel vm1, $0x1, v1;
	(xrf0) =	vadd.scan.msk.s32 $0xffff, v61;
	vm14 =	vnez.u8 v11  }
0xe9: {  	(v2sf) =	vpush v50, $0xF;
	s23 =	sadd.s32 s18, s23;
	v10 =	vsub.f32 $0.0e+00, v34;
	(xrf0) =	vadd.scan.msk.s32 $0xffff, v62;
	vm3 =	vmmov vm14  }
0xea: {  	v8 =	vadd.f32 v22, v8;
	v50 =	vsub.f32 $0.0e+00, v33;
	(xrf0) =	vadd.scan.msk.s32 $0xffff, v19;
	[tilespmem:s23+$0x16800] =	vst.msk vm3, v5  }
0xeb: {  	v41 =	vld [tilespmem:s0+$0x10];
	v35, _, _ =	vpop (xrf0);
	(xrf2) =	vadd.scan.msk.f32 $0xffff, v56;
	[tilespmem:s23+$0x18900] =	vst.msk vm3, v10  }
0xec: {  	v45 =	vld [tilespmem:s7+$0x10];
	v39, _, _ =	vpop (xrf0);
	(xrf2) =	vadd.scan.msk.f32 $0xffff, v8;
	v19 =	vadd.f32 v36, v37;
	[tilespmem:s23+$0x1AA00] =	vst.msk vm3, v50  }
0xed: {  	(v2sf) =	vpush v63, $0xF;
	v49 =	vpop (erf);
	(xrf2) =	vadd.scan.msk.f32 $0xffff, v54;
	v10 =	vld [tilespmem:$0x1FFB0]  }
0xee: {  	(v2sf) =	vpush v39, $0xF;
	(xrf2) =	vadd.scan.msk.f32 $0xffff, v19;
	v40, _, _ =	vpop (xrf0)  }
0xef: {  	(v2sf) =	vpush v35, $0xF;
	v42, _, _ =	vpop (xrf0)  }
0xf0: {  	v46, _, _ =	vpop (xrf0);
	(v2sf) =	vpush v42, $0xF  }
0xf1: {  	v48 =	vld [tilespmem:s7+$0x0];
	v51 =	vpop (erf);
	(v2sf) =	vpush v46, $0xF  }
0xf2: {  	v52 =	vcvt.s32.f32 v41;
	v53 =	vmul.f32 v51, v45;
	v2 =	vld [tilespmem:s0+$0x0];
	vm15 =	vnez.u8 v10  }
0xf3: {  	vm3 =	vmmov vm15  }
0xf4: {  	[tilespmem:s18+$0x16800] =	vst.msk vm3, v3;
	v3 =	vadd.f32 v52, v53  }
0xf5: {  	s4 =	sadd.s32 s19, s4;
	v54 =	vsub.f32 $0.0e+00, v38;
	vm12 =	vmmov vm11;
	v56, _, _ =	vpop (xrf2)  }
0xf6: {  	v55 =	vsub.f32 $0.0e+00, v60;
	(xrf2) =	vadd.scan.msk.f32 $0xffff, v49;
	v57, _, _ =	vpop (xrf2);
	[tilespmem:s4+$0x10500] =	vst.msk vm12, v15  }
0xf7: {  	v58 =	vmul.f32 v49, v48;
	(xrf2) =	vadd.scan.msk.f32 $0xffff, v51;
	v59, _, _ =	vpop (xrf2);
	v2 =	vcvt.s32.f32 v2;
	[tilespmem:s18+$0x18900] =	vst.msk vm3, v54  }
0xf8: {  	[tilespmem:s18+$0x1AA00] =	vst.msk vm3, v55;
	(xrf2) =	vadd.scan.msk.f32 $0xffff, v3;
	v3, _, _ =	vpop (xrf2)  }
0xf9: {  	s24 =	spop (v2sf);
	v2 =	vadd.f32 v2, v58;
	[tilespmem:s4+$0x12600] =	vst.msk vm12, v3  }
0xfa: {  	s8 =	spop (v2sf);
	s0 =	sadd.s32 s23, s24;
	vm14 =	vmmov vm9;
	v3 =	vsub.f32 $0.0e+00, v3;
	[tilespmem:s4+$0x14700] =	vst.msk vm12, v59  }
0xfb: {  	s31 =	spop (v2sf);
	(xrf2) =	vadd.scan.msk.f32 $0xffff, v2;
	v2 =	vsub.f32 $0.0e+00, v59;
	[tilespmem:s0+$0x16800] =	vst.msk vm14, v13  }
0xfc: {  	s18 =	spop (v2sf);
	[tilespmem:s0+$0x18900] =	vst.msk vm14, v3  }
0xfd: {  	s21 =	spop (v2sf);
	[tilespmem:s0+$0x1AA00] =	vst.msk vm14, v2  }
0xfe: {  	s22 =	spop (v2sf);
	v2 =	vld [tilespmem:$0x1FFE0]  }
0xff: {  	s23 =	spop (v2sf)  }
0x100: {  	s4 =	sadd.s32 s4, s31;
	s24 =	spop (v2sf)  }
0x101: {  	s20 =	sadd.s32 s4, s24  }
0x102: {  	vm12 =	vmmov vm8;
	s31 =	sadd.s32 s20, s22  }
0x103: {  	vm2 =	vmmov vm2;
	[tilespmem:s31+$0x10500] =	vst.msk vm12, v16;
	vm15 =	vnez.u8 v2  }
0x104: {  	[tilespmem:s20+$0x10500] =	vst.msk vm2, v9;
	v2, _, _ =	vpop (xrf2);
	vm3 =	vmmov vm15  }
0x105: {  	v3, _, _ =	vpop (xrf2);
	[tilespmem:s4+$0x10500] =	vst.msk vm3, v12  }
0x106: {  	v60, _, _ =	vpop (xrf2);
	[tilespmem:s4+$0x12600] =	vst.msk vm3, v57  }
0x107: {  	(v2sf) =	vpush v40, $0xF;
	[tilespmem:s31+$0x12600] =	vst.msk vm12, v60  }
0x108: {  	[tilespmem:s4+$0x14700] =	vst.msk vm3, v56  }
0x109: {  	v61, _, _ =	vpop (xrf2);
	[tilespmem:s31+$0x14700] =	vst.msk vm12, v3  }
0x10a: {  	vm0 =	vmmov vm0;
	s0 =	sadd.s32 s0, s18;
	[tilespmem:s20+$0x12600] =	vst.msk vm2, v61  }
0x10b: {  	vm0 =	vmmov vm0;
	s7 =	sadd.s32 s0, s8;
	[tilespmem:s20+$0x14700] =	vst.msk vm2, v2  }
0x10c: {  	v5 =	vsub.f32 $0.0e+00, v57;
	vm14 =	vmmov vm5;
	s19 =	sadd.s32 s7, s23;
	[tilespmem:s0+$0x16800] =	vst.msk vm0, v6  }
0x10d: {  	v63 =	vsub.f32 $0.0e+00, v60;
	[tilespmem:s19+$0x16800] =	vst.msk vm14, v7  }
0x10e: {  	[tilespmem:s0+$0x18900] =	vst.msk vm0, v5  }
0x10f: {  	vm15 =	vmmov vm1;
	v3 =	vsub.f32 $0.0e+00, v3;
	[tilespmem:s19+$0x18900] =	vst.msk vm14, v63  }
0x110: {  	v62 =	vsub.f32 $0.0e+00, v56;
	[tilespmem:s7+$0x16800] =	vst.msk vm15, v17  }
0x111: {  	[tilespmem:s19+$0x1AA00] =	vst.msk vm14, v3;
	v3 =	vsub.f32 $0.0e+00, v61  }
0x112: {  	v2 =	vsub.f32 $0.0e+00, v2;
	[tilespmem:s0+$0x1AA00] =	vst.msk vm0, v62  }
0x113: {  	[tilespmem:s7+$0x18900] =	vst.msk vm15, v3  }
0x114: {  	s4 =	sadd.s32 s31, s21;
	[tilespmem:s7+$0x1AA00] =	vst.msk vm15, v2  }
0x115: {  	[tilespmem:s4+$0x10500] =	vst v1  }
0x116: {  	s20 =	spop (v2sf);
	[tilespmem:s4+$0x12600] =	vst v0  }
0x117: {  	s0 =	sadd.s32 s19, s20;
	[tilespmem:s4+$0x14700] =	vst v0  }
0x118: {  	[tilespmem:s0+$0x16800] =	vst v1  }
0x119: {  	[tilespmem:s0+$0x18900] =	vst v0  }
0x11a: {  	[tilespmem:s0+$0x1AA00] =	vst v0  }
0x11b: {  	[tilespmem:s4+$0x10510] =	vst v1  }
0x11c: {  	[tilespmem:s4+$0x12610] =	vst v0  }
0x11d: {  	[tilespmem:s4+$0x14710] =	vst v0  }
0x11e: {  	[tilespmem:s0+$0x16810] =	vst v1  }
0x11f: {  	[tilespmem:s0+$0x18910] =	vst v0  }
0x120: {  	[tilespmem:s0+$0x1AA10] =	vst v0  }
0x121: {  	[tilespmem:s4+$0x10520] =	vst v1  }
0x122: {  	[tilespmem:s4+$0x12620] =	vst v0  }
0x123: {  	[tilespmem:s4+$0x14720] =	vst v0  }
0x124: {  	[tilespmem:s0+$0x16820] =	vst v1  }
0x125: {  	[tilespmem:s0+$0x18920] =	vst v0  }
0x126: {  	[tilespmem:s0+$0x1AA20] =	vst v0  }
0x127: {  	[tilespmem:s4+$0x10530] =	vst v1  }
0x128: {  	[tilespmem:s4+$0x12630] =	vst v0  }
0x129: {  	[tilespmem:s4+$0x14730] =	vst v0  }
0x12a: {  	[tilespmem:s0+$0x16830] =	vst v1  }
0x12b: {  	[tilespmem:s0+$0x18930] =	vst v0  }
0x12c: {  	[tilespmem:s0+$0x1AA30] =	vst v0  }
0x12d: {  	[tilespmem:s4+$0x10540] =	vst v1  }
0x12e: {  	[tilespmem:s4+$0x12640] =	vst v0  }
0x12f: {  	[tilespmem:s4+$0x14740] =	vst v0  }
0x130: {  	[tilespmem:s0+$0x16840] =	vst v1  }
0x131: {  	[tilespmem:s0+$0x18940] =	vst v0  }
0x132: {  	[tilespmem:s0+$0x1AA40] =	vst v0  }
0x133: {  	[tilespmem:s4+$0x10550] =	vst v1  }
0x134: {  	[tilespmem:s4+$0x12650] =	vst v0  }
0x135: {  	[tilespmem:s4+$0x14750] =	vst v0  }
0x136: {  	[tilespmem:s0+$0x16850] =	vst v1  }
0x137: {  	[tilespmem:s0+$0x18950] =	vst v0  }
0x138: {  	s21 =	sadd.s32 $0x7F, s4;
	[tilespmem:s0+$0x1AA50] =	vst v0  }
0x139: {  	s22 =	sand.u32 $0x7F, s21;
	[tilespmem:s4+$0x10560] =	vst v1  }
0x13a: {  	s23 =	sshra.s32 s21, $0x1F;
	p1 =	slt.s32 s21, $0x1;
	p2 =	sne.s32 s22, $0x0;
	[tilespmem:s4+$0x12660] =	vst v0  }
0x13b: {  	s24 =	sshrl.u32 s23, $0x19;
	p1 =	por !p1, !p2;
	[tilespmem:s4+$0x14760] =	vst v0  }
0x13c: {  	s8 =	simm.s32 $0x1;
	p1 =	por !p1, !p1;
	s7 =	sadd.s32 s24, s21;
	[tilespmem:s0+$0x16860] =	vst v1  }
0x13d: {  	s8 =	simm.s32 @!p1 $0x0;
	s31 =	sshra.s32 s7, $0x7;
	[tilespmem:s0+$0x18960] =	vst v0  }
0x13e: {  	s8 =	ssub.s32 s31, s8;
	[tilespmem:s0+$0x1AA60] =	vst v0  }
0x13f: {  	p1 =	slt.s32 s8, $0x1;
	[tilespmem:s4+$0x10570] =	vst v1  }
.Ltmp4:
0x140: {  	[tilespmem:s4+$0x12670] =	vst v0;
	(pc) =	sbr.rel @p1 .LBB2_9-.Ltmp4, $4  }
0x141: {  	[tilespmem:s4+$0x14770] =	vst v0  }
0x142: {  	[tilespmem:s0+$0x16870] =	vst v1  }
0x143: {  	[tilespmem:s0+$0x18970] =	vst v0  }
0x144: {  	vm9 =	vmmov vm4;
	vm8 =	vmmov vm13;
	[tilespmem:s0+$0x1AA70] =	vst v0  }
0x145: {  	s4 =	simm.s32 $0x12600;
	s7 =	simm.s32 $0x10500  }
0x146: {  	[spmem:s1] =	stream.indirect.scatter.add.f32 [tilespmem:s4], [sflag:$0x2], $0x1, s7, s28, $0xb8;
	[tilespmem:$0x1D300] =	vst v63  }
0x147: {  	s9 =	simm.s32 $0x14700;
	p1 =	sne.s32 s8, $0x1  }
0x148: {  	[spmem:s2] =	stream.indirect.scatter.add.f32 [tilespmem:s9], [sflag:$0x2], $0x1, s7, s28, $0xb8;
	[tilespmem:$0x1D300] =	vst v63  }
.Ltmp5:
0x149: {  	_ =	swait.ge [sflag:s29], $0x80;
	(pc) =	sbr.rel @!p1 .LBB2_8-.Ltmp5, $4  }
0x14a: {  	[sflag:s29] =	ssyncset.done $0x0  }
0x14b: {  	[sflag:s29] =	ssyncadd.s32 $0xFFFFFF80  }
0x14c: {  	_ =	swait.ge [sflag:s29], $0x80  }
0x14d: {  	s8 =	sadd.s32 $0xFFFFFFFF, s8;
	s18 =	simm.s32 $0x14780;
	[sflag:s29] =	ssyncset.done $0x0  }
.LBB2_7:
0x14e: {  	[sflag:s29] =	ssyncadd.s32 $0xFFFFFF80;
	s4 =	sadd.s32 $0x80, s4;
	s7 =	sadd.s32 $0x80, s7  }
0x14f: {  	[spmem:s1] =	stream.indirect.scatter.add.f32 [tilespmem:s4], [sflag:$0x2], $0x1, s7, s28, $0xb8;
	[tilespmem:$0x1D300] =	vst v63  }
0x150: {  	p1 =	sne.s32 s8, $0x1;
	s8 =	sadd.s32 $0xFFFFFFFF, s8  }
0x151: {  	[spmem:s2] =	stream.indirect.scatter.add.f32 [tilespmem:s18], [sflag:$0x2], $0x1, s7, s28, $0xb8;
	[tilespmem:$0x1D300] =	vst v63  }
.Ltmp6:
0x152: {  	_ =	swait.ge [sflag:s29], $0x80;
	(pc) =	sbr.rel @p1 .LBB2_7-.Ltmp6, $4  }
0x153: {  	[sflag:s29] =	ssyncset.done $0x0  }
0x154: {  	[sflag:s29] =	ssyncadd.s32 $0xFFFFFF80  }
0x155: {  	_ =	swait.ge [sflag:s29], $0x80  }
0x156: {  	s18 =	sadd.s32 $0x80, s18;
	[sflag:s29] =	ssyncset.done $0x0  }
.LBB2_8:
0x157: {  	[sflag:s29] =	ssyncadd.s32 $0xFFFFFF80  }
.LBB2_9:
0x158: {  	s0 =	sadd.s32 $0x7F, s0  }
0x159: {  	s4 =	sand.u32 $0x7F, s0  }
0x15a: {  	s7 =	sshra.s32 s0, $0x1F;
	p1 =	slt.s32 s0, $0x1;
	p2 =	sne.s32 s4, $0x0  }
0x15b: {  	s31 =	sshrl.u32 s7, $0x19;
	p1 =	por !p1, !p2  }
0x15c: {  	s4 =	simm.s32 $0x1;
	s0 =	sadd.s32 s31, s0;
	p1 =	por !p1, !p1  }
0x15d: {  	s0 =	sshra.s32 s0, $0x7;
	s4 =	simm.s32 @!p1 $0x0  }
0x15e: {  	s7 =	ssub.s32 s0, s4  }
0x15f: {  	p1 =	slt.s32 s7, $0x1  }
.Ltmp7:
0x160: {  	_ = 	snop;
	(pc) =	sbr.rel @p1 .LBB2_13-.Ltmp7, $1  }
0x161: {  	_ =	sdelay $0x3  }
0x162: {  	s0 =	simm.s32 $0x18900;
	s4 =	simm.s32 $0x16800  }
0x163: {  	[spmem:s1] =	stream.indirect.scatter.add.f32 [tilespmem:s0], [sflag:$0x2], $0x1, s4, s28, $0xb8;
	[tilespmem:$0x1D300] =	vst v63  }
0x164: {  	s8 =	simm.s32 $0x1AA00;
	p1 =	sne.s32 s7, $0x1  }
0x165: {  	[spmem:s2] =	stream.indirect.scatter.add.f32 [tilespmem:s8], [sflag:$0x2], $0x1, s4, s28, $0xb8;
	[tilespmem:$0x1D300] =	vst v63  }
.Ltmp8:
0x166: {  	_ =	swait.ge [sflag:s29], $0x80;
	(pc) =	sbr.rel @!p1 .LBB2_12-.Ltmp8, $4  }
0x167: {  	[sflag:s29] =	ssyncset.done $0x0  }
0x168: {  	[sflag:s29] =	ssyncadd.s32 $0xFFFFFF80  }
0x169: {  	_ =	swait.ge [sflag:s29], $0x80  }
0x16a: {  	s7 =	sadd.s32 $0xFFFFFFFF, s7;
	s8 =	simm.s32 $0x1AA80;
	[sflag:s29] =	ssyncset.done $0x0  }
.LBB2_11:
0x16b: {  	[sflag:s29] =	ssyncadd.s32 $0xFFFFFF80;
	s0 =	sadd.s32 $0x80, s0;
	s4 =	sadd.s32 $0x80, s4  }
0x16c: {  	[spmem:s1] =	stream.indirect.scatter.add.f32 [tilespmem:s0], [sflag:$0x2], $0x1, s4, s28, $0xb8;
	[tilespmem:$0x1D300] =	vst v63  }
0x16d: {  	p1 =	sne.s32 s7, $0x1;
	s7 =	sadd.s32 $0xFFFFFFFF, s7  }
0x16e: {  	[spmem:s2] =	stream.indirect.scatter.add.f32 [tilespmem:s8], [sflag:$0x2], $0x1, s4, s28, $0xb8;
	[tilespmem:$0x1D300] =	vst v63  }
.Ltmp9:
0x16f: {  	_ =	swait.ge [sflag:s29], $0x80;
	(pc) =	sbr.rel @p1 .LBB2_11-.Ltmp9, $4  }
0x170: {  	[sflag:s29] =	ssyncset.done $0x0  }
0x171: {  	[sflag:s29] =	ssyncadd.s32 $0xFFFFFF80  }
0x172: {  	_ =	swait.ge [sflag:s29], $0x80  }
0x173: {  	s8 =	sadd.s32 $0x80, s8;
	[sflag:s29] =	ssyncset.done $0x0  }
.LBB2_12:
0x174: {  	[sflag:s29] =	ssyncadd.s32 $0xFFFFFF80  }
.LBB2_13:
0x175: {  	_ =	swait.ge [sflag:s26], $0x2000  }
0x176: {  	[sflag:s26] =	ssyncset.done $0x0  }
0x177: {  	[sflag:s26] =	ssyncadd.s32 $0xFFFFE000  }
0x178: {  	_ =	swait.ge [sflag:s26], $0x2000  }
0x179: {  	[sflag:s26] =	ssyncset.done $0x0  }
0x17a: {  	[sflag:s26] =	ssyncadd.s32 $0xFFFFE000  }
0x17b: {  	_ =	swait.ge [sflag:s26], $0x2000  }
0x17c: {  	[sflag:s26] =	ssyncset.done $0x0  }
0x17d: {  	s0 =	simm.s32 $0xE0A0;
	[sflag:s26] =	ssyncadd.s32 $0xFFFFE000  }
0x17e: {  	v17 =	vld [tilespmem:s0+$0xFFFFFFF1]  }
0x17f: {  	v15 =	vld [tilespmem:s0+$0xFFFFFFE0]  }
0x180: {  	s4 =	simm.s32 $0x6020;
	v6 =	vld [tilespmem:s0+$0xFFFFFFE1]  }
0x181: {  	v2 =	vld [tilespmem:s4+$0xFFFFFFE0]  }
0x182: {  	v13 =	vld [tilespmem:s0+$0xFFFFFFF0]  }
0x183: {  	v3 =	vld [tilespmem:s4+$0xFFFFFFF0];
	_ =	sdelay $0x1  }
0x184: {  	v9 =	vld [tilespmem:s0+$0x0];
	vm1 =	vne.s32 v15, v6  }
0x185: {  	v20 =	vld [tilespmem:s0+$0x1];
	(erf) = vrcp.f32 v2;
	vm0 =	vmor vm1, vm8  }
0x186: {  	v7 =	vld [tilespmem:s0+$0x11];
	vm6 =	vne.s32 v13, v17;
	v4 =	vsel vm0, $0x1, v1  }
0x187: {  	v12 =	vld [tilespmem:s0+$0x10];
	vm2 =	vmand vm6, vm9;
	(erf) = vrcp.f32 v3;
	(xrf0) =	vadd.scan.msk.s32 $0xffff, v4  }
0x188: {  	s18 =	simm.s32 $0x2020;
	v2 =	vsel vm2, $0x1, v1  }
0x189: {  	s8 =	simm.s32 $0xA020;
	v5 =	vld [tilespmem:s18+$0xFFFFFFF0];
	(xrf0) =	vadd.scan.msk.s32 $0xffff, v2  }
0x18a: {  	v2 =	vld [tilespmem:s8+$0xFFFFFFF0]  }
0x18b: {  	v8 =	vld [tilespmem:s4+$0x0];
	vm7 =	vne.s32 v9, v20;
	vm3 =	vmand vm1, vm9  }
0x18c: {  	v11 =	vld [tilespmem:s4+$0x10];
	vm5 =	vne.s32 v12, v7;
	vm11 =	vmor vm7, vm8;
	v4 =	vsel vm3, $0x1, v1  }
0x18d: {  	v16 =	vld [tilespmem:s18+$0xFFFFFFE0];
	vm4 =	vmor vm5, vm8;
	(xrf0) =	vadd.scan.msk.s32 $0xffff, v4;
	v4 =	vsel vm11, $0x1, v1;
	v10, _, _ =	vpop (xrf0)  }
0x18e: {  	s7 =	simm.s32 $0xE0E0;
	v3 =	vld [tilespmem:s8+$0xFFFFFFE0];
	vm5 =	vmand vm5, vm9;
	(xrf0) =	vadd.scan.msk.s32 $0xffff, v4;
	v4 =	vsel vm4, $0x1, v1;
	v19 =	vpop (erf)  }
0x18f: {  	vm7 =	vmand vm7, vm9;
	v18 =	vsel vm5, $0x1, v1;
	v22 =	vcvt.s32.f32 v2;
	v2 =	vld [tilespmem:s7+$0xFFFFFFF1];
	v14, _, _ =	vpop (xrf0);
	(xrf0) =	vadd.scan.msk.s32 $0xffff, v4  }
0x190: {  	vm12 =	vmmov vm8;
	v4 =	vsel vm7, $0x1, v1;
	v23 =	vpop (erf);
	(erf) = vrcp.f32 v8;
	v8 =	vld [tilespmem:s7+$0xFFFFFFE1];
	(xrf0) =	vadd.scan.msk.s32 $0xffff, v18  }
0x191: {  	vm6 =	vmor vm6, vm8;
	(v2sf) =	vpush v14, $0xF;
	v14 =	vld [tilespmem:s7+$0xFFFFFFE0];
	(xrf0) =	vadd.scan.msk.s32 $0xffff, v4;
	v4 =	vmul.f32 v23, v5  }
0x192: {  	v18 =	vsel vm6, $0x1, v1;
	(erf) = vrcp.f32 v11;
	v11 =	vld [tilespmem:s7+$0xFFFFFFF0];
	(v2sf) =	vpush v10, $0xF  }
0x193: {  	v3 =	vcvt.s32.f32 v3;
	v16 =	vmul.f32 v19, v16;
	(xrf0) =	vadd.scan.msk.s32 $0xffff, v18;
	v18 =	vadd.f32 v22, v4  }
0x194: {  	s19 =	simm.s32 $0x6060;
	v25 =	vimm.s32 $0x0;
	v21 =	vld [tilespmem:s8+$0x0];
	vm1 =	vmmov vm9;
	vm13 =	vmmov vm2;
	(xrf2) =	vadd.scan.msk.f32 $0xffff, v23;
	v5, _, _ =	vpop (xrf0)  }
0x195: {  	vm10 =	vmmov vm0;
	vm9 =	vmmov vm3;
	v3 =	vadd.f32 v3, v16;
	v16 =	vld [tilespmem:s19+$0xFFFFFFE0];
	v10, _, _ =	vpop (xrf0);
	(xrf2) =	vadd.scan.msk.f32 $0xffff, v18  }
0x196: {  	vm0 =	vmmov vm6;
	(v2sf) =	vpush v5, $0xF;
	v22 =	vld [tilespmem:s18+$0x0];
	v5, _, _ =	vpop (xrf0);
	vm2 =	vne.s32 v14, v8  }
0x197: {  	(v2sf) =	vpush v5, $0xF;
	(xrf2) =	vadd.scan.msk.f32 $0xffff, v19;
	v5 =	vld [tilespmem:s8+$0x10];
	vm6 =	vmor vm2, vm8;
	vm8 =	vne.s32 v11, v2;
	v18, _, _ =	vpop (xrf0)  }
0x198: {  	v19 =	vld [tilespmem:s18+$0x10];
	vm3 =	vmand vm2, vm1;
	(v2sf) =	vpush v10, $0xF;
	vm2 =	vmor vm8, vm12;
	v10, _, _ =	vpop (xrf0)  }
0x199: {  	(xrf2) =	vadd.scan.msk.f32 $0xffff, v3;
	v25 =	vsel vm2, $0xFFFFFFFF, v25;
	v3, _, _ =	vpop (xrf0);
	(v2sf) =	vpush v10, $0xF  }
0x19a: {  	v21 =	vcvt.s32.f32 v21;
	v10 =	vld [tilespmem:s19+$0xFFFFFFF0];
	(v2sf) =	vpush v3, $0xF  }
0x19b: {  	v4 =	vld [tilespmem:s7+$0x0];
	(erf) = vrcp.f32 v16;
	v23 =	vsel vm6, $0x1, v1;
	vm14 =	vmand vm8, vm1;
	v24 =	vpop (erf)  }
0x19c: {  	s0 =	simm.s32 $0xA060;
	v16 =	vsel vm14, $0x1, v1;
	(xrf0) =	vadd.scan.msk.s32 $0xffff, v23;
	v22 =	vmul.f32 v24, v22;
	v3 =	vld [tilespmem:s7+$0x1];
	[tilespmem:$0x1FF70] =	vst v25;
	v25 =	vpop (erf)  }
0x19d: {  	v28 =	vsel vm2, $0x1, v1;
	(xrf0) =	vadd.scan.msk.s32 $0xffff, v16;
	v23 =	vld [tilespmem:s0+$0xFFFFFFF0];
	v26 =	vcvt.s32.f32 v5;
	v19 =	vmul.f32 v25, v19  }
0x19e: {  	vm2 =	vmmov vm11;
	vm11 =	vmmov vm4;
	vm4 =	vmmov vm14;
	v30, _, _ =	vpop (xrf2);
	(xrf2) =	vadd.scan.msk.f32 $0xffff, v24;
	v29 =	vld [tilespmem:s0+$0xFFFFFFE0]  }
0x19f: {  	v5 =	vld [tilespmem:s7+$0x11];
	(erf) = vrcp.f32 v10;
	v19 =	vadd.f32 v26, v19;
	v24, _, _ =	vpop (xrf2);
	(xrf2) =	vadd.scan.msk.f32 $0xffff, v25;
	v25 =	vimm.s32 $0x0  }
0x1a0: {  	s31 =	simm.s32 $0x2060;
	v10 =	vld [tilespmem:s7+$0x10];
	s18 =	spop (v2sf);
	v25 =	vsel vm4, $0xFFFFFFFF, v25  }
0x1a1: {  	s9 =	simm.s32 $0x0;
	v21 =	vadd.f32 v21, v22;
	v22, _, _ =	vpop (xrf2);
	(xrf2) =	vadd.scan.msk.f32 $0xffff, v19;
	s22 =	spop (v2sf);
	v19 =	vld [tilespmem:s31+$0xFFFFFFE0];
	[tilespmem:$0x1FF40] =	vst v25  }
0x1a2: {  	vm15 =	vmmov vm12;
	v27 =	vsel vm3, $0x1, v1;
	(v2sf) =	vpush v18, $0xF;
	v18, _, _ =	vpop (xrf0);
	s8 =	sadd.s32 $0x0, s22;
	[tilespmem:s9+$0x10500] =	vst.msk vm10, v15  }
0x1a3: {  	vm8 =	vmmov vm5;
	vm5 =	vmmov vm7;
	(xrf0) =	vadd.scan.msk.s32 $0xffff, v27;
	v15, _, _ =	vpop (xrf2);
	[tilespmem:s8+$0x10500] =	vst.msk vm0, v13  }
0x1a4: {  	vm12 =	vne.s32 v4, v3;
	v26 =	vcvt.s32.f32 v29;
	v29 =	vsub.f32 $0.0e+00, v24;
	v25 =	vld [tilespmem:s31+$0xFFFFFFF0];
	v13, _, _ =	vpop (xrf0);
	[tilespmem:s9+$0x12600] =	vst.msk vm10, v15  }
0x1a5: {  	vm7 =	vmor vm12, vm15;
	s20 =	spop (v2sf);
	(xrf2) =	vadd.scan.msk.f32 $0xffff, v21;
	v21 =	vpop (erf);
	[tilespmem:s8+$0x12600] =	vst.msk vm0, v24;
	v15 =	vsub.f32 $0.0e+00, v15  }
0x1a6: {  	v24 =	vsel vm7, $0x1, v1;
	(v2sf) =	vpush v13, $0xF;
	[tilespmem:s9+$0x14700] =	vst.msk vm10, v22;
	s7 =	spop (v2sf);
	v13 =	vmul.f32 v21, v19  }
0x1a7: {  	v27 =	vsub.f32 $0.0e+00, v22;
	vm4 =	vne.s32 v10, v5;
	(xrf0) =	vadd.scan.msk.s32 $0xffff, v24;
	[tilespmem:s9+$0x16800] =	vst.msk vm9, v6;
	s22 =	spop (v2sf)  }
0x1a8: {  	v22 =	vld [tilespmem:s19+$0x0];
	vm14 =	vmand vm4, vm1;
	[tilespmem:s9+$0x18900] =	vst.msk vm9, v15;
	v19 =	vpop (erf);
	v32 =	vadd.f32 v26, v13;
	v13 =	vimm.s32 $0x0;
	s21 =	spop (v2sf)  }
0x1a9: {  	[tilespmem:s9+$0x1AA00] =	vst.msk vm9, v27;
	v24 =	vmul.f32 v19, v25;
	(xrf2) =	vadd.scan.msk.f32 $0xffff, v19;
	v19 =	vld [tilespmem:s19+$0x10];
	s19 =	simm.s32 $0xE120;
	v13 =	vsel vm14, $0xFFFFFFFF, v13;
	s23 =	spop (v2sf)  }
0x1aa: {  	vm10 =	vmor vm4, vm15;
	v6 =	vld [tilespmem:s19+$0xFFFFFFF1];
	[tilespmem:$0x1FF50] =	vst v13;
	s23 =	sadd.s32 s8, s23  }
0x1ab: {  	vm4 =	vmand vm12, vm1;
	v25 =	vsel vm10, $0x1, v1;
	[tilespmem:s23+$0x10500] =	vst.msk vm2, v9;
	v9 =	vimm.s32 $0x0  }
0x1ac: {  	v9 =	vsel vm4, $0xFFFFFFFF, v9  }
0x1ad: {  	v31, _, _ =	vpop (xrf2);
	v15 =	vld [tilespmem:s19+$0xFFFFFFE0];
	s24 =	sadd.s32 s23, s22;
	[tilespmem:$0x1FF60] =	vst v9  }
0x1ae: {  	v23 =	vcvt.s32.f32 v23;
	(xrf0) =	vadd.scan.msk.s32 $0xffff, v25;
	v25, _, _ =	vpop (xrf2);
	[tilespmem:s24+$0x10500] =	vst.msk vm11, v12  }
0x1af: {  	(v2sf) =	vpush v18, $0xF;
	v18, _, _ =	vpop (xrf2);
	[tilespmem:s8+$0x14700] =	vst.msk vm0, v30  }
0x1b0: {  	vm13 =	vmmov vm13;
	s4 =	sadd.s32 $0x0, s20;
	v13 =	vsel vm14, $0x1, v1;
	v23 =	vadd.f32 v23, v24;
	[tilespmem:s24+$0x12600] =	vst.msk vm11, v18  }
0x1b1: {  	(xrf0) =	vadd.scan.msk.s32 $0xffff, v13;
	[tilespmem:s4+$0x16800] =	vst.msk vm13, v17  }
0x1b2: {  	v24, _, _ =	vpop (xrf0);
	(xrf2) =	vadd.scan.msk.f32 $0xffff, v23;
	v9 =	vsel vm4, $0x1, v1;
	v17 =	vld [tilespmem:$0x1FF70]  }
0x1b3: {  	v16 =	vsub.f32 $0.0e+00, v30;
	(erf) = vrcp.f32 v22;
	v33, _, _ =	vpop (xrf0);
	v13 =	vld [tilespmem:s19+$0xFFFFFFE1];
	(xrf0) =	vadd.scan.msk.s32 $0xffff, v9  }
0x1b4: {  	s20 =	simm.s32 $0x60A0;
	vm15 =	vmmov vm6;
	v23 =	vsub.f32 $0.0e+00, v25;
	(erf) = vrcp.f32 v19;
	v19, _, _ =	vpop (xrf2);
	v12 =	vld [tilespmem:s19+$0xFFFFFFF0];
	(xrf0) =	vadd.scan.msk.s32 $0xffff, v28  }
0x1b5: {  	vm14 =	vmmov vm3;
	(v2sf) =	vpush v24, $0xF;
	v27 =	vsub.f32 $0.0e+00, v18;
	v34 =	vld [tilespmem:s20+$0xFFFFFFE0];
	v22, _, _ =	vpop (xrf0)  }
0x1b6: {  	vm3 =	vcmask $0x3F3C;
	v24 =	vsub.f32 $0.0e+00, v19;
	[tilespmem:s24+$0x14700] =	vst.msk vm11, v25;
	(v2sf) =	vpush v22, $0xF  }
0x1b7: {  	v9 =	vld [tilespmem:s19+$0x0];
	v25 =	vsub.f32 $0.0e+00, v31;
	[tilespmem:s23+$0x12600] =	vst.msk vm2, v19;
	v19 =	vimm.s32 $0x0;
	vm0 =	vnez.u8 v17  }
0x1b8: {  	(xrf2) =	vadd.scan.msk.f32 $0xffff, v21;
	v21, _, _ =	vpop (xrf0);
	(v2sf) =	vpush v33, $0xF;
	v17 =	vld [tilespmem:s19+$0x1];
	vm12 =	vmmov vm0;
	vm0 =	vne.s32 v15, v13  }
0x1b9: {  	s18 =	sadd.s32 s4, s18;
	(xrf2) =	vadd.scan.msk.f32 $0xffff, v32;
	v30 =	vld [tilespmem:s31+$0x10];
	v63, _, _ =	vpop (xrf0);
	vm11 =	vmor vm0, vm3;
	vm9 =	vmand vm0, vm1;
	vm0 =	vne.s32 v12, v6  }
0x1ba: {  	v28 =	vld [tilespmem:s20+$0xFFFFFFF0];
	[tilespmem:s23+$0x14700] =	vst.msk vm2, v31;
	s23 =	sadd.s32 s24, s7;
	s7 =	sadd.s32 s18, s21;
	s24 =	spop (v2sf);
	(erf) = vrcp.f32 v34;
	v36, _, _ =	vpop (xrf0);
	(v2sf) =	vpush v63, $0xF;
	vm3 =	vmor vm0, vm3  }
0x1bb: {  	v22 =	vld [tilespmem:s0+$0x0];
	[tilespmem:s4+$0x18900] =	vst.msk vm13, v29;
	s21 =	sadd.s32 s7, s24;
	s24 =	spop (v2sf);
	(v2sf) =	vpush v36, $0xF;
	vm0 =	vmand vm0, vm1;
	v19 =	vsel vm3, $0xFFFFFFFF, v19  }
0x1bc: {  	v29 =	vld [tilespmem:s0+$0x10];
	v18, _, _ =	vpop (xrf2);
	v35 =	vsel vm11, $0x1, v1;
	v26 =	vsel vm9, $0x1, v1;
	v32 =	vsel vm0, $0x1, v1;
	[tilespmem:$0x1FF80] =	vst v19  }
0x1bd: {  	s22 =	simm.s32 $0x80;
	s0 =	simm.s32 $0xA0A0;
	(xrf0) =	vadd.scan.msk.s32 $0xffff, v35;
	v19 =	vsel vm3, $0x1, v1;
	vm1 =	vne.s32 v9, v17;
	[tilespmem:s18+$0x16800] =	vst.msk vm5, v20;
	v31 =	vld [tilespmem:s31+$0x0];
	v20 =	vpop (erf)  }
.LBB2_14:
0x1be: {  	[tilespmem:s7+$0x16800] =	vst.msk vm8, v7  }
0x1bf: {  	v33 =	vld [tilespmem:s0+$0xFFFFFFF0];
	[tilespmem:s7+$0x18900] =	vst.msk vm8, v27;
	(erf) = vrcp.f32 v28;
	v28 =	vsub.f32 $0.0e+00, v18  }
0x1c0: {  	[tilespmem:s4+$0x1AA00] =	vst.msk vm13, v16;
	v7 =	vmov v5;
	v5 =	vld [tilespmem:s19+$0x11]  }
0x1c1: {  	[tilespmem:s18+$0x18900] =	vst.msk vm5, v24;
	v16 =	vmov v28;
	v28 =	vld [tilespmem:s19+$0x10]  }
0x1c2: {  	[tilespmem:s7+$0x1AA00] =	vst.msk vm8, v23;
	v23 =	vld [tilespmem:$0x1FF50]  }
0x1c3: {  	[tilespmem:s18+$0x1AA00] =	vst.msk vm5, v25;
	v25 =	vld [tilespmem:$0x1FF60];
	_ =	sdelay $0x1  }
0x1c4: {  	(xrf0) =	vadd.scan.msk.s32 $0xffff, v32;
	v35, _, _ =	vpop (xrf2);
	v22 =	vcvt.s32.f32 v22;
	vm2 =	vmmov vm7  }
0x1c5: {  	s31 =	sadd.s32 $0x40, s31;
	v34 =	vld [tilespmem:s0+$0xFFFFFFE0];
	(xrf2) =	vadd.scan.msk.f32 $0xffff, v20;
	v31 =	vmul.f32 v20, v31;
	v20 =	vmov v3;
	v3 =	vmov v17;
	v54 =	vpop (erf)  }
0x1c6: {  	v17 =	vld [tilespmem:s31+$0xFFFFFFE0];
	v29 =	vcvt.s32.f32 v29;
	v30 =	vmul.f32 v54, v30;
	v24, _, _ =	vpop (xrf2);
	vm4 =	vnez.u8 v23  }
0x1c7: {  	vm3 =	vmmov vm10;
	s8 =	spop (v2sf);
	[tilespmem:s23+$0x10500] =	vst.msk vm15, v14;
	v14, _, _ =	vpop (xrf2);
	vm8 =	vmmov vm4;
	vm4 =	vnez.u8 v25;
	v25 =	vld [tilespmem:$0x1FF40]  }
0x1c8: {  	v40 =	vimm.s32 $0x0;
	s7 =	sadd.s32 s23, s8;
	v29 =	vadd.f32 v29, v30;
	[tilespmem:s23+$0x12600] =	vst.msk vm15, v14;
	v55 =	vsub.f32 $0.0e+00, v14;
	v14 =	vmovc v15;
	v15 =	vld [tilespmem:$0x1FFF0]  }
0x1c9: {  	v38 =	vimm.s32 $0x0;
	(v2sf) =	vpush v21, $0xF;
	v27, _, _ =	vpop (xrf0);
	(xrf0) =	vadd.scan.msk.s32 $0xffff, v26;
	v23 =	vld [tilespmem:s31+$0xFFFFFFF0];
	[tilespmem:s7+$0x10500] =	vst.msk vm12, v11  }
0x1ca: {  	v22 =	vadd.f32 v22, v31;
	v21 =	vcvt.s32.f32 v34;
	v26, _, _ =	vpop (xrf0);
	(xrf2) =	vadd.scan.msk.f32 $0xffff, v54;
	s18 =	spop (v2sf);
	[tilespmem:s7+$0x12600] =	vst.msk vm12, v35  }
0x1cb: {  	v30 =	vsub.f32 $0.0e+00, v24;
	(v2sf) =	vpush v26, $0xF;
	s9 =	spop (v2sf);
	[tilespmem:s23+$0x14700] =	vst.msk vm15, v24;
	(xrf2) =	vadd.scan.msk.f32 $0xffff, v29  }
0x1cc: {  	vm5 =	vmmov vm4;
	s4 =	sadd.s32 s21, s18;
	s23 =	spop (v2sf);
	[tilespmem:s21+$0x16800] =	vst.msk vm14, v8;
	(xrf2) =	vadd.scan.msk.f32 $0xffff, v22;
	v29 =	vpop (erf);
	vm4 =	vnez.u8 v25  }
0x1cd: {  	s18 =	sadd.s32 s4, s24;
	s24 =	spop (v2sf);
	[tilespmem:s21+$0x18900] =	vst.msk vm14, v55;
	v25 =	vimm.s32 $0x0;
	v17 =	vmul.f32 v29, v17;
	vm6 =	vnez.u8 v15  }
0x1ce: {  	s19 =	sadd.s32 $0x40, s19;
	v26 =	vld [tilespmem:s20+$0x10];
	s8 =	spop (v2sf);
	[tilespmem:s21+$0x1AA00] =	vst.msk vm14, v30;
	v57 =	vpop (erf);
	vm13 =	vmmov vm4;
	vm4 =	vmmov vm0;
	vm0 =	vne.s32 v28, v5  }
0x1cf: {  	v36, _, _ =	vpop (xrf2);
	v59 =	vld [tilespmem:s19+$0xFFFFFFF1];
	s8 =	sadd.s32 s7, s8;
	v11 =	vmul.f32 v57, v23;
	(xrf2) =	vadd.scan.msk.f32 $0xffff, v57;
	v25 =	vsel vm4, $0xFFFFFFFF, v25;
	vm4 =	vcmask $0x3F3C  }
0x1d0: {  	v22 =	vld [tilespmem:s0+$0x0];
	s21 =	sadd.s32 s8, s23;
	[tilespmem:$0x1FF40] =	vst v25;
	v25 =	vcvt.s32.f32 v33;
	vm7 =	vmor vm1, vm4;
	vm1 =	vmand vm1, vm6  }
0x1d1: {  	v8 =	vmovc v13;
	v13 =	vld [tilespmem:s19+$0xFFFFFFE1];
	v58 =	vadd.f32 v21, v17;
	[tilespmem:s21+$0x10500] =	vst.msk vm3, v10;
	vm10 =	vmor vm0, vm4;
	v39 =	vsel vm1, $0xFFFFFFFF, v40  }
0x1d2: {  	v24, _, _ =	vpop (xrf0);
	vm0 =	vmand vm0, vm6;
	v56 =	vsel vm7, $0x1, v1;
	v17 =	vadd.f32 v25, v11;
	[tilespmem:$0x1FF60] =	vst v39;
	v25 =	vld [tilespmem:s20+$0x0]  }
0x1d3: {  	v37 =	vsel vm0, $0xFFFFFFFF, v38;
	v15 =	vsel vm10, $0x1, v1;
	(xrf0) =	vadd.scan.msk.s32 $0xffff, v56;
	v11 =	vmovc v12;
	v12 =	vld [tilespmem:s19+$0xFFFFFFF0];
	s20 =	sadd.s32 $0x40, s20;
	[tilespmem:s7+$0x14700] =	vst.msk vm12, v18  }
0x1d4: {  	(v2sf) =	vpush v27, $0xF;
	v10 =	vmov v28;
	v27, _, _ =	vpop (xrf2);
	[tilespmem:$0x1FF50] =	vst v37;
	(xrf0) =	vadd.scan.msk.s32 $0xffff, v15;
	v28 =	vld [tilespmem:s20+$0xFFFFFFF0]  }
0x1d5: {  	v31 =	vsub.f32 $0.0e+00, v35;
	[tilespmem:s8+$0x10500] =	vst.msk vm2, v4;
	v30, _, _ =	vpop (xrf2);
	(xrf2) =	vadd.scan.msk.f32 $0xffff, v17;
	v17 =	vld [tilespmem:$0x1FF80]  }
0x1d6: {  	vm15 =	vmmov vm11;
	[tilespmem:s4+$0x16800] =	vst.msk vm13, v2;
	v60 =	vld [tilespmem:s20+$0xFFFFFFE0]  }
0x1d7: {  	vm14 =	vmmov vm9;
	(v2sf) =	vpush v24, $0xF;
	v23 =	vsel vm0, $0x1, v1;
	v15 =	vld [tilespmem:s19+$0xFFFFFFE0];
	[tilespmem:s4+$0x18900] =	vst.msk vm13, v31  }
0x1d8: {  	v21 =	vsel vm1, $0x1, v1;
	(xrf0) =	vadd.scan.msk.s32 $0xffff, v23;
	[tilespmem:s21+$0x12600] =	vst.msk vm3, v30;
	(erf) = vrcp.f32 v25  }
0x1d9: {  	v4 =	vmov v9;
	v23 =	vsub.f32 $0.0e+00, v27;
	[tilespmem:s21+$0x14700] =	vst.msk vm3, v27;
	v33, _, _ =	vpop (xrf0);
	(xrf0) =	vadd.scan.msk.s32 $0xffff, v21  }
0x1da: {  	v27 =	vsub.f32 $0.0e+00, v30;
	(erf) = vrcp.f32 v26;
	vm0 =	vnez.u8 v17;
	(xrf0) =	vadd.scan.msk.s32 $0xffff, v19;
	v19, _, _ =	vpop (xrf2)  }
0x1db: {  	s22 =	sadd.s32 $0x40, s22;
	v9 =	vld [tilespmem:s19+$0x0];
	v25 =	vsub.f32 $0.0e+00, v36;
	v18, _, _ =	vpop (xrf0);
	(xrf2) =	vadd.scan.msk.f32 $0xffff, v29;
	(erf) = vrcp.f32 v60;
	vm12 =	vmmov vm0  }
0x1dc: {  	p1 =	slt.u32 s22, $0x1FC0;
	s7 =	sadd.s32 s18, s24;
	s24 =	spop (v2sf);
	v2 =	vmovc v6;
	v6 =	vmovc v59;
	v17 =	vld [tilespmem:s19+$0x1];
	v24 =	vsub.f32 $0.0e+00, v19;
	vm0 =	vne.s32 v15, v13;
	(v2sf) =	vpush v18, $0xF;
	[tilespmem:s8+$0x12600] =	vst.msk vm2, v19  }
.Ltmp10:
0x1dd: {  	v18, _, _ =	vpop (xrf2);
	(xrf2) =	vadd.scan.msk.f32 $0xffff, v58;
	vm11 =	vmor vm0, vm4;
	vm9 =	vmand vm0, vm6;
	vm0 =	vne.s32 v12, v59;
	(pc) =	sbr.rel @p1 .LBB2_14-.Ltmp10, $4  }
0x1de: {  	s23 =	sadd.s32 s21, s9;
	s21 =	sadd.s32 s7, s24;
	s24 =	spop (v2sf);
	v21, _, _ =	vpop (xrf0);
	v19 =	vimm.s32 $0x0;
	(v2sf) =	vpush v33, $0xF;
	v31 =	vld [tilespmem:s31+$0x0];
	[tilespmem:s8+$0x14700] =	vst.msk vm2, v36;
	vm1 =	vmor vm0, vm4  }
0x1df: {  	v61 =	vsel vm11, $0x1, v1;
	vm0 =	vmand vm0, vm6;
	[tilespmem:s18+$0x16800] =	vst.msk vm5, v20;
	v19 =	vsel vm1, $0xFFFFFFFF, v19;
	v62, _, _ =	vpop (xrf0)  }
0x1e0: {  	v30 =	vld [tilespmem:s31+$0x10];
	v26 =	vsel vm9, $0x1, v1;
	v32 =	vsel vm0, $0x1, v1;
	[tilespmem:$0x1FF80] =	vst v19;
	v63, _, _ =	vpop (xrf0);
	(v2sf) =	vpush v62, $0xF  }
0x1e1: {  	v29 =	vld [tilespmem:s0+$0x10];
	s0 =	sadd.s32 $0x40, s0;
	v19 =	vsel vm1, $0x1, v1;
	vm1 =	vne.s32 v9, v17;
	(xrf0) =	vadd.scan.msk.s32 $0xffff, v61;
	(v2sf) =	vpush v63, $0xF;
	v20 =	vpop (erf)  }
0x1e2: {  	[tilespmem:s4+$0x1AA00] =	vst.msk vm13, v16  }
0x1e3: {  	[tilespmem:s7+$0x16800] =	vst.msk vm8, v7  }
0x1e4: {  	[tilespmem:s18+$0x18900] =	vst.msk vm5, v24  }
0x1e5: {  	[tilespmem:s23+$0x10500] =	vst.msk vm15, v14  }
0x1e6: {  	v33 =	vpop (erf);
	[tilespmem:s7+$0x18900] =	vst.msk vm8, v27  }
0x1e7: {  	s8 =	spop (v2sf);
	[tilespmem:s7+$0x1AA00] =	vst.msk vm8, v23;
	v23, _, _ =	vpop (xrf2)  }
0x1e8: {  	[tilespmem:s18+$0x1AA00] =	vst.msk vm5, v25;
	s9 =	sadd.s32 s23, s8;
	v46, _, _ =	vpop (xrf2)  }
0x1e9: {  	v43 =	vmul.f32 v33, v30;
	[tilespmem:s9+$0x10500] =	vst.msk vm12, v11;
	v42 =	vcvt.s32.f32 v29;
	v47, _, _ =	vpop (xrf2)  }
0x1ea: {  	(xrf2) =	vadd.scan.msk.f32 $0xffff, v20;
	v22 =	vcvt.s32.f32 v22;
	[tilespmem:s23+$0x12600] =	vst.msk vm15, v47  }
0x1eb: {  	v44 =	vmul.f32 v20, v31;
	v45 =	vadd.f32 v42, v43;
	v14 =	vsub.f32 $0.0e+00, v47;
	[tilespmem:s23+$0x14700] =	vst.msk vm15, v46  }
0x1ec: {  	(xrf2) =	vadd.scan.msk.f32 $0xffff, v33;
	v24 =	vsub.f32 $0.0e+00, v46;
	[tilespmem:s21+$0x16800] =	vst.msk vm14, v8  }
0x1ed: {  	v7 =	vld [tilespmem:s19+$0x11];
	v20 =	vadd.f32 v22, v44;
	(xrf2) =	vadd.scan.msk.f32 $0xffff, v45;
	[tilespmem:s21+$0x18900] =	vst.msk vm14, v14  }
0x1ee: {  	v16 =	vld [tilespmem:s19+$0x10];
	[tilespmem:s21+$0x1AA00] =	vst.msk vm14, v24  }
0x1ef: {  	s18 =	spop (v2sf);
	(xrf2) =	vadd.scan.msk.f32 $0xffff, v20;
	v11 =	vld [tilespmem:$0x1FFF0]  }
0x1f0: {  	s4 =	spop (v2sf)  }
0x1f1: {  	s22 =	spop (v2sf)  }
0x1f2: {  	s23 =	spop (v2sf)  }
0x1f3: {  	vm13 =	vcmask $0x3F3C;
	s7 =	sadd.s32 $0x40, s31;
	vm3 =	vne.s32 v16, v7;
	[tilespmem:s9+$0x12600] =	vst.msk vm12, v23;
	s31 =	spop (v2sf)  }
0x1f4: {  	vm8 =	vmor vm3, vm13;
	[tilespmem:s9+$0x14700] =	vst.msk vm12, v18;
	s9 =	sadd.s32 s9, s31;
	vm4 =	vnez.u8 v11  }
0x1f5: {  	v60, _, _ =	vpop (xrf2);
	s19 =	sadd.s32 s9, s22;
	vm5 =	vmand vm3, vm4;
	vm3 =	vmmov vm7;
	vm7 =	vmmov vm10  }
0x1f6: {  	v33, _, _ =	vpop (xrf2);
	[tilespmem:s19+$0x10500] =	vst.msk vm7, v10  }
0x1f7: {  	v34, _, _ =	vpop (xrf2);
	[tilespmem:s9+$0x10500] =	vst.msk vm3, v4  }
0x1f8: {  	[tilespmem:s19+$0x12600] =	vst.msk vm7, v34  }
0x1f9: {  	v38, _, _ =	vpop (xrf2);
	[tilespmem:s19+$0x14700] =	vst.msk vm7, v33  }
0x1fa: {  	[tilespmem:s9+$0x12600] =	vst.msk vm3, v38  }
0x1fb: {  	[tilespmem:s9+$0x14700] =	vst.msk vm3, v60  }
0x1fc: {  	v43 =	vld [tilespmem:$0x1FF40];
	_ =	sdelay $0x2  }
0x1fd: {  	(erf) = vrcp.f32 v28  }
0x1fe: {  	v48 =	vld [tilespmem:s0+$0xFFFFFFF0]  }
0x1ff: {  	v49 =	vld [tilespmem:s0+$0xFFFFFFE0];
	vm3 =	vnez.u8 v43  }
0x200: {  	v55 =	vld [tilespmem:s20+$0x0];
	v44 =	vsub.f32 $0.0e+00, v23;
	s22 =	sadd.s32 s21, s18;
	vm3 =	vmmov vm3  }
0x201: {  	(xrf0) =	vadd.scan.msk.s32 $0xffff, v32;
	v58 =	vld [tilespmem:s20+$0x10];
	v47 =	vsub.f32 $0.0e+00, v18;
	[tilespmem:s22+$0x16800] =	vst.msk vm3, v2  }
0x202: {  	v51 =	vld [tilespmem:s7+$0xFFFFFFF0];
	[tilespmem:s22+$0x18900] =	vst.msk vm3, v44  }
0x203: {  	(xrf0) =	vadd.scan.msk.s32 $0xffff, v26;
	v59 =	vld [tilespmem:s7+$0xFFFFFFE0];
	[tilespmem:s22+$0x1AA00] =	vst.msk vm3, v47  }
0x204: {  	v54 =	vpop (erf);
	v11 =	vld [tilespmem:$0x1FF50]  }
0x205: {  	vm2 =	vmor vm1, vm13;
	(v2sf) =	vpush v21, $0xF;
	v50, _, _ =	vpop (xrf0);
	v22 =	vcvt.s32.f32 v48  }
0x206: {  	v53 =	vsel vm2, $0x1, v1;
	v36 =	vcvt.s32.f32 v49;
	v56 =	vpop (erf);
	(erf) = vrcp.f32 v55  }
0x207: {  	(xrf0) =	vadd.scan.msk.s32 $0xffff, v53;
	v52, _, _ =	vpop (xrf0);
	v57 =	vsel vm8, $0x1, v1;
	v8 =	vmul.f32 v56, v51;
	(erf) = vrcp.f32 v58  }
0x208: {  	(v2sf) =	vpush v52, $0xF;
	(xrf0) =	vadd.scan.msk.s32 $0xffff, v57;
	v37 =	vmul.f32 v54, v59;
	v61 =	vsel vm5, $0x1, v1  }
0x209: {  	v63, _, _ =	vpop (xrf0);
	v8 =	vadd.f32 v22, v8;
	vm1 =	vmand vm1, vm4;
	s18 =	sadd.s32 s22, s24;
	(xrf0) =	vadd.scan.msk.s32 $0xffff, v61;
	vm3 =	vnez.u8 v11  }
0x20a: {  	v62 =	vsel vm1, $0x1, v1;
	s23 =	sadd.s32 s18, s23;
	(xrf2) =	vadd.scan.msk.f32 $0xffff, v56;
	v10 =	vsub.f32 $0.0e+00, v34;
	vm3 =	vmmov vm3  }
0x20b: {  	(v2sf) =	vpush v50, $0xF;
	v50 =	vsub.f32 $0.0e+00, v33;
	(xrf0) =	vadd.scan.msk.s32 $0xffff, v62;
	[tilespmem:s23+$0x16800] =	vst.msk vm3, v5  }
0x20c: {  	v41 =	vld [tilespmem:s0+$0x10];
	(xrf2) =	vadd.scan.msk.f32 $0xffff, v8;
	[tilespmem:s23+$0x18900] =	vst.msk vm3, v10  }
0x20d: {  	v45 =	vld [tilespmem:s7+$0x10];
	v35, _, _ =	vpop (xrf0);
	(xrf0) =	vadd.scan.msk.s32 $0xffff, v19;
	v19 =	vadd.f32 v36, v37;
	[tilespmem:s23+$0x1AA00] =	vst.msk vm3, v50  }
0x20e: {  	v39, _, _ =	vpop (xrf0);
	(xrf2) =	vadd.scan.msk.f32 $0xffff, v54;
	v10 =	vld [tilespmem:$0x1FF60]  }
0x20f: {  	v49 =	vpop (erf);
	(xrf2) =	vadd.scan.msk.f32 $0xffff, v19  }
0x210: {  	(v2sf) =	vpush v63, $0xF;
	v51 =	vpop (erf)  }
0x211: {  	(v2sf) =	vpush v39, $0xF;
	v40, _, _ =	vpop (xrf0)  }
0x212: {  	v48 =	vld [tilespmem:s7+$0x0];
	v52 =	vcvt.s32.f32 v41;
	(v2sf) =	vpush v35, $0xF;
	v42, _, _ =	vpop (xrf0)  }
0x213: {  	v53 =	vmul.f32 v51, v45;
	v46, _, _ =	vpop (xrf0);
	(v2sf) =	vpush v42, $0xF;
	v2 =	vld [tilespmem:s0+$0x0];
	vm3 =	vnez.u8 v10  }
0x214: {  	(v2sf) =	vpush v46, $0xF;
	vm3 =	vmmov vm3  }
0x215: {  	v54 =	vsub.f32 $0.0e+00, v38;
	[tilespmem:s18+$0x16800] =	vst.msk vm3, v3;
	v3 =	vadd.f32 v52, v53  }
0x216: {  	v55 =	vsub.f32 $0.0e+00, v60;
	v56, _, _ =	vpop (xrf2)  }
0x217: {  	v58 =	vmul.f32 v49, v48;
	(xrf2) =	vadd.scan.msk.f32 $0xffff, v49;
	v57, _, _ =	vpop (xrf2);
	[tilespmem:s18+$0x18900] =	vst.msk vm3, v54  }
0x218: {  	s4 =	sadd.s32 s19, s4;
	(xrf2) =	vadd.scan.msk.f32 $0xffff, v51;
	v59, _, _ =	vpop (xrf2);
	v2 =	vcvt.s32.f32 v2;
	[tilespmem:s18+$0x1AA00] =	vst.msk vm3, v55;
	vm3 =	vmmov vm11  }
0x219: {  	(xrf2) =	vadd.scan.msk.f32 $0xffff, v3;
	[tilespmem:s4+$0x10500] =	vst.msk vm3, v15;
	v3, _, _ =	vpop (xrf2)  }
0x21a: {  	s24 =	spop (v2sf);
	v2 =	vadd.f32 v2, v58;
	[tilespmem:s4+$0x12600] =	vst.msk vm3, v3  }
0x21b: {  	s0 =	sadd.s32 s23, s24;
	v3 =	vsub.f32 $0.0e+00, v3;
	[tilespmem:s4+$0x14700] =	vst.msk vm3, v59;
	vm3 =	vmmov vm9  }
0x21c: {  	(xrf2) =	vadd.scan.msk.f32 $0xffff, v2;
	v2 =	vsub.f32 $0.0e+00, v59;
	[tilespmem:s0+$0x16800] =	vst.msk vm3, v13  }
0x21d: {  	s8 =	spop (v2sf);
	[tilespmem:s0+$0x18900] =	vst.msk vm3, v3  }
0x21e: {  	s31 =	spop (v2sf);
	[tilespmem:s0+$0x1AA00] =	vst.msk vm3, v2  }
0x21f: {  	s18 =	spop (v2sf);
	v2 =	vld [tilespmem:$0x1FF80]  }
0x220: {  	s21 =	spop (v2sf)  }
0x221: {  	s22 =	spop (v2sf)  }
0x222: {  	s23 =	spop (v2sf)  }
0x223: {  	s4 =	sadd.s32 s4, s31;
	s24 =	spop (v2sf)  }
0x224: {  	vm2 =	vmmov vm2;
	s20 =	sadd.s32 s4, s24;
	vm3 =	vnez.u8 v2  }
0x225: {  	[tilespmem:s20+$0x10500] =	vst.msk vm2, v9;
	v2, _, _ =	vpop (xrf2);
	vm3 =	vmmov vm3  }
0x226: {  	v3, _, _ =	vpop (xrf2);
	[tilespmem:s4+$0x10500] =	vst.msk vm3, v12  }
0x227: {  	v60, _, _ =	vpop (xrf2);
	[tilespmem:s4+$0x12600] =	vst.msk vm3, v57  }
0x228: {  	v61, _, _ =	vpop (xrf2);
	[tilespmem:s4+$0x14700] =	vst.msk vm3, v56  }
0x229: {  	(v2sf) =	vpush v40, $0xF;
	s31 =	sadd.s32 s20, s22;
	vm3 =	vmmov vm8;
	[tilespmem:s20+$0x12600] =	vst.msk vm2, v61  }
0x22a: {  	vm0 =	vmmov vm0;
	[tilespmem:s31+$0x10500] =	vst.msk vm3, v16  }
0x22b: {  	vm0 =	vmmov vm0;
	s0 =	sadd.s32 s0, s18;
	[tilespmem:s20+$0x14700] =	vst.msk vm2, v2  }
0x22c: {  	v5 =	vsub.f32 $0.0e+00, v57;
	[tilespmem:s0+$0x16800] =	vst.msk vm0, v6  }
0x22d: {  	[tilespmem:s31+$0x12600] =	vst.msk vm3, v60  }
0x22e: {  	v62 =	vsub.f32 $0.0e+00, v56;
	[tilespmem:s0+$0x18900] =	vst.msk vm0, v5  }
0x22f: {  	s7 =	sadd.s32 s0, s8;
	[tilespmem:s31+$0x14700] =	vst.msk vm3, v3  }
0x230: {  	s19 =	sadd.s32 s7, s23;
	v63 =	vsub.f32 $0.0e+00, v60;
	[tilespmem:s0+$0x1AA00] =	vst.msk vm0, v62;
	vm0 =	vmmov vm5  }
0x231: {  	v3 =	vsub.f32 $0.0e+00, v3;
	[tilespmem:s19+$0x16800] =	vst.msk vm0, v7  }
0x232: {  	[tilespmem:s19+$0x18900] =	vst.msk vm0, v63  }
0x233: {  	[tilespmem:s19+$0x1AA00] =	vst.msk vm0, v3;
	vm0 =	vmmov vm1;
	v3 =	vsub.f32 $0.0e+00, v61  }
0x234: {  	v2 =	vsub.f32 $0.0e+00, v2;
	[tilespmem:s7+$0x16800] =	vst.msk vm0, v17  }
0x235: {  	[tilespmem:s7+$0x18900] =	vst.msk vm0, v3  }
0x236: {  	s4 =	sadd.s32 s31, s21;
	[tilespmem:s7+$0x1AA00] =	vst.msk vm0, v2  }
0x237: {  	[tilespmem:s4+$0x10500] =	vst v1  }
0x238: {  	s20 =	spop (v2sf);
	[tilespmem:s4+$0x12600] =	vst v0  }
0x239: {  	s0 =	sadd.s32 s19, s20;
	[tilespmem:s4+$0x14700] =	vst v0  }
0x23a: {  	[tilespmem:s0+$0x16800] =	vst v1  }
0x23b: {  	[tilespmem:s0+$0x18900] =	vst v0  }
0x23c: {  	[tilespmem:s0+$0x1AA00] =	vst v0  }
0x23d: {  	[tilespmem:s4+$0x10510] =	vst v1  }
0x23e: {  	[tilespmem:s4+$0x12610] =	vst v0  }
0x23f: {  	[tilespmem:s4+$0x14710] =	vst v0  }
0x240: {  	[tilespmem:s0+$0x16810] =	vst v1  }
0x241: {  	[tilespmem:s0+$0x18910] =	vst v0  }
0x242: {  	[tilespmem:s0+$0x1AA10] =	vst v0  }
0x243: {  	[tilespmem:s4+$0x10520] =	vst v1  }
0x244: {  	[tilespmem:s4+$0x12620] =	vst v0  }
0x245: {  	[tilespmem:s4+$0x14720] =	vst v0  }
0x246: {  	[tilespmem:s0+$0x16820] =	vst v1  }
0x247: {  	[tilespmem:s0+$0x18920] =	vst v0  }
0x248: {  	[tilespmem:s0+$0x1AA20] =	vst v0  }
0x249: {  	[tilespmem:s4+$0x10530] =	vst v1  }
0x24a: {  	[tilespmem:s4+$0x12630] =	vst v0  }
0x24b: {  	[tilespmem:s4+$0x14730] =	vst v0  }
0x24c: {  	[tilespmem:s0+$0x16830] =	vst v1  }
0x24d: {  	[tilespmem:s0+$0x18930] =	vst v0  }
0x24e: {  	[tilespmem:s0+$0x1AA30] =	vst v0  }
0x24f: {  	[tilespmem:s4+$0x10540] =	vst v1  }
0x250: {  	[tilespmem:s4+$0x12640] =	vst v0  }
0x251: {  	[tilespmem:s4+$0x14740] =	vst v0  }
0x252: {  	[tilespmem:s0+$0x16840] =	vst v1  }
0x253: {  	[tilespmem:s0+$0x18940] =	vst v0  }
0x254: {  	[tilespmem:s0+$0x1AA40] =	vst v0  }
0x255: {  	[tilespmem:s4+$0x10550] =	vst v1  }
0x256: {  	[tilespmem:s4+$0x12650] =	vst v0  }
0x257: {  	[tilespmem:s4+$0x14750] =	vst v0  }
0x258: {  	[tilespmem:s0+$0x16850] =	vst v1  }
0x259: {  	[tilespmem:s0+$0x18950] =	vst v0  }
0x25a: {  	s21 =	sadd.s32 $0x7F, s4;
	[tilespmem:s0+$0x1AA50] =	vst v0  }
0x25b: {  	s22 =	sand.u32 $0x7F, s21;
	[tilespmem:s4+$0x10560] =	vst v1  }
0x25c: {  	s23 =	sshra.s32 s21, $0x1F;
	p1 =	slt.s32 s21, $0x1;
	p2 =	sne.s32 s22, $0x0;
	[tilespmem:s4+$0x12660] =	vst v0  }
0x25d: {  	s24 =	sshrl.u32 s23, $0x19;
	p1 =	por !p1, !p2;
	[tilespmem:s4+$0x14760] =	vst v0  }
0x25e: {  	s8 =	simm.s32 $0x1;
	p1 =	por !p1, !p1;
	s7 =	sadd.s32 s24, s21;
	[tilespmem:s0+$0x16860] =	vst v1  }
0x25f: {  	s8 =	simm.s32 @!p1 $0x0;
	s31 =	sshra.s32 s7, $0x7;
	[tilespmem:s0+$0x18960] =	vst v0  }
0x260: {  	s8 =	ssub.s32 s31, s8;
	[tilespmem:s0+$0x1AA60] =	vst v0  }
0x261: {  	p1 =	slt.s32 s8, $0x1;
	[tilespmem:s4+$0x10570] =	vst v1  }
.Ltmp11:
0x262: {  	[tilespmem:s4+$0x12670] =	vst v0;
	(pc) =	sbr.rel @p1 .LBB2_19-.Ltmp11, $4  }
0x263: {  	[tilespmem:s4+$0x14770] =	vst v0  }
0x264: {  	[tilespmem:s0+$0x16870] =	vst v1  }
0x265: {  	[tilespmem:s0+$0x18970] =	vst v0  }
0x266: {  	vm8 =	vmmov vm13;
	vm3 =	vmmov vm4;
	[tilespmem:s0+$0x1AA70] =	vst v0  }
0x267: {  	s4 =	simm.s32 $0x12600;
	s7 =	simm.s32 $0x10500  }
0x268: {  	[spmem:s1] =	stream.indirect.scatter.add.f32 [tilespmem:s4], [sflag:$0x2], $0x1, s7, s28, $0xb8;
	[tilespmem:$0x1D300] =	vst v63  }
0x269: {  	s9 =	simm.s32 $0x14700;
	p1 =	sne.s32 s8, $0x1  }
0x26a: {  	[spmem:s2] =	stream.indirect.scatter.add.f32 [tilespmem:s9], [sflag:$0x2], $0x1, s7, s28, $0xb8;
	[tilespmem:$0x1D300] =	vst v63  }
.Ltmp12:
0x26b: {  	_ =	swait.ge [sflag:s29], $0x80;
	(pc) =	sbr.rel @!p1 .LBB2_18-.Ltmp12, $4  }
0x26c: {  	[sflag:s29] =	ssyncset.done $0x0  }
0x26d: {  	[sflag:s29] =	ssyncadd.s32 $0xFFFFFF80  }
0x26e: {  	_ =	swait.ge [sflag:s29], $0x80  }
0x26f: {  	s8 =	sadd.s32 $0xFFFFFFFF, s8;
	s18 =	simm.s32 $0x14780;
	[sflag:s29] =	ssyncset.done $0x0  }
.LBB2_17:
0x270: {  	[sflag:s29] =	ssyncadd.s32 $0xFFFFFF80;
	s4 =	sadd.s32 $0x80, s4;
	s7 =	sadd.s32 $0x80, s7  }
0x271: {  	[spmem:s1] =	stream.indirect.scatter.add.f32 [tilespmem:s4], [sflag:$0x2], $0x1, s7, s28, $0xb8;
	[tilespmem:$0x1D300] =	vst v63  }
0x272: {  	p1 =	sne.s32 s8, $0x1;
	s8 =	sadd.s32 $0xFFFFFFFF, s8  }
0x273: {  	[spmem:s2] =	stream.indirect.scatter.add.f32 [tilespmem:s18], [sflag:$0x2], $0x1, s7, s28, $0xb8;
	[tilespmem:$0x1D300] =	vst v63  }
.Ltmp13:
0x274: {  	_ =	swait.ge [sflag:s29], $0x80;
	(pc) =	sbr.rel @p1 .LBB2_17-.Ltmp13, $4  }
0x275: {  	[sflag:s29] =	ssyncset.done $0x0  }
0x276: {  	[sflag:s29] =	ssyncadd.s32 $0xFFFFFF80  }
0x277: {  	_ =	swait.ge [sflag:s29], $0x80  }
0x278: {  	s18 =	sadd.s32 $0x80, s18;
	[sflag:s29] =	ssyncset.done $0x0  }
.LBB2_18:
0x279: {  	[sflag:s29] =	ssyncadd.s32 $0xFFFFFF80  }
.LBB2_19:
0x27a: {  	s0 =	sadd.s32 $0x7F, s0  }
0x27b: {  	s4 =	sand.u32 $0x7F, s0  }
0x27c: {  	s7 =	sshra.s32 s0, $0x1F;
	p1 =	slt.s32 s0, $0x1;
	p2 =	sne.s32 s4, $0x0  }
0x27d: {  	s31 =	sshrl.u32 s7, $0x19;
	p1 =	por !p1, !p2  }
0x27e: {  	s4 =	simm.s32 $0x1;
	s0 =	sadd.s32 s31, s0;
	p1 =	por !p1, !p1  }
0x27f: {  	s0 =	sshra.s32 s0, $0x7;
	s4 =	simm.s32 @!p1 $0x0  }
0x280: {  	s7 =	ssub.s32 s0, s4  }
0x281: {  	p1 =	slt.s32 s7, $0x1  }
.Ltmp14:
0x282: {  	_ = 	snop;
	(pc) =	sbr.rel @p1 .LBB2_23-.Ltmp14, $1  }
0x283: {  	_ =	sdelay $0x3  }
0x284: {  	s0 =	simm.s32 $0x18900;
	s4 =	simm.s32 $0x16800  }
0x285: {  	[spmem:s1] =	stream.indirect.scatter.add.f32 [tilespmem:s0], [sflag:$0x2], $0x1, s4, s28, $0xb8;
	[tilespmem:$0x1D300] =	vst v63  }
0x286: {  	s8 =	simm.s32 $0x1AA00;
	p1 =	sne.s32 s7, $0x1  }
0x287: {  	[spmem:s2] =	stream.indirect.scatter.add.f32 [tilespmem:s8], [sflag:$0x2], $0x1, s4, s28, $0xb8;
	[tilespmem:$0x1D300] =	vst v63  }
.Ltmp15:
0x288: {  	_ =	swait.ge [sflag:s29], $0x80;
	(pc) =	sbr.rel @!p1 .LBB2_22-.Ltmp15, $4  }
0x289: {  	[sflag:s29] =	ssyncset.done $0x0  }
0x28a: {  	[sflag:s29] =	ssyncadd.s32 $0xFFFFFF80  }
0x28b: {  	_ =	swait.ge [sflag:s29], $0x80  }
0x28c: {  	s7 =	sadd.s32 $0xFFFFFFFF, s7;
	s8 =	simm.s32 $0x1AA80;
	[sflag:s29] =	ssyncset.done $0x0  }
.LBB2_21:
0x28d: {  	[sflag:s29] =	ssyncadd.s32 $0xFFFFFF80;
	s0 =	sadd.s32 $0x80, s0;
	s4 =	sadd.s32 $0x80, s4  }
0x28e: {  	[spmem:s1] =	stream.indirect.scatter.add.f32 [tilespmem:s0], [sflag:$0x2], $0x1, s4, s28, $0xb8;
	[tilespmem:$0x1D300] =	vst v63  }
0x28f: {  	p1 =	sne.s32 s7, $0x1;
	s7 =	sadd.s32 $0xFFFFFFFF, s7  }
0x290: {  	[spmem:s2] =	stream.indirect.scatter.add.f32 [tilespmem:s8], [sflag:$0x2], $0x1, s4, s28, $0xb8;
	[tilespmem:$0x1D300] =	vst v63  }
.Ltmp16:
0x291: {  	_ =	swait.ge [sflag:s29], $0x80;
	(pc) =	sbr.rel @p1 .LBB2_21-.Ltmp16, $4  }
0x292: {  	[sflag:s29] =	ssyncset.done $0x0  }
0x293: {  	[sflag:s29] =	ssyncadd.s32 $0xFFFFFF80  }
0x294: {  	_ =	swait.ge [sflag:s29], $0x80  }
0x295: {  	s8 =	sadd.s32 $0x80, s8;
	[sflag:s29] =	ssyncset.done $0x0  }
.Ltmp17:
0x296: {  	_ = 	snop;
	(pc) =	sbr.rel .LBB2_22-.Ltmp17, $1  }
0x297: {  	_ =	sdelay $0x3  }
.LBB2_24:
0x298: {  	_ =	sfence.sel $0x180000  }
0x299: {  	[bflag:$0x0] =	sbarrier.arrive $0xFFFF  }
0x29a: {  	_ =	strace $0x90000047  }
0x29b: {  	s0 =	stileid.u32;
	[bflag:$0x2] =	sbarrier.arrive $0xFFFF  }
0x29c: {  	p0 =	sne.s32 s0, $0x0;
	s0 =	rddreg [dreg:$0x6]  }
0x29d: {  	s0 =	sadd.s32 @!p0 $0x100000, s0  }
0x29e: {  	[sflag:s0] =	ssyncadd.tile.s32 @!p0 $0x1;
	_ =	shalt  }
.Lfunc_end2:
_tile_overlayer_lowered:
.L_overlay_start_2:
0x29f: {  	(tag) =	ssettag $0x2  }
0x2a0: {  	s0 =	rddreg [dreg:$0x0];
	s2 =	stileid.u32  }
0x2a1: {  	s1 =	rddreg [dreg:$0x1];
	p0 =	sne.s32 s2, $0x0  }
0x2a2: {  	s3 =	rddreg [dreg:$0x2];
	[bflag:$0x3] =	sbarrier.arrive $0xFFFF;
	s2 =	simm.s32 @!p0 $0x1C04  }
0x2a3: {  	[timem:s3], [sflag:s2] =	dma.local @!p0 [hbm:s0], s1  }
0x2a4: {  	s0 =	simm.s32 @!p0 $0x4  }
0x2a5: {  	_ =	swait.ge @!p0 [sflag:s0], s1  }
0x2a6: {  	s1 =	ssub.s32 @!p0 $0x0, s1;
	[sflag:s0] =	ssyncset.done @!p0 $0x0  }
0x2a7: {  	[sflag:s0] =	ssyncadd.s32 @!p0 s1  }
0x2a8: {  	[bflag:$0x3] =	sbarrier.arrive $0xFFFF  }
0x2a9: {  	_ =	shalt  }

// kernel: kernel.7.cloned.1.call-start
scs
__scs_entry_jumppad:
0x0: {  	(pc) =	sbr.rel $0x88, $3  }
0x1: {  	(tag) =	ssettag $0x0;
	lr =	simm.s32 $0x1  }
0x2: {  	[smem:$0x3F9E] =	sst lr;
	_ =	strace $0xD0000000  }
0x3: {  	_ = 	snop  }
0x4: {  	_ = 	snop  }
0x5: {  	_ = 	snop  }
0x6: {  	_ = 	snop  }
0x7: {  	_ = 	snop  }
__scs_overlays_trampoline_lowered:
0x8: {  	[smem:$0x3FAD] =	sst s0  }
0x9: {  	[smem:$0x3FAE] =	sst s1  }
0xa: {  	[smem:$0x3FAF] =	sst s2  }
0xb: {  	[smem:$0x3FB0] =	sst s3  }
0xc: {  	[smem:$0x3FB1] =	sst s4  }
0xd: {  	[smem:$0x3FB2] =	sst s5  }
0xe: {  	[smem:$0x3FB3] =	sst s6  }
0xf: {  	[smem:$0x3FB4] =	sst s7  }
0x10: {  	[smem:$0x3FB5] =	sst s8  }
0x11: {  	[smem:$0x3FB6] =	sst s9;
	s0 =	simm.s32 @!p0 $0x0  }
0x12: {  	s1 =	sld [smem:$0x3F9C];
	s0 =	simm.s32 @p0 $0x1  }
0x13: {  	[smem:$0x3FB7] =	sst s0;
	s0 =	simm.s32 @!p1 $0x0  }
0x14: {  	s2 =	sld [smem:$0x3F9B];
	s0 =	simm.s32 @p1 $0x1  }
0x15: {  	[smem:$0x3FB8] =	sst s0;
	s0 =	simm.s32 @!p2 $0x0  }
0x16: {  	s3 =	sld [smem:$0x3FDB];
	s0 =	simm.s32 @p2 $0x1  }
0x17: {  	s4 =	simm.s32 $0x1BF5;
	[smem:$0x3FBA] =	sst s0  }
0x18: {  	s0 =	sld [smem:$0x3F9D];
	_ =	swait.ge [sflag:s4], $0x0  }
0x19: {  	s7 =	sld [smem:$0x3F9E]  }
0x1a: {  	s8 =	sadd.s32 $0xFFFFE003, lr  }
0x1b: {  	s9 =	sadd.s32 $0xFFFFFEF7, lr;
	s5 =	simm.s32 $0xFFFFFFFF;
	p2 =	slt.u32 s8, $0xFFFFF086  }
0x1c: {  	p1 =	slt.u32 s9, $0xF7A;
	s5 =	simm.s32 @!p2 $0x0  }
0x1d: {  	s5 =	simm.s32 @p1 $0x1;
	p0 =	seq.s32 s7, s2  }
0x1e: {  	s7 =	smul.u32 @!p0 $0xF7A, s2;
	p2 =	seq.s32 @!p0 s5, $0x0  }
0x1f: {  	s9 =	smul.u32 $0xF7A, s1;
	s8 =	simm.s32 @!p0 $0x1BF5;
	p2 =	por !p2, p0  }
0x20: {  	[sflag:s8] =	ssyncset.s32 @!p0 $0xFFFFF086;
	s6 =	sadd.s32 @!p0 s3, s7;
	s7 =	simm.s32 @!p0 $0x108  }
0x21: {  	s3 =	sadd.s32 s3, s9;
	s6 =	sadd.s32 @!p0 $0x88, s6;
	s7 =	simm.s32 @p2 $0x1082  }
0x22: {  	[simem:s7], [sflag:s8] =	dma.local @!p0 [hbm:s6], $0xF7A  }
0x23: {  	s9 =	sor.u32 $0xD0000000, s2;
	s6 =	simm.s32 $0x108;
	_ =	swait.ge @!p0 [sflag:s8], $0x0  }
0x24: {  	s3 =	sadd.s32 $0x88, s3;
	s6 =	simm.s32 @!p1 $0x1082;
	[sflag:s4] =	ssyncset.s32 $0xFFFFF086  }
0x25: {  	[simem:s6], [sflag:s4] =	dma.local [hbm:s3], $0xF7A  }
0x26: {  	[smem:$0x3F9E] =	sst s1;
	(tag) =	ssettag s2;
	_ =	strace s9  }
0x27: {  	s1 =	sld [smem:$0x3FAE]  }
0x28: {  	s2 =	sld [smem:$0x3FAF]  }
0x29: {  	s4 =	sld [smem:$0x3FB1]  }
0x2a: {  	p0 =	seq.s32 s5, $0x0;
	s5 =	sld [smem:$0x3FB2]  }
0x2b: {  	s6 =	sld [smem:$0x3FB3]  }
0x2c: {  	s7 =	sld [smem:$0x3FB4]  }
0x2d: {  	s3 =	simm.s32 $0x108;
	s8 =	sld [smem:$0x3FB5]  }
0x2e: {  	s3 =	simm.s32 @!p0 $0x1082;
	s9 =	sld [smem:$0x3FB6]  }
0x2f: {  	lr =	sadd.s32 s0, s3;
	s0 =	sld [smem:$0x3FAD]  }
0x30: {  	s3 =	sld [smem:$0x3FB0]  }
0x31: {  	[smem:$0x3FB9] =	sst s10  }
0x32: {  	s10 =	sld [smem:$0x3FB7];
	_ =	sdelay $0x3  }
0x33: {  	p0 =	seq.s32 s10, $0x1;
	s10 =	sld [smem:$0x3FB9];
	_ =	sdelay $0x3  }
0x34: {  	[smem:$0x3FB9] =	sst s10  }
0x35: {  	s10 =	sld [smem:$0x3FB8];
	_ =	sdelay $0x3  }
0x36: {  	p1 =	seq.s32 s10, $0x1;
	s10 =	sld [smem:$0x3FB9];
	_ =	sdelay $0x3  }
0x37: {  	[smem:$0x3FB9] =	sst s10  }
0x38: {  	s10 =	sld [smem:$0x3FBA]  }
0x39: {  	_ = 	snop;
	(pc) =	sbr.ind lr, $3  }
0x3a: {  	_ = 	snop  }
0x3b: {  	_ = 	snop  }
0x3c: {  	p2 =	seq.s32 s10, $0x1;
	s10 =	sld [smem:$0x3FB9]  }
0x3d: {  	_ =	shalt  }
0x3e: {  	_ =	shalt  }
0x3f: {  	_ =	shalt  }
0x40: {  	_ =	shalt  }
0x41: {  	_ =	shalt  }
0x42: {  	_ =	shalt  }
0x43: {  	_ =	shalt  }
0x44: {  	_ =	shalt  }
0x45: {  	_ =	shalt  }
0x46: {  	_ =	shalt  }
0x47: {  	_ =	shalt  }
0x48: {  	_ =	shalt  }
0x49: {  	_ =	shalt  }
0x4a: {  	_ =	shalt  }
0x4b: {  	_ =	shalt  }
0x4c: {  	_ =	shalt  }
0x4d: {  	_ =	shalt  }
0x4e: {  	_ =	shalt  }
0x4f: {  	_ =	shalt  }
0x50: {  	_ =	shalt  }
0x51: {  	_ =	shalt  }
0x52: {  	_ =	shalt  }
0x53: {  	_ =	shalt  }
0x54: {  	_ =	shalt  }
0x55: {  	_ =	shalt  }
0x56: {  	_ =	shalt  }
0x57: {  	_ =	shalt  }
0x58: {  	_ =	shalt  }
0x59: {  	_ =	shalt  }
0x5a: {  	_ =	shalt  }
0x5b: {  	_ =	shalt  }
0x5c: {  	_ =	shalt  }
0x5d: {  	_ =	shalt  }
0x5e: {  	_ =	shalt  }
0x5f: {  	_ =	shalt  }
0x60: {  	_ =	shalt  }
0x61: {  	_ =	shalt  }
0x62: {  	_ =	shalt  }
0x63: {  	_ =	shalt  }
0x64: {  	_ =	shalt  }
0x65: {  	_ =	shalt  }
0x66: {  	_ =	shalt  }
0x67: {  	_ =	shalt  }
0x68: {  	_ =	shalt  }
0x69: {  	_ =	shalt  }
0x6a: {  	_ =	shalt  }
0x6b: {  	_ =	shalt  }
0x6c: {  	_ =	shalt  }
0x6d: {  	_ =	shalt  }
0x6e: {  	_ =	shalt  }
0x6f: {  	_ =	shalt  }
0x70: {  	_ =	shalt  }
0x71: {  	_ =	shalt  }
0x72: {  	_ =	shalt  }
0x73: {  	_ =	shalt  }
0x74: {  	_ =	shalt  }
0x75: {  	_ =	shalt  }
0x76: {  	_ =	shalt  }
0x77: {  	_ =	shalt  }
0x78: {  	_ =	shalt  }
0x79: {  	_ =	shalt  }
0x7a: {  	_ =	shalt  }
0x7b: {  	_ =	shalt  }
0x7c: {  	_ =	shalt  }
0x7d: {  	_ =	shalt  }
0x7e: {  	_ =	shalt  }
0x7f: {  	_ =	shalt  }
0x80: {  	_ =	shalt  }
0x81: {  	_ =	shalt  }
0x82: {  	_ =	shalt  }
0x83: {  	_ =	shalt  }
0x84: {  	_ =	shalt  }
0x85: {  	_ =	shalt  }
0x86: {  	_ =	shalt  }
0x87: {  	_ =	shalt  }
.Lfunc_end0:
.L_simem_size_0:
called_computation.1_lowered:
.L_overlay_start_0:
0x88: {  	s2 =	sld [smem:$0x3FD9]  }
0x89: {  	s3 =	sld [smem:$0x3FFE];
	_ =	sdelay $0x1  }
0x8a: {  	s1 =	srdreg.scid  }
0x8b: {  	s0 =	sand.u32 $0x1, s1  }
0x8c: {  	s17 =	sshll.u32 s0, $0xA;
	s2 =	sadd.s32 s3, s2  }
0x8d: {  	s2 =	sadd.s32 s2, s17  }
0x8e: {  	[smem:$0x3FC5] =	sst s2  }
0x8f: {  	_ = 	snop  }
0x90: {  	s2 =	sld [smem:$0x3FC7]  }
0x91: {  	s18 =	sld [smem:$0x3FD0];
	(tm) =	ssettm $0x1  }
0x92: {  	s4 =	sld [smem:$0x3FFB];
	_ =	sdelay $0x3  }
0x93: {  	_ =	strace s4  }
0x94: {  	s4 =	sld [smem:$0x3FFC];
	_ =	sdelay $0x3  }
0x95: {  	_ =	strace s4  }
0x96: {  	s4 =	sld [smem:$0x3FFD];
	_ =	sdelay $0x3  }
0x97: {  	_ =	strace s4  }
0x98: {  	_ =	strace $0x8FFFFFFF  }
0x99: {  	s19 =	sld [smem:$0x3FDB];
	_ =	sdelay $0x1  }
0x9a: {  	s5 =	simm.s32 $_scs_section_size  }
0x9b: {  	s6 =	simm.s32 $_size__tile_overlayer_lowered;
	s7 =	simm.s32 $_tile_overlayer_lowered  }
0x9c: {  	s22 =	simm.s32 $0x1BFF;
	s21 =	sshll.u32 s7, $0x1;
	s4 =	sadd.s32 s5, s19  }
0x9d: {  	s8 =	simm.s32 $0x0;
	s20 =	sshll.u32 s6, $0x1;
	s6 =	sadd.s32 s21, s4  }
0x9e: {  	[timem:s8], [sflag:s22] =	dma.local [hbm:s6], s20  }
0x9f: {  	_ =	swait.ge [sflag:s22], s20  }
0xa0: {  	s5 =	ssub.s32 $0x0, s20;
	[sflag:s22] =	ssyncset.done $0x0  }
0xa1: {  	[sflag:s22] =	ssyncadd.s32 s5;
	_ =	sdelay $0x1  }
0xa2: {  	s23 =	simm.s32 $0x1B8B  }
0xa3: {  	_ =	swait.ge [sflag:s23], $0x1  }
0xa4: {  	[sflag:s23] =	ssyncset.done $0x0  }
0xa5: {  	s25 =	simm.s32 $0x1B8E;
	s24 =	sld [smem:$0x3FFE];
	[sflag:s23] =	ssyncadd.s32 $0xFFFFFFFF  }
0xa6: {  	s26 =	simm.s32 $execute0_lowered;
	[smem:$0x3FD2] =	sst s25  }
0xa7: {  	s6 =	sshll.u32 s26, $0x1;
	_ =	strace $0x80000049;
	[dreg:$0x1] =	wrdreg $0xFFFFFFFF  }
0xa8: {  	s28 =	simm.s32 $_size_execute0_lowered;
	s4 =	sadd.s32 s4, s6;
	[dreg:$0x0] =	wrdreg $0x0  }
0xa9: {  	s6 =	sshll.u32 s28, $0x1;
	[dreg:$0x2] =	wrdreg s4  }
0xaa: {  	[dreg:$0x3] =	wrdreg s6  }
0xab: {  	[dreg:$0x4] =	wrdreg $0xC0  }
0xac: {  	_ =	task [dreg:s8], $0x5FFFF  }
0xad: {  	[dreg:$0x1] =	wrdreg $0xFFFFFFFF  }
0xae: {  	[dreg:$0x0] =	wrdreg $0x60  }
0xaf: {  	[dreg:$0x2] =	wrdreg s24  }
0xb0: {  	[dreg:$0x3] =	wrdreg s2  }
0xb1: {  	[dreg:$0x4] =	wrdreg s18  }
0xb2: {  	[dreg:$0x5] =	wrdreg $0x9  }
0xb3: {  	_ =	task.clear_ibuf [dreg:s8], $0x6FFFF;
	_ =	strace $0x90000049  }
0xb4: {  	s29 =	simm.s32 $0x9;
	_ =	strace $0x8000004B  }
0xb5: {  	_ =	swait.ge [sflag:s29], $0x1  }
0xb6: {  	[sflag:s29] =	ssyncadd.s32 $0xFFFFFFFF  }
0xb7: {  	_ =	strace $0x9000004B  }
0xb8: {  	_ =	sfence  }
0xb9: {  	s30 =	sld [smem:$0x0];
	_ =	sdelay $0x2  }
0xba: {  	s31 =	sshll.u32 s1, $0xD;
	s1 =	sshrl.u32 s1, $0x2  }
0xbb: {  	s3 =	sand.u32 $0x4000, s31;
	s1 =	sadd.s32 s1, s30  }
0xbc: {  	s0 =	sor.u32 s3, s0;
	s1 =	sshll.u32 s1, $0x11  }
0xbd: {  	s0 =	sor.u32 s1, s0  }
0xbe: {  	s0 =	sadd.s32 $0x8F2B, s0  }
0xbf: {  	[sflag:s0] =	ssyncadd.remote.s32 $0x1  }
0xc0: {  	_ =	sfence.sel $0xFFFF  }
0xc1: {  	[dreg:$0x0] =	wrdreg $0xFFFFFFFF;
	(pc) =	sbr.abs _section_cstart, $3  }
0xc2: {  	[dreg:$0x1] =	wrdreg $0xFFFFFFFF  }
0xc3: {  	_ =	task.clear_ibuf [dreg:s8], $0x2FFFF;
	_ =	strace $0x9FFFFFFF  }
0xc4: {  	(tm) =	ssettm $0x7FFFFFFF  }
0xc5: {  	_ =	shalt  }
tec
execute0_lowered:
.L_overlay_start_1:
0x0: {  	(tag) =	ssettag $0x1  }
0x1: {  	s3 =	rddreg [dreg:$0x0]  }
0x2: {  	s7 =	rddreg [dreg:$0x1]  }
0x3: {  	s5 =	rddreg [dreg:$0x2]  }
0x4: {  	s0 =	rddreg [dreg:$0x3];
	s4 =	srdreg.scid  }
0x5: {  	s2 =	simm.s32 $0x0;
	s1 =	stileid.u32;
	s10 =	simm.s32 $0x4000  }
0x6: {  	s11 =	simm.s32 $0x8000;
	s12 =	simm.s32 $0xC000;
	s13 =	simm.s32 $0x1  }
0x7: {  	s14 =	simm.s32 $0x10000;
	s15 =	simm.s32 $0x12000;
	s16 =	simm.s32 $0x2  }
0x8: {  	s17 =	simm.s32 $0x0;
	s4 =	sand.u32 $0x1, s4;
	[smem:$0x7FF] =	sst s2  }
0x9: {  	s6 =	sshll.u32 s1, $0xC;
	s8 =	sshll.u32 s4, $0xB;
	s4 =	ssub.s32 $0x2, s4  }
0xa: {  	_ =	strace $0x8000004A;
	s8 =	sor.u32 s8, s6;
	s9 =	sshrl.u32 s4, $0x1  }
0xb: {  	s6 =	sadd.s32 s8, s3;
	s3 =	sadd.s32 $0x21E00, s3;
	s9 =	ssub.s32 s4, s9  }
0xc: {  	s5 =	sadd.s32 s5, s8;
	s7 =	sadd.s32 s7, s8;
	s4 =	sadd.s32 $0x10E00, s6  }
0xd: {  	s6 =	sadd.s32 $0xE00, s6;
	s8 =	sadd.s32 $0x400, s5;
	s9 =	smax.u32 s9, $0x1  }
.LBB2_1:
0xe: {  	[tilespmem:s2], [sflag:$0x1] =	stream.linear.gather [hbm4b:s3+s2], $0x4000, $0x38;
	[tilespmem:$0x14000] =	vst v63  }
0xf: {  	_ = 	snop  }
0x10: {  	[tilespmem:s10], [sflag:$0x1] =	stream.linear.gather [hbm4b:s4+s2], $0x4000, $0x38;
	[tilespmem:$0x14000] =	vst v63  }
0x11: {  	_ = 	snop  }
0x12: {  	[tilespmem:s11], [sflag:$0x1] =	stream.linear.gather [hbm4b:s6+s2], $0x4000, $0x38;
	[tilespmem:$0x14000] =	vst v63  }
0x13: {  	_ = 	snop  }
0x14: {  	[tilespmem:s12], [sflag:$0x1] =	stream.linear.gather [hbm4b:s7+s2], $0x4000, $0x38;
	[tilespmem:$0x14000] =	vst v63  }
0x15: {  	_ =	swait.ge [sflag:s13], $0x4000  }
0x16: {  	[sflag:s13] =	ssyncset.done $0x0  }
0x17: {  	[sflag:s13] =	ssyncadd.s32 $0xFFFFC000  }
0x18: {  	_ =	swait.ge [sflag:s13], $0x4000  }
0x19: {  	[sflag:s13] =	ssyncset.done $0x0  }
0x1a: {  	[sflag:s13] =	ssyncadd.s32 $0xFFFFC000  }
0x1b: {  	_ =	swait.ge [sflag:s13], $0x4000  }
0x1c: {  	[sflag:s13] =	ssyncset.done $0x0  }
0x1d: {  	[sflag:s13] =	ssyncadd.s32 $0xFFFFC000  }
0x1e: {  	_ =	swait.ge [sflag:s13], $0x4000  }
0x1f: {  	[sflag:s13] =	ssyncset.done $0x0  }
0x20: {  	s19 =	simm.s32 $0x8040;
	[sflag:s13] =	ssyncadd.s32 $0xFFFFC000  }
0x21: {  	s18 =	simm.s32 $0xC040;
	v0 =	vld [tilespmem:s19+$0x30]  }
0x22: {  	v1 =	vld [tilespmem:s18+$0x30]  }
0x23: {  	v2 =	vld [tilespmem:s19+$0xFFFFFFC0]  }
0x24: {  	v3 =	vld [tilespmem:s19+$0xFFFFFFD0]  }
0x25: {  	v4 =	vld [tilespmem:s19+$0xFFFFFFE0]  }
0x26: {  	v5 =	vld [tilespmem:s19+$0xFFFFFFF0]  }
0x27: {  	v6 =	vld [tilespmem:s19+$0x0]  }
0x28: {  	v7 =	vld [tilespmem:s19+$0x10]  }
0x29: {  	v8 =	vld [tilespmem:s19+$0x20]  }
0x2a: {  	v10 =	vld [tilespmem:s18+$0xFFFFFFC0]  }
0x2b: {  	v11 =	vld [tilespmem:s18+$0xFFFFFFD0]  }
0x2c: {  	s19 =	simm.s32 $0x4040;
	v12 =	vld [tilespmem:s18+$0xFFFFFFE0]  }
0x2d: {  	v9 =	vld [tilespmem:s19+$0x30]  }
0x2e: {  	v18 =	vld [tilespmem:s19+$0xFFFFFFE0]  }
0x2f: {  	(erf) = vrcp.f32 v0;
	v0 =	vld [tilespmem:s18+$0xFFFFFFF0]  }
0x30: {  	(erf) = vrcp.f32 v2;
	v2 =	vld [tilespmem:s18+$0x0]  }
0x31: {  	(erf) = vrcp.f32 v3;
	v3 =	vld [tilespmem:s18+$0x10]  }
0x32: {  	v1 =	vld.idx.msk [tilespmem:v1+s2+$0x0], $0xffff  }
0x33: {  	(erf) = vrcp.f32 v4;
	v4 =	vld [tilespmem:s18+$0x20]  }
0x34: {  	(erf) = vrcp.f32 v5;
	v5 =	vld [tilespmem:s19+$0xFFFFFFD0]  }
0x35: {  	(erf) = vrcp.f32 v6;
	v6 =	vld.idx.msk [tilespmem:v10+s2+$0x0], $0xffff  }
0x36: {  	(erf) = vrcp.f32 v7;
	v7 =	vld.idx.msk [tilespmem:v11+s2+$0x0], $0xffff  }
0x37: {  	(erf) = vrcp.f32 v8;
	v8 =	vld.idx.msk [tilespmem:v12+s2+$0x0], $0xffff  }
0x38: {  	v12 =	vld.idx.msk [tilespmem:v0+s2+$0x0], $0xffff  }
0x39: {  	v10 =	vpop (erf);
	v14 =	vld.idx.msk [tilespmem:v2+s2+$0x0], $0xffff  }
0x3a: {  	v0 =	vpop (erf);
	v15 =	vld.idx.msk [tilespmem:v3+s2+$0x0], $0xffff  }
0x3b: {  	v3 =	vpop (erf);
	v17 =	vld.idx.msk [tilespmem:v4+s2+$0x0], $0xffff;
	v4 =	vmul.f32 v10, v9  }
0x3c: {  	v1 =	vmul.f32 v1, v10;
	v16 =	vpop (erf);
	v5 =	vmul.f32 v3, v5  }
0x3d: {  	v9 =	vld [tilespmem:s19+$0xFFFFFFF0];
	v7 =	vmul.f32 v7, v3;
	v2 =	vpop (erf)  }
0x3e: {  	v11 =	vld [tilespmem:s19+$0x0];
	v19 =	vsub.f32 v1, v4;
	v1 =	vmul.f32 v6, v0;
	v3 =	vpop (erf)  }
0x3f: {  	s20 =	simm.s32 $0x10040;
	v13 =	vld [tilespmem:s19+$0x10];
	v10 =	vmul.f32 v8, v16;
	v16 =	vmul.f32 v16, v18;
	v7 =	vsub.f32 v7, v5;
	v4 =	vpop (erf)  }
0x40: {  	v12 =	vmul.f32 v12, v2;
	[tilespmem:s20+$0x30] =	vst v19;
	v8 =	vmul.f32 v14, v3;
	v14 =	vld [tilespmem:s19+$0x20];
	v5 =	vpop (erf)  }
0x41: {  	s21 =	simm.s32 $0x0;
	s22 =	simm.s32 $0x80C0;
	v6 =	vmul.f32 v15, v4;
	[tilespmem:s20+$0xFFFFFFD0] =	vst v7;
	v15 =	vld [tilespmem:s19+$0xFFFFFFC0];
	v7 =	vmul.f32 v17, v5  }
.LBB2_2:
0x42: {  	v17 =	vld [tilespmem:s22+$0x30];
	s21 =	sadd.s32 $0x80, s21;
	v2 =	vmul.f32 v2, v9;
	s18 =	sadd.s32 $0x80, s18  }
0x43: {  	v9 =	vld [tilespmem:s18+$0x30];
	p0 =	slt.u32 s21, $0x1F80;
	v10 =	vsub.f32 v10, v16;
	v3 =	vmul.f32 v3, v11  }
0x44: {  	v11 =	vld [tilespmem:s22+$0xFFFFFFC0];
	v2 =	vsub.f32 v12, v2;
	v4 =	vmul.f32 v4, v13  }
0x45: {  	v12 =	vld [tilespmem:s22+$0xFFFFFFD0];
	[tilespmem:s20+$0xFFFFFFE0] =	vst v10;
	v3 =	vsub.f32 v8, v3;
	v5 =	vmul.f32 v5, v14  }
0x46: {  	v8 =	vld [tilespmem:s22+$0xFFFFFFE0];
	v0 =	vmul.f32 v0, v15;
	[tilespmem:s20+$0xFFFFFFF0] =	vst v2;
	v2 =	vsub.f32 v6, v4  }
0x47: {  	v4 =	vld [tilespmem:s22+$0xFFFFFFF0];
	(erf) = vrcp.f32 v17;
	[tilespmem:s20+$0x0] =	vst v3;
	v3 =	vsub.f32 v7, v5  }
0x48: {  	v5 =	vld [tilespmem:s22+$0x0];
	v0 =	vsub.f32 v1, v0;
	[tilespmem:s20+$0x10] =	vst v2  }
0x49: {  	v1 =	vld [tilespmem:s22+$0x10];
	(erf) = vrcp.f32 v11;
	[tilespmem:s20+$0x20] =	vst v3  }
0x4a: {  	v2 =	vld [tilespmem:s22+$0x20];
	(erf) = vrcp.f32 v12;
	[tilespmem:s20+$0xFFFFFFC0] =	vst v0  }
0x4b: {  	s19 =	sadd.s32 $0x80, s19;
	v0 =	vld.idx.msk [tilespmem:v9+s2+$0x0], $0xffff;
	(erf) = vrcp.f32 v8  }
0x4c: {  	v3 =	vld [tilespmem:s19+$0x30];
	(erf) = vrcp.f32 v4  }
0x4d: {  	v4 =	vld [tilespmem:s18+$0xFFFFFFC0];
	(erf) = vrcp.f32 v5  }
0x4e: {  	v5 =	vld [tilespmem:s18+$0xFFFFFFD0];
	(erf) = vrcp.f32 v1  }
0x4f: {  	v1 =	vld [tilespmem:s18+$0xFFFFFFE0];
	(erf) = vrcp.f32 v2  }
0x50: {  	v6 =	vld [tilespmem:s18+$0xFFFFFFF0];
	v2 =	vpop (erf)  }
0x51: {  	v7 =	vld [tilespmem:s18+$0x0];
	v11 =	vmul.f32 v0, v2;
	v2 =	vmul.f32 v2, v3  }
0x52: {  	v9 =	vld [tilespmem:s18+$0x10];
	v0 =	vpop (erf)  }
0x53: {  	v10 =	vld [tilespmem:s18+$0x20];
	v14 =	vsub.f32 v11, v2;
	v8 =	vpop (erf)  }
0x54: {  	s20 =	sadd.s32 $0x80, s20;
	v11 =	vld [tilespmem:s19+$0xFFFFFFD0];
	v16 =	vpop (erf)  }
0x55: {  	v12 =	vld.idx.msk [tilespmem:v4+s2+$0x0], $0xffff;
	[tilespmem:s20+$0x30] =	vst v14;
	v2 =	vpop (erf)  }
0x56: {  	v13 =	vld.idx.msk [tilespmem:v5+s2+$0x0], $0xffff;
	v3 =	vpop (erf)  }
0x57: {  	v14 =	vld.idx.msk [tilespmem:v1+s2+$0x0], $0xffff;
	v4 =	vpop (erf)  }
0x58: {  	v6 =	vld.idx.msk [tilespmem:v6+s2+$0x0], $0xffff;
	v5 =	vpop (erf)  }
0x59: {  	v11 =	vmul.f32 v8, v11;
	v7 =	vld.idx.msk [tilespmem:v7+s2+$0x0], $0xffff  }
0x5a: {  	v15 =	vld.idx.msk [tilespmem:v9+s2+$0x0], $0xffff  }
0x5b: {  	v1 =	vmul.f32 v12, v0;
	v17 =	vld.idx.msk [tilespmem:v10+s2+$0x0], $0xffff  }
0x5c: {  	v8 =	vmul.f32 v13, v8;
	v18 =	vld [tilespmem:s19+$0xFFFFFFE0]  }
.Ltmp0:
0x5d: {  	v10 =	vmul.f32 v14, v16;
	v9 =	vld [tilespmem:s19+$0xFFFFFFF0];
	(pc) =	sbr.rel @p0 .LBB2_2-.Ltmp0, $4  }
0x5e: {  	v14 =	vsub.f32 v8, v11;
	v12 =	vmul.f32 v6, v2;
	v11 =	vld [tilespmem:s19+$0x0]  }
0x5f: {  	v8 =	vmul.f32 v7, v3;
	v13 =	vld [tilespmem:s19+$0x10]  }
0x60: {  	v6 =	vmul.f32 v15, v4;
	[tilespmem:s20+$0xFFFFFFD0] =	vst v14;
	v14 =	vld [tilespmem:s19+$0x20]  }
0x61: {  	s22 =	sadd.s32 $0x80, s22;
	v7 =	vmul.f32 v17, v5;
	v15 =	vld [tilespmem:s19+$0xFFFFFFC0];
	v16 =	vmul.f32 v16, v18  }
0x62: {  	v2 =	vmul.f32 v2, v9  }
0x63: {  	v9 =	vsub.f32 v10, v16;
	v3 =	vmul.f32 v3, v11  }
0x64: {  	v2 =	vsub.f32 v12, v2;
	v4 =	vmul.f32 v4, v13  }
0x65: {  	[tilespmem:s20+$0xFFFFFFE0] =	vst v9;
	v3 =	vsub.f32 v8, v3;
	v5 =	vmul.f32 v5, v14  }
0x66: {  	v0 =	vmul.f32 v0, v15;
	[tilespmem:s20+$0xFFFFFFF0] =	vst v2;
	v2 =	vsub.f32 v6, v4  }
0x67: {  	[tilespmem:s20+$0x0] =	vst v3;
	v3 =	vsub.f32 v7, v5  }
0x68: {  	v0 =	vsub.f32 v1, v0;
	[tilespmem:s20+$0x10] =	vst v2  }
0x69: {  	[tilespmem:s20+$0x20] =	vst v3  }
0x6a: {  	s19 =	simm.s32 $0xA070;
	[tilespmem:s20+$0xFFFFFFC0] =	vst v0  }
0x6b: {  	[hbm4b:s5+s2] =	stream.linear.scatter [tilespmem:s14], [sflag:$0x2], $0x2000, $0x38;
	[tilespmem:$0x14000] =	vst v63  }
0x6c: {  	s18 =	simm.s32 $0xE070;
	v0 =	vld [tilespmem:s19+$0x0]  }
0x6d: {  	v1 =	vld [tilespmem:s18+$0x0]  }
0x6e: {  	v2 =	vld [tilespmem:s19+$0xFFFFFF90]  }
0x6f: {  	v3 =	vld [tilespmem:s19+$0xFFFFFFA0]  }
0x70: {  	v4 =	vld [tilespmem:s19+$0xFFFFFFB0]  }
0x71: {  	v5 =	vld [tilespmem:s19+$0xFFFFFFC0]  }
0x72: {  	v6 =	vld [tilespmem:s19+$0xFFFFFFD0]  }
0x73: {  	v7 =	vld [tilespmem:s19+$0xFFFFFFE0]  }
0x74: {  	v8 =	vld [tilespmem:s19+$0xFFFFFFF0]  }
0x75: {  	v10 =	vld [tilespmem:s18+$0xFFFFFF90]  }
0x76: {  	v11 =	vld [tilespmem:s18+$0xFFFFFFA0]  }
0x77: {  	s19 =	simm.s32 $0x6070;
	v12 =	vld [tilespmem:s18+$0xFFFFFFB0]  }
0x78: {  	v9 =	vld [tilespmem:s19+$0x0]  }
0x79: {  	v18 =	vld [tilespmem:s19+$0xFFFFFFB0]  }
0x7a: {  	(erf) = vrcp.f32 v0;
	v0 =	vld [tilespmem:s18+$0xFFFFFFC0]  }
0x7b: {  	(erf) = vrcp.f32 v2;
	v2 =	vld [tilespmem:s18+$0xFFFFFFD0]  }
0x7c: {  	(erf) = vrcp.f32 v3;
	v3 =	vld [tilespmem:s18+$0xFFFFFFE0]  }
0x7d: {  	v1 =	vld.idx.msk [tilespmem:v1+s2+$0x0], $0xffff  }
0x7e: {  	(erf) = vrcp.f32 v4;
	v4 =	vld [tilespmem:s18+$0xFFFFFFF0]  }
0x7f: {  	(erf) = vrcp.f32 v5;
	v5 =	vld [tilespmem:s19+$0xFFFFFFA0]  }
0x80: {  	(erf) = vrcp.f32 v6;
	v6 =	vld.idx.msk [tilespmem:v10+s2+$0x0], $0xffff  }
0x81: {  	(erf) = vrcp.f32 v7;
	v7 =	vld.idx.msk [tilespmem:v11+s2+$0x0], $0xffff  }
0x82: {  	(erf) = vrcp.f32 v8;
	v8 =	vld.idx.msk [tilespmem:v12+s2+$0x0], $0xffff  }
0x83: {  	v12 =	vld.idx.msk [tilespmem:v0+s2+$0x0], $0xffff  }
0x84: {  	v10 =	vpop (erf);
	v14 =	vld.idx.msk [tilespmem:v2+s2+$0x0], $0xffff  }
0x85: {  	v0 =	vpop (erf);
	v15 =	vld.idx.msk [tilespmem:v3+s2+$0x0], $0xffff  }
0x86: {  	v3 =	vpop (erf);
	v17 =	vld.idx.msk [tilespmem:v4+s2+$0x0], $0xffff;
	v4 =	vmul.f32 v10, v9  }
0x87: {  	v1 =	vmul.f32 v1, v10;
	v16 =	vpop (erf);
	v5 =	vmul.f32 v3, v5  }
0x88: {  	v9 =	vld [tilespmem:s19+$0xFFFFFFC0];
	v7 =	vmul.f32 v7, v3;
	v2 =	vpop (erf)  }
0x89: {  	v11 =	vld [tilespmem:s19+$0xFFFFFFD0];
	v19 =	vsub.f32 v1, v4;
	v1 =	vmul.f32 v6, v0;
	v3 =	vpop (erf)  }
0x8a: {  	s20 =	simm.s32 $0x12040;
	v13 =	vld [tilespmem:s19+$0xFFFFFFE0];
	v10 =	vmul.f32 v8, v16;
	v16 =	vmul.f32 v16, v18;
	v7 =	vsub.f32 v7, v5;
	v4 =	vpop (erf)  }
0x8b: {  	v12 =	vmul.f32 v12, v2;
	[tilespmem:s20+$0x30] =	vst v19;
	v8 =	vmul.f32 v14, v3;
	v14 =	vld [tilespmem:s19+$0xFFFFFFF0];
	v5 =	vpop (erf)  }
0x8c: {  	s21 =	simm.s32 $0x0;
	s22 =	simm.s32 $0xA0F0;
	v6 =	vmul.f32 v15, v4;
	[tilespmem:s20+$0xFFFFFFD0] =	vst v7;
	v15 =	vld [tilespmem:s19+$0xFFFFFF90];
	v7 =	vmul.f32 v17, v5  }
.LBB2_4:
0x8d: {  	v17 =	vld [tilespmem:s22+$0x0];
	s21 =	sadd.s32 $0x80, s21;
	v2 =	vmul.f32 v2, v9;
	s18 =	sadd.s32 $0x80, s18  }
0x8e: {  	v9 =	vld [tilespmem:s18+$0x0];
	p0 =	slt.u32 s21, $0x1F80;
	v10 =	vsub.f32 v10, v16;
	v3 =	vmul.f32 v3, v11  }
0x8f: {  	v11 =	vld [tilespmem:s22+$0xFFFFFF90];
	v2 =	vsub.f32 v12, v2;
	v4 =	vmul.f32 v4, v13  }
0x90: {  	v12 =	vld [tilespmem:s22+$0xFFFFFFA0];
	[tilespmem:s20+$0xFFFFFFE0] =	vst v10;
	v3 =	vsub.f32 v8, v3;
	v5 =	vmul.f32 v5, v14  }
0x91: {  	v8 =	vld [tilespmem:s22+$0xFFFFFFB0];
	v0 =	vmul.f32 v0, v15;
	[tilespmem:s20+$0xFFFFFFF0] =	vst v2;
	v2 =	vsub.f32 v6, v4  }
0x92: {  	v4 =	vld [tilespmem:s22+$0xFFFFFFC0];
	(erf) = vrcp.f32 v17;
	[tilespmem:s20+$0x0] =	vst v3;
	v3 =	vsub.f32 v7, v5  }
0x93: {  	v5 =	vld [tilespmem:s22+$0xFFFFFFD0];
	v0 =	vsub.f32 v1, v0;
	[tilespmem:s20+$0x10] =	vst v2  }
0x94: {  	v1 =	vld [tilespmem:s22+$0xFFFFFFE0];
	(erf) = vrcp.f32 v11;
	[tilespmem:s20+$0x20] =	vst v3  }
0x95: {  	v2 =	vld [tilespmem:s22+$0xFFFFFFF0];
	(erf) = vrcp.f32 v12;
	[tilespmem:s20+$0xFFFFFFC0] =	vst v0  }
0x96: {  	s19 =	sadd.s32 $0x80, s19;
	v0 =	vld.idx.msk [tilespmem:v9+s2+$0x0], $0xffff;
	(erf) = vrcp.f32 v8  }
0x97: {  	v3 =	vld [tilespmem:s19+$0x0];
	(erf) = vrcp.f32 v4  }
0x98: {  	v4 =	vld [tilespmem:s18+$0xFFFFFF90];
	(erf) = vrcp.f32 v5  }
0x99: {  	v5 =	vld [tilespmem:s18+$0xFFFFFFA0];
	(erf) = vrcp.f32 v1  }
0x9a: {  	v1 =	vld [tilespmem:s18+$0xFFFFFFB0];
	(erf) = vrcp.f32 v2  }
0x9b: {  	v6 =	vld [tilespmem:s18+$0xFFFFFFC0];
	v2 =	vpop (erf)  }
0x9c: {  	v7 =	vld [tilespmem:s18+$0xFFFFFFD0];
	v11 =	vmul.f32 v0, v2;
	v2 =	vmul.f32 v2, v3  }
0x9d: {  	v9 =	vld [tilespmem:s18+$0xFFFFFFE0];
	v0 =	vpop (erf)  }
0x9e: {  	v10 =	vld [tilespmem:s18+$0xFFFFFFF0];
	v14 =	vsub.f32 v11, v2;
	v8 =	vpop (erf)  }
0x9f: {  	s20 =	sadd.s32 $0x80, s20;
	v11 =	vld [tilespmem:s19+$0xFFFFFFA0];
	v16 =	vpop (erf)  }
0xa0: {  	v12 =	vld.idx.msk [tilespmem:v4+s2+$0x0], $0xffff;
	[tilespmem:s20+$0x30] =	vst v14;
	v2 =	vpop (erf)  }
0xa1: {  	v13 =	vld.idx.msk [tilespmem:v5+s2+$0x0], $0xffff;
	v3 =	vpop (erf)  }
0xa2: {  	v14 =	vld.idx.msk [tilespmem:v1+s2+$0x0], $0xffff;
	v4 =	vpop (erf)  }
0xa3: {  	v6 =	vld.idx.msk [tilespmem:v6+s2+$0x0], $0xffff;
	v5 =	vpop (erf)  }
0xa4: {  	v11 =	vmul.f32 v8, v11;
	v7 =	vld.idx.msk [tilespmem:v7+s2+$0x0], $0xffff  }
0xa5: {  	v15 =	vld.idx.msk [tilespmem:v9+s2+$0x0], $0xffff  }
0xa6: {  	v1 =	vmul.f32 v12, v0;
	v17 =	vld.idx.msk [tilespmem:v10+s2+$0x0], $0xffff  }
0xa7: {  	v8 =	vmul.f32 v13, v8;
	v18 =	vld [tilespmem:s19+$0xFFFFFFB0]  }
.Ltmp1:
0xa8: {  	v10 =	vmul.f32 v14, v16;
	v9 =	vld [tilespmem:s19+$0xFFFFFFC0];
	(pc) =	sbr.rel @p0 .LBB2_4-.Ltmp1, $4  }
0xa9: {  	v14 =	vsub.f32 v8, v11;
	v12 =	vmul.f32 v6, v2;
	v11 =	vld [tilespmem:s19+$0xFFFFFFD0]  }
0xaa: {  	v8 =	vmul.f32 v7, v3;
	v13 =	vld [tilespmem:s19+$0xFFFFFFE0]  }
0xab: {  	v6 =	vmul.f32 v15, v4;
	[tilespmem:s20+$0xFFFFFFD0] =	vst v14;
	v14 =	vld [tilespmem:s19+$0xFFFFFFF0]  }
0xac: {  	s22 =	sadd.s32 $0x80, s22;
	v7 =	vmul.f32 v17, v5;
	v15 =	vld [tilespmem:s19+$0xFFFFFF90];
	v16 =	vmul.f32 v16, v18  }
0xad: {  	v2 =	vmul.f32 v2, v9  }
0xae: {  	v61 =	vsub.f32 v10, v16;
	v3 =	vmul.f32 v3, v11  }
0xaf: {  	v2 =	vsub.f32 v12, v2;
	v4 =	vmul.f32 v4, v13  }
0xb0: {  	[tilespmem:s20+$0xFFFFFFE0] =	vst v61;
	v3 =	vsub.f32 v8, v3;
	v5 =	vmul.f32 v5, v14  }
0xb1: {  	v0 =	vmul.f32 v0, v15;
	[tilespmem:s20+$0xFFFFFFF0] =	vst v2;
	v62 =	vsub.f32 v6, v4  }
0xb2: {  	[tilespmem:s20+$0x0] =	vst v3;
	v63 =	vsub.f32 v7, v5  }
0xb3: {  	v0 =	vsub.f32 v1, v0;
	[tilespmem:s20+$0x10] =	vst v62  }
0xb4: {  	[tilespmem:s20+$0x20] =	vst v63  }
0xb5: {  	s17 =	sadd.s32 $0x1, s17;
	[tilespmem:s20+$0xFFFFFFC0] =	vst v0  }
0xb6: {  	[hbm4b:s8+s2] =	stream.linear.scatter [tilespmem:s15], [sflag:$0x2], $0x2000, $0x38;
	[tilespmem:$0x14000] =	vst v63  }
0xb7: {  	p0 =	sne.s32 s17, s9;
	_ =	swait.ge [sflag:s16], $0x2000  }
.Ltmp2:
0xb8: {  	[sflag:s16] =	ssyncset.done $0x0;
	(pc) =	sbr.rel @p0 .LBB2_1-.Ltmp2, $4  }
0xb9: {  	[sflag:s16] =	ssyncadd.s32 $0xFFFFE000  }
0xba: {  	_ =	swait.ge [sflag:s16], $0x2000  }
0xbb: {  	[sflag:s16] =	ssyncset.done $0x0  }
0xbc: {  	[sflag:s16] =	ssyncadd.s32 $0xFFFFE000  }
0xbd: {  	_ =	sfence.sel $0x180000  }
0xbe: {  	[bflag:$0x0] =	sbarrier.arrive $0xFFFF  }
0xbf: {  	p0 =	sne.s32 s1, $0x0;
	_ =	strace $0x9000004A  }
0xc0: {  	s0 =	sadd.s32 @!p0 $0x100000, s0;
	[bflag:$0x2] =	sbarrier.arrive $0xFFFF  }
0xc1: {  	[sflag:s0] =	ssyncadd.tile.s32 @!p0 $0x1;
	_ =	shalt  }
.Lfunc_end2:
_tile_overlayer_lowered:
.L_overlay_start_2:
0xc2: {  	(tag) =	ssettag $0x2  }
0xc3: {  	s0 =	rddreg [dreg:$0x0];
	s2 =	stileid.u32  }
0xc4: {  	s1 =	rddreg [dreg:$0x1];
	p0 =	sne.s32 s2, $0x0  }
0xc5: {  	s3 =	rddreg [dreg:$0x2];
	[bflag:$0x3] =	sbarrier.arrive $0xFFFF;
	s2 =	simm.s32 @!p0 $0x1C03  }
0xc6: {  	[timem:s3], [sflag:s2] =	dma.local @!p0 [hbm:s0], s1  }
0xc7: {  	s0 =	simm.s32 @!p0 $0x3  }
0xc8: {  	_ =	swait.ge @!p0 [sflag:s0], s1  }
0xc9: {  	s1 =	ssub.s32 @!p0 $0x0, s1;
	[sflag:s0] =	ssyncset.done @!p0 $0x0  }
0xca: {  	[sflag:s0] =	ssyncadd.s32 @!p0 s1  }
0xcb: {  	[bflag:$0x3] =	sbarrier.arrive $0xFFFF  }
0xcc: {  	_ =	shalt  }

</sc_bundles>
